<compile_context>
chip_gen: v7x
topology: tpu7x:2x2x1
jax: 0.10.2.dev20260603
libtpu: 0.0.44.dev20260713+nightly
codegen_flags: <defaults>
</compile_context>

<pallas_src>
import dataclasses
import functools

import jax
import jax.numpy as jnp
from jax import lax
from jax.experimental import pallas as pl
from jax.experimental.pallas import tpu as pltpu
from jax.experimental.pallas import tpu_sc as plsc

E = 3200000
G = 512
A = 2048
V = 10000
VP = 10112
PT = 0.5
EPS = 0.05
ALPHA = 1.0
BASE = 10.0
TBONUS = 1.0
ILLEGAL = 1e-08
LP = 0.9
PF1P = 1.0


def _final_math_kernel(stats_ref, hit_ref, ag_ref, ptr_lo_ref, ptr_hi_ref,
                       reached_ref, rs_ref, rf_ref,
                       reward_o, recall_o, success_o, zeros_o, fallback_o,
                       pos_p_o, pos_r_o, pos_f1_o, ans_p_o, ans_r_o, ans_f1_o,
                       path_p_o, path_r_o, path_f1_o, has_gt_o, pfh_o,
                       rpt_o, sem_o):
    selected_total = stats_ref[0:1, :]
    pos_total = stats_ref[1:2, :]
    selected_pos = stats_ref[2:3, :]
    path_total = stats_ref[3:4, :]
    path_hits = stats_ref[4:5, :]
    sel_scores_sum = stats_ref[5:6, :]

    def prf(hits, pred, tgt):
        z = jnp.zeros_like(hits)
        p = jnp.where(pred > 0, hits / jnp.clip(pred, 1.0), z)
        r = jnp.where(tgt > 0, hits / jnp.clip(tgt, 1.0), z)
        f1 = jnp.where(p + r > 0, 2.0 * p * r / jnp.clip(p + r, 1e-08), z)
        return p, r, f1

    fallback = (selected_total == 0).astype(jnp.float32)
    pos_p, pos_r, pos_f1 = prf(selected_pos, selected_total, pos_total)
    label_recall = jnp.where(pos_total > 0,
                             selected_pos / jnp.clip(pos_total, 1.0),
                             jnp.zeros_like(selected_pos))

    onehot = (ag_ref[...] == lax.broadcasted_iota(jnp.int32, (A, G), 1))
    hits = jnp.dot(hit_ref[...].astype(jnp.bfloat16),
                   onehot.astype(jnp.bfloat16),
                   preferred_element_type=jnp.float32)
    ans_counts = (ptr_hi_ref[...] - ptr_lo_ref[...]).astype(jnp.float32)
    reached_total = reached_ref[...]
    ans_p, ans_r, ans_f1 = prf(hits, reached_total, ans_counts)
    has_answers = ans_counts > 0
    recall = jnp.where(has_answers, ans_r, label_recall)

    path_p, path_r, path_f1 = prf(path_hits, selected_total, path_total)
    has_gt_path = path_total > 0
    path_full_hit = jnp.logical_and(has_gt_path, path_hits >= path_total)
    recall = jnp.where(has_gt_path, path_r, recall)
    success = rs_ref[...] > 0.5
    any_path = jnp.any(has_gt_path)
    success = jnp.logical_and(
        success, jnp.logical_or(jnp.logical_not(any_path), path_full_hit))
    rf = rf_ref[...]
    connectivity = jnp.clip(rf + EPS, 1e-06)
    semantic_mean = jnp.clip(
        jnp.where(selected_total > 0,
                  sel_scores_sum / jnp.clip(selected_total, 1.0),
                  jnp.zeros_like(sel_scores_sum)), 1e-08, 1.0)
    semantic_score = semantic_mean ** ALPHA
    reward_path_term = jnp.full_like(selected_total, LP) ** selected_total
    path_term = jnp.ones_like(reward_path_term)
    path_term = jnp.where(jnp.logical_and(any_path, has_gt_path),
                          jnp.clip(path_f1, 0.001) ** PF1P, path_term)
    reward = jnp.where(success,
                       BASE * reward_path_term * path_term * semantic_score
                       * connectivity,
                       jnp.full_like(connectivity, ILLEGAL))
    reward = jnp.where(jnp.logical_and(any_path, path_full_hit),
                       reward * (1.0 + TBONUS), reward)
    reward = jnp.clip(reward, ILLEGAL)

    reward_o[...] = reward
    recall_o[...] = recall
    success_o[...] = success.astype(jnp.float32)
    zeros_o[...] = jnp.zeros_like(recall)
    fallback_o[...] = fallback
    pos_p_o[...] = pos_p
    pos_r_o[...] = pos_r
    pos_f1_o[...] = pos_f1
    ans_p_o[...] = ans_p
    ans_r_o[...] = ans_r
    ans_f1_o[...] = ans_f1
    path_p_o[...] = path_p
    path_r_o[...] = path_r
    path_f1_o[...] = path_f1
    has_gt_o[...] = has_gt_path.astype(jnp.float32)
    pfh_o[...] = path_full_hit.astype(jnp.float32)
    rpt_o[...] = reward_path_term
    sem_o[...] = semantic_score


def _final_math(stats, answer_hit, ans_graph2d, ptr_lo, ptr_hi, reached_total,
                rs_f, rf):
    o = jax.ShapeDtypeStruct((1, G), jnp.float32)
    return pl.pallas_call(
        _final_math_kernel,
        out_shape=[o] * 18,
    )(stats, answer_hit, ans_graph2d, ptr_lo, ptr_hi, reached_total, rs_f, rf)


NC = 2
NS = 16
NW = NC * NS
GPW = G // NW
BLK = 8192
NROW = BLK // 128
T = G * VP


def _sc_compiler_params():
    cp = pltpu.CompilerParams()
    if "needs_layout_passes" in pltpu.CompilerParams.__dataclass_fields__:
        cp = dataclasses.replace(cp, needs_layout_passes=False)
    return cp


def _sc_main(tl, hd, sel_f, lab, sco, pth, start520):
    mesh = plsc.VectorSubcoreMesh(core_axis_name="c", subcore_axis_name="s")

    @functools.partial(
        pl.kernel,
        out_type=[jax.ShapeDtypeStruct((NW, 8, 16), jnp.float32),
                  jax.ShapeDtypeStruct((T,), jnp.float32)],
        mesh=mesh,
        scratch_types=[
            pltpu.VMEM((520,), jnp.int32),
            pltpu.VMEM((BLK,), jnp.int32),
            pltpu.VMEM((BLK,), jnp.int32),
            pltpu.VMEM((BLK,), jnp.float32),
            pltpu.VMEM((BLK,), jnp.float32),
            pltpu.VMEM((BLK,), jnp.float32),
            pltpu.VMEM((BLK,), jnp.float32),
            pltpu.VMEM((VP,), jnp.float32),
            pltpu.VMEM((8, 16), jnp.float32),
            pltpu.SemaphoreType.DMA,
            pltpu.SemaphoreType.DMA,
            pltpu.SemaphoreType.DMA,
        ],
        compiler_params=_sc_compiler_params())
    def k(tl_h, hd_h, sel_h, lab_h, sco_h, pth_h, st_h,
          seg_o, table_o,
          startv, b_tl, b_hd, b_sel, b_lab, b_sco, b_pth, rowbuf, stage,
          sem_in, sem_t, sem_out):
        wid = lax.axis_index("s") * NC + lax.axis_index("c")
        g0 = wid * GPW
        lane = lax.iota(jnp.int32, 16)
        zero16 = jnp.zeros((16,), jnp.float32)
        one16 = jnp.full((16,), 1.0, jnp.float32)

        pltpu.async_copy(st_h, startv, sem_in).wait()

        def graph_body(j, rows):
            g = g0 + j
            iv = jnp.where(lane < 8, g, g + 1)
            sv = plsc.load_gather(startv, [iv])
            es = jnp.max(jnp.where(lane < 8, sv, 0))
            ee = jnp.max(jnp.where(lane >= 8, sv, 0))
            es8 = (es // 8) * 8
            nst = (ee - es8 + BLK - 1) // BLK

            @pl.loop(0, VP // 16)
            def _(i):
                rowbuf[pl.ds(i * 16, 16)] = zero16

            def block(i, sums):
                off = pl.multiple_of(jnp.minimum(es8 + i * BLK, E - BLK), 8)
                cps = [
                    pltpu.async_copy(tl_h.at[pl.ds(off, BLK)], b_tl, sem_in),
                    pltpu.async_copy(hd_h.at[pl.ds(off, BLK)], b_hd, sem_in),
                    pltpu.async_copy(sel_h.at[pl.ds(off, BLK)], b_sel, sem_in),
                    pltpu.async_copy(lab_h.at[pl.ds(off, BLK)], b_lab, sem_in),
                    pltpu.async_copy(sco_h.at[pl.ds(off, BLK)], b_sco, sem_in),
                    pltpu.async_copy(pth_h.at[pl.ds(off, BLK)], b_pth, sem_in),
                ]
                for c in cps:
                    c.wait()

                def row(j2, sums):
                    s0, s1, s2, s3, s4, s5 = sums
                    for m in range(8):
                        base = j2 * 128 + m * 16
                        gi = off + base + lane
                        m_in = jnp.logical_and(gi >= es, gi < ee)
                        selb = b_sel[pl.ds(base, 16)] > 0.0
                        msel = jnp.logical_and(m_in, selb)
                        plsc.store_scatter(rowbuf, [b_tl[pl.ds(base, 16)]],
                                           one16, mask=msel)
                        plsc.store_scatter(rowbuf, [b_hd[pl.ds(base, 16)]],
                                           one16, mask=msel)
                        pos_v = (b_lab[pl.ds(base, 16)] > PT
                                 ).astype(jnp.float32)
                        eff_v = jnp.clip(b_sco[pl.ds(base, 16)], 1e-08, 1.0)
                        pth_v = b_pth[pl.ds(base, 16)]
                        m_in_f = m_in.astype(jnp.float32)
                        msel_f = msel.astype(jnp.float32)
                        s0 = s0 + msel_f
                        s1 = s1 + m_in_f * pos_v
                        s2 = s2 + msel_f * pos_v
                        s3 = s3 + m_in_f * pth_v
                        s4 = s4 + msel_f * pth_v
                        s5 = s5 + msel_f * eff_v
                    return (s0, s1, s2, s3, s4, s5)

                return pl.loop(0, NROW, init_carry=sums, unroll=2)(row)

            sums = lax.fori_loop(0, nst, block, (zero16,) * 6)
            pltpu.async_copy(
                rowbuf,
                table_o.at[pl.ds(pl.multiple_of(g * VP, 8), VP)],
                sem_t).wait()
            return tuple(
                jnp.where(lane == j, jnp.sum(s), r)
                for s, r in zip(sums, rows))

        rows = pl.loop(0, GPW, init_carry=(zero16,) * 6)(graph_body)
        for s in range(6):
            stage[s, :] = rows[s]
        pltpu.async_copy(stage, seg_o.at[wid], sem_out).wait()

    return k(tl, hd, sel_f, lab, sco, pth, start520)


def _sc_gather(table, aidx):
    mesh = plsc.VectorSubcoreMesh(core_axis_name="c", subcore_axis_name="s")
    apw = A // NW

    @functools.partial(
        pl.kernel,
        out_type=jax.ShapeDtypeStruct((A,), jnp.float32),
        mesh=mesh,
        scratch_types=[pltpu.VMEM((apw,), jnp.int32),
                       pltpu.VMEM((apw,), jnp.float32),
                       pltpu.SemaphoreType.DMA],
        compiler_params=_sc_compiler_params())
    def k(tab_h, ai_h, out_h, ai_v, hit_v, sem):
        wid = lax.axis_index("s") * NC + lax.axis_index("c")
        base = wid * apw
        pltpu.async_copy(ai_h.at[pl.ds(base, apw)], ai_v, sem).wait()
        pltpu.async_copy(tab_h.at[ai_v], hit_v, sem).wait()
        pltpu.async_copy(hit_v, out_h.at[pl.ds(base, apw)], sem).wait()

    return k(table, aidx)


def _rowsum_kernel(t_ref, o_ref):
    o_ref[...] = jnp.sum(t_ref[...], axis=1, keepdims=True)


def _table_rowsum(table2d):
    return pl.pallas_call(
        _rowsum_kernel,
        grid=(G // 64,),
        in_specs=[pl.BlockSpec((64, VP), lambda i: (i, 0))],
        out_specs=pl.BlockSpec((64, 1), lambda i: (i, 0)),
        out_shape=jax.ShapeDtypeStruct((G, 1), jnp.float32),
    )(table2d)


def kernel(selected_mask, edge_labels, edge_scores, edge_batch, edge_heads,
           edge_tails, answer_entity_ids, answer_ptr, path_mask, path_exists,
           reach_success, reach_fraction):
    sel_f = selected_mask.astype(jnp.float32)
    path_f = path_mask.astype(jnp.float32)
    eb = edge_batch.astype(jnp.int32)

    start = jnp.searchsorted(eb, jnp.arange(G + 1), side="left"
                             ).astype(jnp.int32)
    start520 = jnp.pad(start, (0, 520 - (G + 1)))

    seg_out, table = _sc_main(edge_tails.astype(jnp.int32),
                              edge_heads.astype(jnp.int32), sel_f,
                              edge_labels, edge_scores, path_f, start520)
    stats = jnp.transpose(seg_out, (1, 0, 2)).reshape(8, G)

    ans_graph = jnp.clip(
        jnp.searchsorted(answer_ptr, jnp.arange(A), side="right") - 1, 0, G - 1
    ).astype(jnp.int32)
    aidx = ans_graph * VP + answer_entity_ids.astype(jnp.int32)
    answer_hit = _sc_gather(table, aidx).reshape(1, A)
    table2d = table.reshape(G, VP)

    reached_total = _table_rowsum(table2d).reshape(1, G)
    outs = _final_math(
        stats,
        answer_hit,
        ans_graph.reshape(A, 1),
        answer_ptr[:-1].reshape(1, G).astype(jnp.int32),
        answer_ptr[1:].reshape(1, G).astype(jnp.int32),
        reached_total,
        reach_success.astype(jnp.float32).reshape(1, G),
        reach_fraction.astype(jnp.float32).reshape(1, G),
    )
    (reward, recall, success_f, zeros, fallback, pos_p, pos_r, pos_f1, ans_p,
     ans_r, ans_f1, path_p, path_r, path_f1, has_gt_f, pfh_f, rpt,
     sem) = [o.reshape(G) for o in outs]
    rf = reach_fraction.astype(jnp.float32)
    return (reward, recall, success_f, zeros, fallback, pos_p, pos_r, pos_f1,
            ans_p, ans_r, ans_f1, path_p, path_r, path_f1,
            has_gt_f.astype(bool), pfh_f, rf, path_exists, rf, rpt, sem)

# --- scband reference (transcript-rebuilt; emitter-appended) ---
"""Pipeline reference for scband-system1-guided-reward-15144054686268 (READ-ONLY COPY).

The authoritative reference and input builder live on the scoring server;
editing this copy changes nothing except your own understanding.
"""

import jax, jax.numpy as jnp
import numpy as np
from jax.ops import segment_sum

E = 3200000
G = 512
A = 2048
V = 10000
PT = 0.5
EPS = 0.05
ALPHA = 1.0
BASE = 10.0
TBONUS = 1.0
ILLEGAL = 1e-08
LP = 0.9
PF1P = 1.0


def setup_inputs(seed: int = 0):
    key = jax.random.key(seed)
    ks = jax.random.split(key, 12)
    return {
        "selected_mask": jax.random.randint(ks[0], (E,), 0, 2) > 0,
        "edge_labels": jax.random.uniform(ks[1], (E,), dtype=jnp.float32),
        "edge_scores": jax.random.uniform(ks[2], (E,), dtype=jnp.float32),
        "edge_batch": jnp.sort(jax.random.randint(ks[3], (E,), 0, G)),
        "edge_heads": jax.random.randint(ks[4], (E,), 0, V),
        "edge_tails": jax.random.randint(ks[5], (E,), 0, V),
        "answer_entity_ids": jax.random.randint(ks[6], (A,), 0, V),
        "answer_ptr": jnp.sort(jax.random.randint(ks[7], (G + 1,), 0, A)),
        "path_mask": jax.random.randint(ks[8], (E,), 0, 2) > 0,
        "path_exists": jax.random.randint(ks[9], (G,), 0, 2) > 0,
        "reach_success": jax.random.randint(ks[10], (G,), 0, 2) > 0,
        "reach_fraction": jax.random.uniform(ks[11], (G,), dtype=jnp.float32),
    }


def _prf(hits, pred, tgt):
    z = jnp.zeros_like(hits)
    p = jnp.where(pred > 0, hits / jnp.clip(pred, 1.0), z)
    r = jnp.where(tgt > 0, hits / jnp.clip(tgt, 1.0), z)
    f1 = jnp.where(p + r > 0, 2.0 * p * r / jnp.clip(p + r, 1e-08), z)
    return p, r, f1


def _seg(w, edge_batch):
    return segment_sum(w, edge_batch, num_segments=G, indices_are_sorted=True)


def reference(selected_mask, edge_labels, edge_scores, edge_batch, edge_heads, edge_tails, answer_entity_ids, answer_ptr, path_mask, path_exists, reach_success, reach_fraction):
    sel_f = selected_mask.astype(jnp.float32)
    selected_total = _seg(sel_f, edge_batch)
    fallback = (selected_total == 0).astype(jnp.float32)
    pos_mask = edge_labels > PT
    pos_total = _seg(pos_mask.astype(jnp.float32), edge_batch)
    selected_pos = _seg(jnp.logical_and(selected_mask, pos_mask).astype(jnp.float32), edge_batch)
    pos_p, pos_r, pos_f1 = _prf(selected_pos, selected_total, pos_total)
    label_recall = jnp.where(pos_total > 0, selected_pos / jnp.clip(pos_total, 1.0), jnp.zeros_like(selected_pos))
    # answer metrics (flat): per-graph reached-entity table via scatter-max
    sel_i = selected_mask.astype(jnp.int32)
    reached = jnp.zeros((G, V), dtype=jnp.int32)
    reached = reached.at[edge_batch, edge_tails].max(sel_i)
    reached = reached.at[edge_batch, edge_heads].max(sel_i)
    ans_counts = (answer_ptr[1:] - answer_ptr[:-1]).astype(jnp.float32)
    ans_graph = jnp.clip(jnp.searchsorted(answer_ptr, jnp.arange(A), side="right") - 1, 0, G - 1)
    answer_hit = reached[ans_graph, answer_entity_ids].astype(jnp.float32)
    hits = segment_sum(answer_hit, ans_graph, num_segments=G, indices_are_sorted=True)
    reached_total = reached.sum(axis=1).astype(jnp.float32)
    ans_p, ans_r, ans_f1 = _prf(hits, reached_total, ans_counts)
    has_answers = ans_counts > 0
    contains_answer = hits > 0
    recall = jnp.where(has_answers, ans_r, label_recall)
    # path metrics
    path_total = _seg(path_mask.astype(jnp.float32), edge_batch)
    path_hits = _seg(jnp.logical_and(selected_mask, path_mask).astype(jnp.float32), edge_batch)
    path_p, path_r, path_f1 = _prf(path_hits, selected_total, path_total)
    has_gt_path = path_total > 0
    path_full_hit = jnp.logical_and(has_gt_path, path_hits >= path_total)
    recall = jnp.where(has_gt_path, path_r, recall)
    success = reach_success.astype(bool)
    any_path = jnp.any(has_gt_path)
    success = jnp.where(any_path, jnp.logical_and(success, path_full_hit), success)
    rf = reach_fraction.astype(jnp.float32)
    connectivity = jnp.clip(rf + EPS, 1e-06)
    eff = jnp.clip(edge_scores, 1e-08, 1.0)
    sel_scores_sum = _seg(eff * sel_f, edge_batch)
    semantic_mean = jnp.clip(jnp.where(selected_total > 0, sel_scores_sum / jnp.clip(selected_total, 1.0), jnp.zeros_like(sel_scores_sum)), 1e-08, 1.0)
    semantic_score = semantic_mean ** ALPHA
    reward_path_term = jnp.full_like(selected_total, LP) ** selected_total
    path_term = jnp.ones_like(reward_path_term)
    path_term = jnp.where(jnp.logical_and(any_path, has_gt_path), jnp.clip(path_f1, 0.001) ** PF1P, path_term)
    reward = jnp.where(success, BASE * reward_path_term * path_term * semantic_score * connectivity, jnp.full_like(connectivity, ILLEGAL))
    reward = jnp.where(jnp.logical_and(any_path, path_full_hit), reward * (1.0 + TBONUS), reward)
    reward = jnp.clip(reward, ILLEGAL)
    return (reward, recall, success.astype(jnp.float32), jnp.zeros_like(recall), fallback, pos_p, pos_r, pos_f1, ans_p, ans_r, ans_f1, path_p, path_r, path_f1, has_gt_path, path_full_hit.astype(jnp.float32), rf, path_exists, rf, reward_path_term, semantic_score)

if __name__ == "__main__":
    import jax
    _d = setup_inputs()
    print(jax.jit(kernel)(*tuple(_d.values())))

</pallas_src>

<mosaic_0001>
#map = affine_map<(d0, d1) -> (0)>
module attributes {stable_mosaic.version = 14 : i64} {
  func.func @k(%arg0: i32, %arg1: i32, %arg2: memref<5177344xf32, #tpu.memory_space<hbm>>, %arg3: memref<2048xi32, #tpu.memory_space<hbm>>, %arg4: memref<2048xf32, #tpu.memory_space<hbm>>, %arg5: memref<64xi32, #tpu.memory_space<vmem>>, %arg6: memref<64xf32, #tpu.memory_space<vmem>>, %arg7: memref<!tpu.dma_semaphore, #tpu.memory_space<semaphore_mem>>) attributes {dimension_semantics = [#tpu.dimension_semantics<core_parallel>, #tpu.dimension_semantics<subcore_parallel>], iteration_bounds = array<i64: 2, 16>, scalar_prefetch = 0 : i64, scratch_operands = 3 : i64, tpu.core_type = #tpu.core_type<sc_vector_subcore>, window_params = [{transform_indices = #map}, {transform_indices = #map}, {transform_indices = #map}]} {
    %mul3A = arith.constant 2 : i32
    %mul3A_0 = arith.muli %arg1, %mul3A : i32
    %add3A = arith.addi %mul3A_0, %arg0 : i32
    %mul3A_1 = arith.constant 64 : i32
    %mul3A_2 = arith.muli %add3A, %mul3A_1 : i32
    %dma_start3A = tpu.memref_slice %arg3[%mul3A_2] : memref<2048xi32, #tpu.memory_space<hbm>> -> memref<64xi32, #tpu.memory_space<hbm>>
    %dma_start3A_3 = tpu.memref_slice %arg3[%mul3A_2] : memref<2048xi32, #tpu.memory_space<hbm>> -> memref<64xi32, #tpu.memory_space<hbm>>
    tpu.enqueue_dma source(%dma_start3A_3 : memref<64xi32, #tpu.memory_space<hbm>>) target(%arg5 : memref<64xi32, #tpu.memory_space<vmem>>) target_semaphore(%arg7 : memref<!tpu.dma_semaphore, #tpu.memory_space<semaphore_mem>>)
    %dma_wait3A = tpu.memref_slice %arg3[%mul3A_2] : memref<2048xi32, #tpu.memory_space<hbm>> -> memref<64xi32, #tpu.memory_space<hbm>>
    %dma_wait3A_4 = tpu.memref_slice %arg3[%mul3A_2] : memref<2048xi32, #tpu.memory_space<hbm>> -> memref<64xi32, #tpu.memory_space<hbm>>
    tpu.wait_dma2 semaphore(%arg7 : memref<!tpu.dma_semaphore, #tpu.memory_space<semaphore_mem>>) src(%dma_wait3A_4 : memref<64xi32, #tpu.memory_space<hbm>>) dst(%arg5 : memref<64xi32, #tpu.memory_space<vmem>>)
    %dma_start3A_5 = arith.constant 0 : i32
    %dma_start3A_6 = tpu.memref_slice %arg2[%dma_start3A_5] : memref<5177344xf32, #tpu.memory_space<hbm>> -> memref<5177344xf32, #tpu.memory_space<hbm>>
    tpu.enqueue_indirect_dma source(%dma_start3A_6 : memref<5177344xf32, #tpu.memory_space<hbm>>) target(%arg6 : memref<64xf32, #tpu.memory_space<vmem>>) offsets(%arg5 : memref<64xi32, #tpu.memory_space<vmem>>) semaphore(%arg7 : memref<!tpu.dma_semaphore, #tpu.memory_space<semaphore_mem>>)
    %dma_wait3A_7 = arith.constant 0 : i32
    %dma_wait3A_8 = tpu.memref_slice %arg2[%dma_wait3A_7] : memref<5177344xf32, #tpu.memory_space<hbm>> -> memref<5177344xf32, #tpu.memory_space<hbm>>
    tpu.wait_indirect_dma semaphore(%arg7 : memref<!tpu.dma_semaphore, #tpu.memory_space<semaphore_mem>>) src(%dma_wait3A_8 : memref<5177344xf32, #tpu.memory_space<hbm>>) dst(%arg6 : memref<64xf32, #tpu.memory_space<vmem>>)
    %dma_start3A_9 = tpu.memref_slice %arg4[%mul3A_2] : memref<2048xf32, #tpu.memory_space<hbm>> -> memref<64xf32, #tpu.memory_space<hbm>>
    %dma_start3A_10 = tpu.memref_slice %arg4[%mul3A_2] : memref<2048xf32, #tpu.memory_space<hbm>> -> memref<64xf32, #tpu.memory_space<hbm>>
    tpu.enqueue_dma source(%arg6 : memref<64xf32, #tpu.memory_space<vmem>>) target(%dma_start3A_10 : memref<64xf32, #tpu.memory_space<hbm>>) target_semaphore(%arg7 : memref<!tpu.dma_semaphore, #tpu.memory_space<semaphore_mem>>)
    %dma_wait3A_11 = tpu.memref_slice %arg4[%mul3A_2] : memref<2048xf32, #tpu.memory_space<hbm>> -> memref<64xf32, #tpu.memory_space<hbm>>
    %dma_wait3A_12 = tpu.memref_slice %arg4[%mul3A_2] : memref<2048xf32, #tpu.memory_space<hbm>> -> memref<64xf32, #tpu.memory_space<hbm>>
    tpu.wait_dma2 semaphore(%arg7 : memref<!tpu.dma_semaphore, #tpu.memory_space<semaphore_mem>>) src(%arg6 : memref<64xf32, #tpu.memory_space<vmem>>) dst(%dma_wait3A_12 : memref<64xf32, #tpu.memory_space<hbm>>)
    return
  }
}

#map = affine_map<(d0, d1) -> (0)>
#map1 = affine_map<(d0, d1) -> (0, 0, 0)>
module attributes {stable_mosaic.version = 14 : i64} {
  func.func @k(%arg0: i32, %arg1: i32, %arg2: memref<3200000xi32, #tpu.memory_space<hbm>>, %arg3: memref<3200000xi32, #tpu.memory_space<hbm>>, %arg4: memref<3200000xf32, #tpu.memory_space<hbm>>, %arg5: memref<3200000xf32, #tpu.memory_space<hbm>>, %arg6: memref<3200000xf32, #tpu.memory_space<hbm>>, %arg7: memref<3200000xf32, #tpu.memory_space<hbm>>, %arg8: memref<520xi32, #tpu.memory_space<hbm>>, %arg9: memref<32x8x16xf32, #tpu.memory_space<hbm>>, %arg10: memref<5177344xf32, #tpu.memory_space<hbm>>, %arg11: memref<520xi32, #tpu.memory_space<vmem>>, %arg12: memref<8192xi32, #tpu.memory_space<vmem>>, %arg13: memref<8192xi32, #tpu.memory_space<vmem>>, %arg14: memref<8192xf32, #tpu.memory_space<vmem>>, %arg15: memref<8192xf32, #tpu.memory_space<vmem>>, %arg16: memref<8192xf32, #tpu.memory_space<vmem>>, %arg17: memref<8192xf32, #tpu.memory_space<vmem>>, %arg18: memref<10112xf32, #tpu.memory_space<vmem>>, %arg19: memref<8x16xf32, #tpu.memory_space<vmem>>, %arg20: memref<!tpu.dma_semaphore, #tpu.memory_space<semaphore_mem>>, %arg21: memref<!tpu.dma_semaphore, #tpu.memory_space<semaphore_mem>>, %arg22: memref<!tpu.dma_semaphore, #tpu.memory_space<semaphore_mem>>) attributes {dimension_semantics = [#tpu.dimension_semantics<core_parallel>, #tpu.dimension_semantics<subcore_parallel>], iteration_bounds = array<i64: 2, 16>, scalar_prefetch = 0 : i64, scratch_operands = 12 : i64, tpu.core_type = #tpu.core_type<sc_vector_subcore>, window_params = [{transform_indices = #map}, {transform_indices = #map}, {transform_indices = #map}, {transform_indices = #map}, {transform_indices = #map}, {transform_indices = #map}, {transform_indices = #map}, {transform_indices = #map1}, {transform_indices = #map}]} {
    %mul3A = arith.constant 2 : i32
    %mul3A_0 = arith.muli %arg1, %mul3A : i32
    %add3A = arith.addi %mul3A_0, %arg0 : i32
    %mul3A_1 = arith.constant 16 : i32
    %mul3A_2 = arith.muli %add3A, %mul3A_1 : i32
    %iota3A = tpu.iota {dimensions = array<i32: 0>} : vector<16xi32>
    %broadcast_in_dim3A = arith.constant 0.000000e+00 : f32
    %broadcast_in_dim3A_3 = vector.broadcast %broadcast_in_dim3A : f32 to vector<16xf32>
    %broadcast_in_dim3A_4 = arith.constant 1.000000e+00 : f32
    %broadcast_in_dim3A_5 = vector.broadcast %broadcast_in_dim3A_4 : f32 to vector<16xf32>
    tpu.enqueue_dma source(%arg8 : memref<520xi32, #tpu.memory_space<hbm>>) target(%arg11 : memref<520xi32, #tpu.memory_space<vmem>>) target_semaphore(%arg20 : memref<!tpu.dma_semaphore, #tpu.memory_space<semaphore_mem>>)
    tpu.wait_dma2 semaphore(%arg20 : memref<!tpu.dma_semaphore, #tpu.memory_space<semaphore_mem>>) src(%arg8 : memref<520xi32, #tpu.memory_space<hbm>>) dst(%arg11 : memref<520xi32, #tpu.memory_space<vmem>>)
    %scan3A = arith.constant 0 : i32
    %scan3A_6 = arith.constant 16 : i32
    %scan3A_7 = arith.addi %scan3A, %scan3A_6 : i32
    %scan3A_8 = arith.constant 1 : i32
    %scan3A_9:6 = scf.for %scan3A_48 = %scan3A to %scan3A_7 step %scan3A_8 iter_args(%scan3A_49 = %broadcast_in_dim3A_3, %scan3A_50 = %broadcast_in_dim3A_3, %scan3A_51 = %broadcast_in_dim3A_3, %scan3A_52 = %broadcast_in_dim3A_3, %scan3A_53 = %broadcast_in_dim3A_3, %scan3A_54 = %broadcast_in_dim3A_3) -> (vector<16xf32>, vector<16xf32>, vector<16xf32>, vector<16xf32>, vector<16xf32>, vector<16xf32>)  : i32 {
      %mul3A_55 = arith.constant 1 : i32
      %mul3A_56 = arith.muli %scan3A_48, %mul3A_55 : i32
      %add3A_57 = arith.constant 0 : i32
      %add3A_58 = arith.addi %add3A_57, %mul3A_56 : i32
      %add3A_59 = arith.addi %mul3A_2, %add3A_58 : i32
      %lt3A = arith.constant 8 : i32
      %lt3A_60 = vector.broadcast %lt3A : i32 to vector<16xi32>
      %lt3A_61 = arith.cmpi slt, %iota3A, %lt3A_60 : vector<16xi32>
      %add3A_62 = arith.constant 1 : i32
      %add3A_63 = arith.addi %add3A_59, %add3A_62 : i32
      %broadcast_in_dim3A_64 = vector.broadcast %add3A_59 : i32 to vector<16xi32>
      %broadcast_in_dim3A_65 = vector.broadcast %add3A_63 : i32 to vector<16xi32>
      %select_n3A = arith.select %lt3A_61, %broadcast_in_dim3A_64, %broadcast_in_dim3A_65 : vector<16xi1>, vector<16xi32>
      %gather3A = tpu.vector_load_idx %arg11[%select_n3A] : memref<520xi32, #tpu.memory_space<vmem>>[vector<16xi32>], vector<16xi32>,
      %lt3A_66 = arith.constant 8 : i32
      %lt3A_67 = vector.broadcast %lt3A_66 : i32 to vector<16xi32>
      %lt3A_68 = arith.cmpi slt, %iota3A, %lt3A_67 : vector<16xi32>
      %jit3A = arith.constant 0 : i32
      %broadcast_in_dim3A_69 = vector.broadcast %jit3A : i32 to vector<16xi32>
      %select_n3A_70 = arith.select %lt3A_68, %gather3A, %broadcast_in_dim3A_69 : vector<16xi1>, vector<16xi32>
      %reduce_max3A = arith.constant true
      %reduce_max3A_71 = vector.broadcast %reduce_max3A : i1 to vector<16xi1>
      %reduce_max3A_72 = arith.constant -2147483648 : i32
      %reduce_max3A_73 = vector.broadcast %reduce_max3A_72 : i32 to vector<16xi32>
      %reduce_max3A_74 = arith.xori %select_n3A_70, %reduce_max3A_73 : vector<16xi32>
      %reduce_max3A_75 = tpu.scan <max>, %reduce_max3A_74 masked %reduce_max3A_71 : vector<16xi32>, vector<16xi1> -> vector<16xi32>
      %reduce_max3A_76 = arith.xori %reduce_max3A_75, %reduce_max3A_73 : vector<16xi32>
      %reduce_max3A_77 = vector.extract %reduce_max3A_76[15] : i32 from vector<16xi32>
      %ge3A = arith.constant 8 : i32
      %ge3A_78 = vector.broadcast %ge3A : i32 to vector<16xi32>
      %ge3A_79 = arith.cmpi sge, %iota3A, %ge3A_78 : vector<16xi32>
      %jit3A_80 = arith.constant 0 : i32
      %broadcast_in_dim3A_81 = vector.broadcast %jit3A_80 : i32 to vector<16xi32>
      %select_n3A_82 = arith.select %ge3A_79, %gather3A, %broadcast_in_dim3A_81 : vector<16xi1>, vector<16xi32>
      %reduce_max3A_83 = arith.constant true
      %reduce_max3A_84 = vector.broadcast %reduce_max3A_83 : i1 to vector<16xi1>
      %reduce_max3A_85 = arith.constant -2147483648 : i32
      %reduce_max3A_86 = vector.broadcast %reduce_max3A_85 : i32 to vector<16xi32>
      %reduce_max3A_87 = arith.xori %select_n3A_82, %reduce_max3A_86 : vector<16xi32>
      %reduce_max3A_88 = tpu.scan <max>, %reduce_max3A_87 masked %reduce_max3A_84 : vector<16xi32>, vector<16xi1> -> vector<16xi32>
      %reduce_max3A_89 = arith.xori %reduce_max3A_88, %reduce_max3A_86 : vector<16xi32>
      %reduce_max3A_90 = vector.extract %reduce_max3A_89[15] : i32 from vector<16xi32>
      %jit3A_91 = arith.constant 8 : i32
      %div3A = arith.divsi %reduce_max3A_77, %jit3A_91 : i32
      %sign3A = arith.constant 0 : i32
      %sign3A_92 = arith.cmpi sgt, %reduce_max3A_77, %sign3A : i32
      %sign3A_93 = arith.extui %sign3A_92 : i1 to i32
      %sign3A_94 = arith.constant 0 : i32
      %sign3A_95 = arith.cmpi slt, %reduce_max3A_77, %sign3A_94 : i32
      %sign3A_96 = arith.extui %sign3A_95 : i1 to i32
      %sign3A_97 = arith.subi %sign3A_93, %sign3A_96 : i32
      %sign3A_98 = arith.constant 0 : i32
      %sign3A_99 = arith.cmpi sgt, %jit3A_91, %sign3A_98 : i32
      %sign3A_100 = arith.extui %sign3A_99 : i1 to i32
      %sign3A_101 = arith.constant 0 : i32
      %sign3A_102 = arith.cmpi slt, %jit3A_91, %sign3A_101 : i32
      %sign3A_103 = arith.extui %sign3A_102 : i1 to i32
      %sign3A_104 = arith.subi %sign3A_100, %sign3A_103 : i32
      %ne3A = arith.cmpi ne, %sign3A_97, %sign3A_104 : i32
      %rem3A = arith.remsi %reduce_max3A_77, %jit3A_91 : i32
      %ne3A_105 = arith.constant 0 : i32
      %ne3A_106 = arith.cmpi ne, %rem3A, %ne3A_105 : i32
      %and3A = arith.andi %ne3A, %ne3A_106 : i1
      %sub3A = arith.constant 1 : i32
      %sub3A_107 = arith.subi %div3A, %sub3A : i32
      %select_n3A_108 = arith.select %and3A, %sub3A_107, %div3A : i32
      %mul3A_109 = arith.constant 8 : i32
      %mul3A_110 = arith.muli %select_n3A_108, %mul3A_109 : i32
      %sub3A_111 = arith.subi %reduce_max3A_90, %mul3A_110 : i32
      %add3A_112 = arith.constant 8192 : i32
      %add3A_113 = arith.addi %sub3A_111, %add3A_112 : i32
      %sub3A_114 = arith.constant 1 : i32
      %sub3A_115 = arith.subi %add3A_113, %sub3A_114 : i32
      %jit3A_116 = arith.constant 8192 : i32
      %div3A_117 = arith.divsi %sub3A_115, %jit3A_116 : i32
      %sign3A_118 = arith.constant 0 : i32
      %sign3A_119 = arith.cmpi sgt, %sub3A_115, %sign3A_118 : i32
      %sign3A_120 = arith.extui %sign3A_119 : i1 to i32
      %sign3A_121 = arith.constant 0 : i32
      %sign3A_122 = arith.cmpi slt, %sub3A_115, %sign3A_121 : i32
      %sign3A_123 = arith.extui %sign3A_122 : i1 to i32
      %sign3A_124 = arith.subi %sign3A_120, %sign3A_123 : i32
      %sign3A_125 = arith.constant 0 : i32
      %sign3A_126 = arith.cmpi sgt, %jit3A_116, %sign3A_125 : i32
      %sign3A_127 = arith.extui %sign3A_126 : i1 to i32
      %sign3A_128 = arith.constant 0 : i32
      %sign3A_129 = arith.cmpi slt, %jit3A_116, %sign3A_128 : i32
      %sign3A_130 = arith.extui %sign3A_129 : i1 to i32
      %sign3A_131 = arith.subi %sign3A_127, %sign3A_130 : i32
      %ne3A_132 = arith.cmpi ne, %sign3A_124, %sign3A_131 : i32
      %rem3A_133 = arith.remsi %sub3A_115, %jit3A_116 : i32
      %ne3A_134 = arith.constant 0 : i32
      %ne3A_135 = arith.cmpi ne, %rem3A_133, %ne3A_134 : i32
      %and3A_136 = arith.andi %ne3A_132, %ne3A_135 : i1
      %sub3A_137 = arith.constant 1 : i32
      %sub3A_138 = arith.subi %div3A_117, %sub3A_137 : i32
      %select_n3A_139 = arith.select %and3A_136, %sub3A_138, %div3A_117 : i32
      %scan3A_140 = arith.constant 0 : i32
      %scan3A_141 = arith.constant 632 : i32
      %scan3A_142 = arith.addi %scan3A_140, %scan3A_141 : i32
      %scan3A_143 = arith.constant 1 : i32
      scf.for %scan3A_207 = %scan3A_140 to %scan3A_142 step %scan3A_143  : i32 {
        %mul3A_208 = arith.constant 1 : i32
        %mul3A_209 = arith.muli %scan3A_207, %mul3A_208 : i32
        %add3A_210 = arith.constant 0 : i32
        %add3A_211 = arith.addi %add3A_210, %mul3A_209 : i32
        %mul3A_212 = arith.constant 16 : i32
        %mul3A_213 = arith.muli %add3A_211, %mul3A_212 : i32
        %swap3A_214 = arith.index_cast %mul3A_213 : i32 to index
        %swap3A_215 = tpu.vector_load %arg18[%swap3A_214] {strides = array<i32>} : memref<10112xf32, #tpu.memory_space<vmem>>, vector<16xf32>,
        tpu.vector_store %arg18[%swap3A_214], %broadcast_in_dim3A_3 {strides = array<i32>} : memref<10112xf32, #tpu.memory_space<vmem>>, vector<16xf32>,
      }
      %scan3A_144 = arith.constant 632 : i32
      %while3A = arith.constant 0 : i32
      %while3A_145 = arith.subi %select_n3A_139, %while3A : i32
      %while3A_146 = arith.addi %while3A, %while3A_145 : i32
      %while3A_147 = arith.constant 1 : i32
      %while3A_148 = arith.divsi %while3A_145, %while3A_147 : i32
      %while3A_149 = arith.muli %while3A_148, %while3A_147 : i32
      %while3A_150 = arith.addi %while3A, %while3A_149 : i32
      %while3A_151 = arith.constant 1 : i32
      %while3A_152:6 = scf.for %while3A_207 = %while3A to %while3A_150 step %while3A_151 iter_args(%while3A_208 = %broadcast_in_dim3A_3, %while3A_209 = %broadcast_in_dim3A_3, %while3A_210 = %broadcast_in_dim3A_3, %while3A_211 = %broadcast_in_dim3A_3, %while3A_212 = %broadcast_in_dim3A_3, %while3A_213 = %broadcast_in_dim3A_3) -> (vector<16xf32>, vector<16xf32>, vector<16xf32>, vector<16xf32>, vector<16xf32>, vector<16xf32>)  : i32 {
        %mul3A_214 = arith.constant 8192 : i32
        %mul3A_215 = arith.muli %while3A_207, %mul3A_214 : i32
        %add3A_216 = arith.addi %mul3A_110, %mul3A_215 : i32
        %min3A = arith.constant 3191808 : i32
        %min3A_217 = arith.minsi %add3A_216, %min3A : i32
        %multiple_of3A_218 = tpu.assume_multiple %min3A_217, 8 : i32
        %dma_start3A_219 = tpu.memref_slice %arg2[%multiple_of3A_218] : memref<3200000xi32, #tpu.memory_space<hbm>> -> memref<8192xi32, #tpu.memory_space<hbm>>
        %dma_start3A_220 = tpu.memref_slice %arg2[%multiple_of3A_218] : memref<3200000xi32, #tpu.memory_space<hbm>> -> memref<8192xi32, #tpu.memory_space<hbm>>
        tpu.enqueue_dma source(%dma_start3A_220 : memref<8192xi32, #tpu.memory_space<hbm>>) target(%arg12 : memref<8192xi32, #tpu.memory_space<vmem>>) target_semaphore(%arg20 : memref<!tpu.dma_semaphore, #tpu.memory_space<semaphore_mem>>)
        %dma_start3A_221 = tpu.memref_slice %arg3[%multiple_of3A_218] : memref<3200000xi32, #tpu.memory_space<hbm>> -> memref<8192xi32, #tpu.memory_space<hbm>>
        %dma_start3A_222 = tpu.memref_slice %arg3[%multiple_of3A_218] : memref<3200000xi32, #tpu.memory_space<hbm>> -> memref<8192xi32, #tpu.memory_space<hbm>>
        tpu.enqueue_dma source(%dma_start3A_222 : memref<8192xi32, #tpu.memory_space<hbm>>) target(%arg13 : memref<8192xi32, #tpu.memory_space<vmem>>) target_semaphore(%arg20 : memref<!tpu.dma_semaphore, #tpu.memory_space<semaphore_mem>>)
        %dma_start3A_223 = tpu.memref_slice %arg4[%multiple_of3A_218] : memref<3200000xf32, #tpu.memory_space<hbm>> -> memref<8192xf32, #tpu.memory_space<hbm>>
        %dma_start3A_224 = tpu.memref_slice %arg4[%multiple_of3A_218] : memref<3200000xf32, #tpu.memory_space<hbm>> -> memref<8192xf32, #tpu.memory_space<hbm>>
        tpu.enqueue_dma source(%dma_start3A_224 : memref<8192xf32, #tpu.memory_space<hbm>>) target(%arg14 : memref<8192xf32, #tpu.memory_space<vmem>>) target_semaphore(%arg20 : memref<!tpu.dma_semaphore, #tpu.memory_space<semaphore_mem>>)
        %dma_start3A_225 = tpu.memref_slice %arg5[%multiple_of3A_218] : memref<3200000xf32, #tpu.memory_space<hbm>> -> memref<8192xf32, #tpu.memory_space<hbm>>
        %dma_start3A_226 = tpu.memref_slice %arg5[%multiple_of3A_218] : memref<3200000xf32, #tpu.memory_space<hbm>> -> memref<8192xf32, #tpu.memory_space<hbm>>
        tpu.enqueue_dma source(%dma_start3A_226 : memref<8192xf32, #tpu.memory_space<hbm>>) target(%arg15 : memref<8192xf32, #tpu.memory_space<vmem>>) target_semaphore(%arg20 : memref<!tpu.dma_semaphore, #tpu.memory_space<semaphore_mem>>)
        %dma_start3A_227 = tpu.memref_slice %arg6[%multiple_of3A_218] : memref<3200000xf32, #tpu.memory_space<hbm>> -> memref<8192xf32, #tpu.memory_space<hbm>>
        %dma_start3A_228 = tpu.memref_slice %arg6[%multiple_of3A_218] : memref<3200000xf32, #tpu.memory_space<hbm>> -> memref<8192xf32, #tpu.memory_space<hbm>>
        tpu.enqueue_dma source(%dma_start3A_228 : memref<8192xf32, #tpu.memory_space<hbm>>) target(%arg16 : memref<8192xf32, #tpu.memory_space<vmem>>) target_semaphore(%arg20 : memref<!tpu.dma_semaphore, #tpu.memory_space<semaphore_mem>>)
        %dma_start3A_229 = tpu.memref_slice %arg7[%multiple_of3A_218] : memref<3200000xf32, #tpu.memory_space<hbm>> -> memref<8192xf32, #tpu.memory_space<hbm>>
        %dma_start3A_230 = tpu.memref_slice %arg7[%multiple_of3A_218] : memref<3200000xf32, #tpu.memory_space<hbm>> -> memref<8192xf32, #tpu.memory_space<hbm>>
        tpu.enqueue_dma source(%dma_start3A_230 : memref<8192xf32, #tpu.memory_space<hbm>>) target(%arg17 : memref<8192xf32, #tpu.memory_space<vmem>>) target_semaphore(%arg20 : memref<!tpu.dma_semaphore, #tpu.memory_space<semaphore_mem>>)
        %dma_wait3A_231 = tpu.memref_slice %arg2[%multiple_of3A_218] : memref<3200000xi32, #tpu.memory_space<hbm>> -> memref<8192xi32, #tpu.memory_space<hbm>>
        %dma_wait3A_232 = tpu.memref_slice %arg2[%multiple_of3A_218] : memref<3200000xi32, #tpu.memory_space<hbm>> -> memref<8192xi32, #tpu.memory_space<hbm>>
        tpu.wait_dma2 semaphore(%arg20 : memref<!tpu.dma_semaphore, #tpu.memory_space<semaphore_mem>>) src(%dma_wait3A_232 : memref<8192xi32, #tpu.memory_space<hbm>>) dst(%arg12 : memref<8192xi32, #tpu.memory_space<vmem>>)
        %dma_wait3A_233 = tpu.memref_slice %arg3[%multiple_of3A_218] : memref<3200000xi32, #tpu.memory_space<hbm>> -> memref<8192xi32, #tpu.memory_space<hbm>>
        %dma_wait3A_234 = tpu.memref_slice %arg3[%multiple_of3A_218] : memref<3200000xi32, #tpu.memory_space<hbm>> -> memref<8192xi32, #tpu.memory_space<hbm>>
        tpu.wait_dma2 semaphore(%arg20 : memref<!tpu.dma_semaphore, #tpu.memory_space<semaphore_mem>>) src(%dma_wait3A_234 : memref<8192xi32, #tpu.memory_space<hbm>>) dst(%arg13 : memref<8192xi32, #tpu.memory_space<vmem>>)
        %dma_wait3A_235 = tpu.memref_slice %arg4[%multiple_of3A_218] : memref<3200000xf32, #tpu.memory_space<hbm>> -> memref<8192xf32, #tpu.memory_space<hbm>>
        %dma_wait3A_236 = tpu.memref_slice %arg4[%multiple_of3A_218] : memref<3200000xf32, #tpu.memory_space<hbm>> -> memref<8192xf32, #tpu.memory_space<hbm>>
        tpu.wait_dma2 semaphore(%arg20 : memref<!tpu.dma_semaphore, #tpu.memory_space<semaphore_mem>>) src(%dma_wait3A_236 : memref<8192xf32, #tpu.memory_space<hbm>>) dst(%arg14 : memref<8192xf32, #tpu.memory_space<vmem>>)
        %dma_wait3A_237 = tpu.memref_slice %arg5[%multiple_of3A_218] : memref<3200000xf32, #tpu.memory_space<hbm>> -> memref<8192xf32, #tpu.memory_space<hbm>>
        %dma_wait3A_238 = tpu.memref_slice %arg5[%multiple_of3A_218] : memref<3200000xf32, #tpu.memory_space<hbm>> -> memref<8192xf32, #tpu.memory_space<hbm>>
        tpu.wait_dma2 semaphore(%arg20 : memref<!tpu.dma_semaphore, #tpu.memory_space<semaphore_mem>>) src(%dma_wait3A_238 : memref<8192xf32, #tpu.memory_space<hbm>>) dst(%arg15 : memref<8192xf32, #tpu.memory_space<vmem>>)
        %dma_wait3A_239 = tpu.memref_slice %arg6[%multiple_of3A_218] : memref<3200000xf32, #tpu.memory_space<hbm>> -> memref<8192xf32, #tpu.memory_space<hbm>>
        %dma_wait3A_240 = tpu.memref_slice %arg6[%multiple_of3A_218] : memref<3200000xf32, #tpu.memory_space<hbm>> -> memref<8192xf32, #tpu.memory_space<hbm>>
        tpu.wait_dma2 semaphore(%arg20 : memref<!tpu.dma_semaphore, #tpu.memory_space<semaphore_mem>>) src(%dma_wait3A_240 : memref<8192xf32, #tpu.memory_space<hbm>>) dst(%arg16 : memref<8192xf32, #tpu.memory_space<vmem>>)
        %dma_wait3A_241 = tpu.memref_slice %arg7[%multiple_of3A_218] : memref<3200000xf32, #tpu.memory_space<hbm>> -> memref<8192xf32, #tpu.memory_space<hbm>>
        %dma_wait3A_242 = tpu.memref_slice %arg7[%multiple_of3A_218] : memref<3200000xf32, #tpu.memory_space<hbm>> -> memref<8192xf32, #tpu.memory_space<hbm>>
        tpu.wait_dma2 semaphore(%arg20 : memref<!tpu.dma_semaphore, #tpu.memory_space<semaphore_mem>>) src(%dma_wait3A_242 : memref<8192xf32, #tpu.memory_space<hbm>>) dst(%arg17 : memref<8192xf32, #tpu.memory_space<vmem>>)
        %scan3A_243 = arith.constant 0 : i32
        %scan3A_244 = arith.constant 64 : i32
        %scan3A_245 = arith.addi %scan3A_243, %scan3A_244 : i32
        %scan3A_246 = arith.constant 2 : i32
        %scan3A_247:6 = scf.for %scan3A_249 = %scan3A_243 to %scan3A_245 step %scan3A_246 iter_args(%scan3A_250 = %while3A_208, %scan3A_251 = %while3A_209, %scan3A_252 = %while3A_210, %scan3A_253 = %while3A_211, %scan3A_254 = %while3A_212, %scan3A_255 = %while3A_213) -> (vector<16xf32>, vector<16xf32>, vector<16xf32>, vector<16xf32>, vector<16xf32>, vector<16xf32>)  : i32 {
          %mul3A_256 = arith.constant 1 : i32
          %mul3A_257 = arith.muli %scan3A_249, %mul3A_256 : i32
          %add3A_258 = arith.constant 0 : i32
          %add3A_259 = arith.addi %add3A_258, %mul3A_257 : i32
          %mul3A_260 = arith.constant 128 : i32
          %mul3A_261 = arith.muli %add3A_259, %mul3A_260 : i32
          %add3A_262 = arith.constant 0 : i32
          %add3A_263 = arith.addi %mul3A_261, %add3A_262 : i32
          %add3A_264 = arith.addi %multiple_of3A_218, %add3A_263 : i32
          %add3A_265 = vector.broadcast %add3A_264 : i32 to vector<16xi32>
          %add3A_266 = arith.addi %add3A_265, %iota3A : vector<16xi32>
          %ge3A_267 = vector.broadcast %reduce_max3A_77 : i32 to vector<16xi32>
          %ge3A_268 = arith.cmpi sge, %add3A_266, %ge3A_267 : vector<16xi32>
          %lt3A_269 = vector.broadcast %reduce_max3A_90 : i32 to vector<16xi32>
          %lt3A_270 = arith.cmpi slt, %add3A_266, %lt3A_269 : vector<16xi32>
          %and3A_271 = arith.andi %ge3A_268, %lt3A_270 : vector<16xi1>
          %get3A = arith.index_cast %add3A_263 : i32 to index
          %get3A_272 = tpu.vector_load %arg14[%get3A] {strides = array<i32>} : memref<8192xf32, #tpu.memory_space<vmem>>, vector<16xf32>,
          %gt3A = arith.constant 0.000000e+00 : f32
          %gt3A_273 = vector.broadcast %gt3A : f32 to vector<16xf32>
          %gt3A_274 = arith.cmpf ogt, %get3A_272, %gt3A_273 : vector<16xf32>
          %and3A_275 = arith.andi %and3A_271, %gt3A_274 : vector<16xi1>
          %get3A_276 = arith.index_cast %add3A_263 : i32 to index
          %get3A_277 = tpu.vector_load %arg12[%get3A_276] {strides = array<i32>} : memref<8192xi32, #tpu.memory_space<vmem>>, vector<16xi32>,
          tpu.vector_store_idx %arg18[%get3A_277], %broadcast_in_dim3A_5 masked %and3A_275 : memref<10112xf32, #tpu.memory_space<vmem>>[vector<16xi32>], vector<16xf32>, vector<16xi1>
          %get3A_278 = arith.index_cast %add3A_263 : i32 to index
          %get3A_279 = tpu.vector_load %arg13[%get3A_278] {strides = array<i32>} : memref<8192xi32, #tpu.memory_space<vmem>>, vector<16xi32>,
          tpu.vector_store_idx %arg18[%get3A_279], %broadcast_in_dim3A_5 masked %and3A_275 : memref<10112xf32, #tpu.memory_space<vmem>>[vector<16xi32>], vector<16xf32>, vector<16xi1>
          %get3A_280 = arith.index_cast %add3A_263 : i32 to index
          %get3A_281 = tpu.vector_load %arg15[%get3A_280] {strides = array<i32>} : memref<8192xf32, #tpu.memory_space<vmem>>, vector<16xf32>,
          %gt3A_282 = arith.constant 5.000000e-01 : f32
          %gt3A_283 = vector.broadcast %gt3A_282 : f32 to vector<16xf32>
          %gt3A_284 = arith.cmpf ogt, %get3A_281, %gt3A_283 : vector<16xf32>
          %convert_element_type3A = arith.extui %gt3A_284 : vector<16xi1> to vector<16xi32>
          %convert_element_type3A_285 = arith.sitofp %convert_element_type3A : vector<16xi32> to vector<16xf32>
          %get3A_286 = arith.index_cast %add3A_263 : i32 to index
          %get3A_287 = tpu.vector_load %arg16[%get3A_286] {strides = array<i32>} : memref<8192xf32, #tpu.memory_space<vmem>>, vector<16xf32>,
          %jit3A_288 = arith.constant 9.99999993E-9 : f32
          %jit3A_289 = arith.constant 1.000000e+00 : f32
          %max3A = vector.broadcast %jit3A_288 : f32 to vector<16xf32>
          %max3A_290 = arith.maximumf %max3A, %get3A_287 : vector<16xf32>
          %min3A_291 = vector.broadcast %jit3A_289 : f32 to vector<16xf32>
          %min3A_292 = arith.minimumf %min3A_291, %max3A_290 : vector<16xf32>
          %get3A_293 = arith.index_cast %add3A_263 : i32 to index
          %get3A_294 = tpu.vector_load %arg17[%get3A_293] {strides = array<i32>} : memref<8192xf32, #tpu.memory_space<vmem>>, vector<16xf32>,
          %convert_element_type3A_295 = arith.extui %and3A_271 : vector<16xi1> to vector<16xi32>
          %convert_element_type3A_296 = arith.sitofp %convert_element_type3A_295 : vector<16xi32> to vector<16xf32>
          %convert_element_type3A_297 = arith.extui %and3A_275 : vector<16xi1> to vector<16xi32>
          %convert_element_type3A_298 = arith.sitofp %convert_element_type3A_297 : vector<16xi32> to vector<16xf32>
          %add3A_299 = arith.addf %scan3A_250, %convert_element_type3A_298 : vector<16xf32>
          %mul3A_300 = arith.mulf %convert_element_type3A_296, %convert_element_type3A_285 : vector<16xf32>
          %add3A_301 = arith.addf %scan3A_251, %mul3A_300 : vector<16xf32>
          %mul3A_302 = arith.mulf %convert_element_type3A_298, %convert_element_type3A_285 : vector<16xf32>
          %add3A_303 = arith.addf %scan3A_252, %mul3A_302 : vector<16xf32>
          %mul3A_304 = arith.mulf %convert_element_type3A_296, %get3A_294 : vector<16xf32>
          %add3A_305 = arith.addf %scan3A_253, %mul3A_304 : vector<16xf32>
          %mul3A_306 = arith.mulf %convert_element_type3A_298, %get3A_294 : vector<16xf32>
          %add3A_307 = arith.addf %scan3A_254, %mul3A_306 : vector<16xf32>
          %mul3A_308 = arith.mulf %convert_element_type3A_298, %min3A_292 : vector<16xf32>
          %add3A_309 = arith.addf %scan3A_255, %mul3A_308 : vector<16xf32>
          %mul3A_310 = arith.constant 128 : i32
          %mul3A_311 = arith.muli %add3A_259, %mul3A_310 : i32
          %add3A_312 = arith.constant 16 : i32
          %add3A_313 = arith.addi %mul3A_311, %add3A_312 : i32
          %add3A_314 = arith.addi %multiple_of3A_218, %add3A_313 : i32
          %add3A_315 = vector.broadcast %add3A_314 : i32 to vector<16xi32>
          %add3A_316 = arith.addi %add3A_315, %iota3A : vector<16xi32>
          %ge3A_317 = vector.broadcast %reduce_max3A_77 : i32 to vector<16xi32>
          %ge3A_318 = arith.cmpi sge, %add3A_316, %ge3A_317 : vector<16xi32>
          %lt3A_319 = vector.broadcast %reduce_max3A_90 : i32 to vector<16xi32>
          %lt3A_320 = arith.cmpi slt, %add3A_316, %lt3A_319 : vector<16xi32>
          %and3A_321 = arith.andi %ge3A_318, %lt3A_320 : vector<16xi1>
          %get3A_322 = arith.index_cast %add3A_313 : i32 to index
          %get3A_323 = tpu.vector_load %arg14[%get3A_322] {strides = array<i32>} : memref<8192xf32, #tpu.memory_space<vmem>>, vector<16xf32>,
          %gt3A_324 = arith.constant 0.000000e+00 : f32
          %gt3A_325 = vector.broadcast %gt3A_324 : f32 to vector<16xf32>
          %gt3A_326 = arith.cmpf ogt, %get3A_323, %gt3A_325 : vector<16xf32>
          %and3A_327 = arith.andi %and3A_321, %gt3A_326 : vector<16xi1>
          %get3A_328 = arith.index_cast %add3A_313 : i32 to index
          %get3A_329 = tpu.vector_load %arg12[%get3A_328] {strides = array<i32>} : memref<8192xi32, #tpu.memory_space<vmem>>, vector<16xi32>,
          tpu.vector_store_idx %arg18[%get3A_329], %broadcast_in_dim3A_5 masked %and3A_327 : memref<10112xf32, #tpu.memory_space<vmem>>[vector<16xi32>], vector<16xf32>, vector<16xi1>
          %get3A_330 = arith.index_cast %add3A_313 : i32 to index
          %get3A_331 = tpu.vector_load %arg13[%get3A_330] {strides = array<i32>} : memref<8192xi32, #tpu.memory_space<vmem>>, vector<16xi32>,
          tpu.vector_store_idx %arg18[%get3A_331], %broadcast_in_dim3A_5 masked %and3A_327 : memref<10112xf32, #tpu.memory_space<vmem>>[vector<16xi32>], vector<16xf32>, vector<16xi1>
          %get3A_332 = arith.index_cast %add3A_313 : i32 to index
          %get3A_333 = tpu.vector_load %arg15[%get3A_332] {strides = array<i32>} : memref<8192xf32, #tpu.memory_space<vmem>>, vector<16xf32>,
          %gt3A_334 = arith.constant 5.000000e-01 : f32
          %gt3A_335 = vector.broadcast %gt3A_334 : f32 to vector<16xf32>
          %gt3A_336 = arith.cmpf ogt, %get3A_333, %gt3A_335 : vector<16xf32>
          %convert_element_type3A_337 = arith.extui %gt3A_336 : vector<16xi1> to vector<16xi32>
          %convert_element_type3A_338 = arith.sitofp %convert_element_type3A_337 : vector<16xi32> to vector<16xf32>
          %get3A_339 = arith.index_cast %add3A_313 : i32 to index
          %get3A_340 = tpu.vector_load %arg16[%get3A_339] {strides = array<i32>} : memref<8192xf32, #tpu.memory_space<vmem>>, vector<16xf32>,
          %jit3A_341 = arith.constant 9.99999993E-9 : f32
          %jit3A_342 = arith.constant 1.000000e+00 : f32
          %max3A_343 = vector.broadcast %jit3A_341 : f32 to vector<16xf32>
          %max3A_344 = arith.maximumf %max3A_343, %get3A_340 : vector<16xf32>
          %min3A_345 = vector.broadcast %jit3A_342 : f32 to vector<16xf32>
          %min3A_346 = arith.minimumf %min3A_345, %max3A_344 : vector<16xf32>
          %get3A_347 = arith.index_cast %add3A_313 : i32 to index
          %get3A_348 = tpu.vector_load %arg17[%get3A_347] {strides = array<i32>} : memref<8192xf32, #tpu.memory_space<vmem>>, vector<16xf32>,
          %convert_element_type3A_349 = arith.extui %and3A_321 : vector<16xi1> to vector<16xi32>
          %convert_element_type3A_350 = arith.sitofp %convert_element_type3A_349 : vector<16xi32> to vector<16xf32>
          %convert_element_type3A_351 = arith.extui %and3A_327 : vector<16xi1> to vector<16xi32>
          %convert_element_type3A_352 = arith.sitofp %convert_element_type3A_351 : vector<16xi32> to vector<16xf32>
          %add3A_353 = arith.addf %add3A_299, %convert_element_type3A_352 : vector<16xf32>
          %mul3A_354 = arith.mulf %convert_element_type3A_350, %convert_element_type3A_338 : vector<16xf32>
          %add3A_355 = arith.addf %add3A_301, %mul3A_354 : vector<16xf32>
          %mul3A_356 = arith.mulf %convert_element_type3A_352, %convert_element_type3A_338 : vector<16xf32>
          %add3A_357 = arith.addf %add3A_303, %mul3A_356 : vector<16xf32>
          %mul3A_358 = arith.mulf %convert_element_type3A_350, %get3A_348 : vector<16xf32>
          %add3A_359 = arith.addf %add3A_305, %mul3A_358 : vector<16xf32>
          %mul3A_360 = arith.mulf %convert_element_type3A_352, %get3A_348 : vector<16xf32>
          %add3A_361 = arith.addf %add3A_307, %mul3A_360 : vector<16xf32>
          %mul3A_362 = arith.mulf %convert_element_type3A_352, %min3A_346 : vector<16xf32>
          %add3A_363 = arith.addf %add3A_309, %mul3A_362 : vector<16xf32>
          %mul3A_364 = arith.constant 128 : i32
          %mul3A_365 = arith.muli %add3A_259, %mul3A_364 : i32
          %add3A_366 = arith.constant 32 : i32
          %add3A_367 = arith.addi %mul3A_365, %add3A_366 : i32
          %add3A_368 = arith.addi %multiple_of3A_218, %add3A_367 : i32
          %add3A_369 = vector.broadcast %add3A_368 : i32 to vector<16xi32>
          %add3A_370 = arith.addi %add3A_369, %iota3A : vector<16xi32>
          %ge3A_371 = vector.broadcast %reduce_max3A_77 : i32 to vector<16xi32>
          %ge3A_372 = arith.cmpi sge, %add3A_370, %ge3A_371 : vector<16xi32>
          %lt3A_373 = vector.broadcast %reduce_max3A_90 : i32 to vector<16xi32>
          %lt3A_374 = arith.cmpi slt, %add3A_370, %lt3A_373 : vector<16xi32>
          %and3A_375 = arith.andi %ge3A_372, %lt3A_374 : vector<16xi1>
          %get3A_376 = arith.index_cast %add3A_367 : i32 to index
          %get3A_377 = tpu.vector_load %arg14[%get3A_376] {strides = array<i32>} : memref<8192xf32, #tpu.memory_space<vmem>>, vector<16xf32>,
          %gt3A_378 = arith.constant 0.000000e+00 : f32
          %gt3A_379 = vector.broadcast %gt3A_378 : f32 to vector<16xf32>
          %gt3A_380 = arith.cmpf ogt, %get3A_377, %gt3A_379 : vector<16xf32>
          %and3A_381 = arith.andi %and3A_375, %gt3A_380 : vector<16xi1>
          %get3A_382 = arith.index_cast %add3A_367 : i32 to index
          %get3A_383 = tpu.vector_load %arg12[%get3A_382] {strides = array<i32>} : memref<8192xi32, #tpu.memory_space<vmem>>, vector<16xi32>,
          tpu.vector_store_idx %arg18[%get3A_383], %broadcast_in_dim3A_5 masked %and3A_381 : memref<10112xf32, #tpu.memory_space<vmem>>[vector<16xi32>], vector<16xf32>, vector<16xi1>
          %get3A_384 = arith.index_cast %add3A_367 : i32 to index
          %get3A_385 = tpu.vector_load %arg13[%get3A_384] {strides = array<i32>} : memref<8192xi32, #tpu.memory_space<vmem>>, vector<16xi32>,
          tpu.vector_store_idx %arg18[%get3A_385], %broadcast_in_dim3A_5 masked %and3A_381 : memref<10112xf32, #tpu.memory_space<vmem>>[vector<16xi32>], vector<16xf32>, vector<16xi1>
          %get3A_386 = arith.index_cast %add3A_367 : i32 to index
          %get3A_387 = tpu.vector_load %arg15[%get3A_386] {strides = array<i32>} : memref<8192xf32, #tpu.memory_space<vmem>>, vector<16xf32>,
          %gt3A_388 = arith.constant 5.000000e-01 : f32
          %gt3A_389 = vector.broadcast %gt3A_388 : f32 to vector<16xf32>
          %gt3A_390 = arith.cmpf ogt, %get3A_387, %gt3A_389 : vector<16xf32>
          %convert_element_type3A_391 = arith.extui %gt3A_390 : vector<16xi1> to vector<16xi32>
          %convert_element_type3A_392 = arith.sitofp %convert_element_type3A_391 : vector<16xi32> to vector<16xf32>
          %get3A_393 = arith.index_cast %add3A_367 : i32 to index
          %get3A_394 = tpu.vector_load %arg16[%get3A_393] {strides = array<i32>} : memref<8192xf32, #tpu.memory_space<vmem>>, vector<16xf32>,
          %jit3A_395 = arith.constant 9.99999993E-9 : f32
          %jit3A_396 = arith.constant 1.000000e+00 : f32
          %max3A_397 = vector.broadcast %jit3A_395 : f32 to vector<16xf32>
          %max3A_398 = arith.maximumf %max3A_397, %get3A_394 : vector<16xf32>
          %min3A_399 = vector.broadcast %jit3A_396 : f32 to vector<16xf32>
          %min3A_400 = arith.minimumf %min3A_399, %max3A_398 : vector<16xf32>
          %get3A_401 = arith.index_cast %add3A_367 : i32 to index
          %get3A_402 = tpu.vector_load %arg17[%get3A_401] {strides = array<i32>} : memref<8192xf32, #tpu.memory_space<vmem>>, vector<16xf32>,
          %convert_element_type3A_403 = arith.extui %and3A_375 : vector<16xi1> to vector<16xi32>
          %convert_element_type3A_404 = arith.sitofp %convert_element_type3A_403 : vector<16xi32> to vector<16xf32>
          %convert_element_type3A_405 = arith.extui %and3A_381 : vector<16xi1> to vector<16xi32>
          %convert_element_type3A_406 = arith.sitofp %convert_element_type3A_405 : vector<16xi32> to vector<16xf32>
          %add3A_407 = arith.addf %add3A_353, %convert_element_type3A_406 : vector<16xf32>
          %mul3A_408 = arith.mulf %convert_element_type3A_404, %convert_element_type3A_392 : vector<16xf32>
          %add3A_409 = arith.addf %add3A_355, %mul3A_408 : vector<16xf32>
          %mul3A_410 = arith.mulf %convert_element_type3A_406, %convert_element_type3A_392 : vector<16xf32>
          %add3A_411 = arith.addf %add3A_357, %mul3A_410 : vector<16xf32>
          %mul3A_412 = arith.mulf %convert_element_type3A_404, %get3A_402 : vector<16xf32>
          %add3A_413 = arith.addf %add3A_359, %mul3A_412 : vector<16xf32>
          %mul3A_414 = arith.mulf %convert_element_type3A_406, %get3A_402 : vector<16xf32>
          %add3A_415 = arith.addf %add3A_361, %mul3A_414 : vector<16xf32>
          %mul3A_416 = arith.mulf %convert_element_type3A_406, %min3A_400 : vector<16xf32>
          %add3A_417 = arith.addf %add3A_363, %mul3A_416 : vector<16xf32>
          %mul3A_418 = arith.constant 128 : i32
          %mul3A_419 = arith.muli %add3A_259, %mul3A_418 : i32
          %add3A_420 = arith.constant 48 : i32
          %add3A_421 = arith.addi %mul3A_419, %add3A_420 : i32
          %add3A_422 = arith.addi %multiple_of3A_218, %add3A_421 : i32
          %add3A_423 = vector.broadcast %add3A_422 : i32 to vector<16xi32>
          %add3A_424 = arith.addi %add3A_423, %iota3A : vector<16xi32>
          %ge3A_425 = vector.broadcast %reduce_max3A_77 : i32 to vector<16xi32>
          %ge3A_426 = arith.cmpi sge, %add3A_424, %ge3A_425 : vector<16xi32>
          %lt3A_427 = vector.broadcast %reduce_max3A_90 : i32 to vector<16xi32>
          %lt3A_428 = arith.cmpi slt, %add3A_424, %lt3A_427 : vector<16xi32>
          %and3A_429 = arith.andi %ge3A_426, %lt3A_428 : vector<16xi1>
          %get3A_430 = arith.index_cast %add3A_421 : i32 to index
          %get3A_431 = tpu.vector_load %arg14[%get3A_430] {strides = array<i32>} : memref<8192xf32, #tpu.memory_space<vmem>>, vector<16xf32>,
          %gt3A_432 = arith.constant 0.000000e+00 : f32
          %gt3A_433 = vector.broadcast %gt3A_432 : f32 to vector<16xf32>
          %gt3A_434 = arith.cmpf ogt, %get3A_431, %gt3A_433 : vector<16xf32>
          %and3A_435 = arith.andi %and3A_429, %gt3A_434 : vector<16xi1>
          %get3A_436 = arith.index_cast %add3A_421 : i32 to index
          %get3A_437 = tpu.vector_load %arg12[%get3A_436] {strides = array<i32>} : memref<8192xi32, #tpu.memory_space<vmem>>, vector<16xi32>,
          tpu.vector_store_idx %arg18[%get3A_437], %broadcast_in_dim3A_5 masked %and3A_435 : memref<10112xf32, #tpu.memory_space<vmem>>[vector<16xi32>], vector<16xf32>, vector<16xi1>
          %get3A_438 = arith.index_cast %add3A_421 : i32 to index
          %get3A_439 = tpu.vector_load %arg13[%get3A_438] {strides = array<i32>} : memref<8192xi32, #tpu.memory_space<vmem>>, vector<16xi32>,
          tpu.vector_store_idx %arg18[%get3A_439], %broadcast_in_dim3A_5 masked %and3A_435 : memref<10112xf32, #tpu.memory_space<vmem>>[vector<16xi32>], vector<16xf32>, vector<16xi1>
          %get3A_440 = arith.index_cast %add3A_421 : i32 to index
          %get3A_441 = tpu.vector_load %arg15[%get3A_440] {strides = array<i32>} : memref<8192xf32, #tpu.memory_space<vmem>>, vector<16xf32>,
          %gt3A_442 = arith.constant 5.000000e-01 : f32
          %gt3A_443 = vector.broadcast %gt3A_442 : f32 to vector<16xf32>
          %gt3A_444 = arith.cmpf ogt, %get3A_441, %gt3A_443 : vector<16xf32>
          %convert_element_type3A_445 = arith.extui %gt3A_444 : vector<16xi1> to vector<16xi32>
          %convert_element_type3A_446 = arith.sitofp %convert_element_type3A_445 : vector<16xi32> to vector<16xf32>
          %get3A_447 = arith.index_cast %add3A_421 : i32 to index
          %get3A_448 = tpu.vector_load %arg16[%get3A_447] {strides = array<i32>} : memref<8192xf32, #tpu.memory_space<vmem>>, vector<16xf32>,
          %jit3A_449 = arith.constant 9.99999993E-9 : f32
          %jit3A_450 = arith.constant 1.000000e+00 : f32
          %max3A_451 = vector.broadcast %jit3A_449 : f32 to vector<16xf32>
          %max3A_452 = arith.maximumf %max3A_451, %get3A_448 : vector<16xf32>
          %min3A_453 = vector.broadcast %jit3A_450 : f32 to vector<16xf32>
          %min3A_454 = arith.minimumf %min3A_453, %max3A_452 : vector<16xf32>
          %get3A_455 = arith.index_cast %add3A_421 : i32 to index
          %get3A_456 = tpu.vector_load %arg17[%get3A_455] {strides = array<i32>} : memref<8192xf32, #tpu.memory_space<vmem>>, vector<16xf32>,
          %convert_element_type3A_457 = arith.extui %and3A_429 : vector<16xi1> to vector<16xi32>
          %convert_element_type3A_458 = arith.sitofp %convert_element_type3A_457 : vector<16xi32> to vector<16xf32>
          %convert_element_type3A_459 = arith.extui %and3A_435 : vector<16xi1> to vector<16xi32>
          %convert_element_type3A_460 = arith.sitofp %convert_element_type3A_459 : vector<16xi32> to vector<16xf32>
          %add3A_461 = arith.addf %add3A_407, %convert_element_type3A_460 : vector<16xf32>
          %mul3A_462 = arith.mulf %convert_element_type3A_458, %convert_element_type3A_446 : vector<16xf32>
          %add3A_463 = arith.addf %add3A_409, %mul3A_462 : vector<16xf32>
          %mul3A_464 = arith.mulf %convert_element_type3A_460, %convert_element_type3A_446 : vector<16xf32>
          %add3A_465 = arith.addf %add3A_411, %mul3A_464 : vector<16xf32>
          %mul3A_466 = arith.mulf %convert_element_type3A_458, %get3A_456 : vector<16xf32>
          %add3A_467 = arith.addf %add3A_413, %mul3A_466 : vector<16xf32>
          %mul3A_468 = arith.mulf %convert_element_type3A_460, %get3A_456 : vector<16xf32>
          %add3A_469 = arith.addf %add3A_415, %mul3A_468 : vector<16xf32>
          %mul3A_470 = arith.mulf %convert_element_type3A_460, %min3A_454 : vector<16xf32>
          %add3A_471 = arith.addf %add3A_417, %mul3A_470 : vector<16xf32>
          %mul3A_472 = arith.constant 128 : i32
          %mul3A_473 = arith.muli %add3A_259, %mul3A_472 : i32
          %add3A_474 = arith.constant 64 : i32
          %add3A_475 = arith.addi %mul3A_473, %add3A_474 : i32
          %add3A_476 = arith.addi %multiple_of3A_218, %add3A_475 : i32
          %add3A_477 = vector.broadcast %add3A_476 : i32 to vector<16xi32>
          %add3A_478 = arith.addi %add3A_477, %iota3A : vector<16xi32>
          %ge3A_479 = vector.broadcast %reduce_max3A_77 : i32 to vector<16xi32>
          %ge3A_480 = arith.cmpi sge, %add3A_478, %ge3A_479 : vector<16xi32>
          %lt3A_481 = vector.broadcast %reduce_max3A_90 : i32 to vector<16xi32>
          %lt3A_482 = arith.cmpi slt, %add3A_478, %lt3A_481 : vector<16xi32>
          %and3A_483 = arith.andi %ge3A_480, %lt3A_482 : vector<16xi1>
          %get3A_484 = arith.index_cast %add3A_475 : i32 to index
          %get3A_485 = tpu.vector_load %arg14[%get3A_484] {strides = array<i32>} : memref<8192xf32, #tpu.memory_space<vmem>>, vector<16xf32>,
          %gt3A_486 = arith.constant 0.000000e+00 : f32
          %gt3A_487 = vector.broadcast %gt3A_486 : f32 to vector<16xf32>
          %gt3A_488 = arith.cmpf ogt, %get3A_485, %gt3A_487 : vector<16xf32>
          %and3A_489 = arith.andi %and3A_483, %gt3A_488 : vector<16xi1>
          %get3A_490 = arith.index_cast %add3A_475 : i32 to index
          %get3A_491 = tpu.vector_load %arg12[%get3A_490] {strides = array<i32>} : memref<8192xi32, #tpu.memory_space<vmem>>, vector<16xi32>,
          tpu.vector_store_idx %arg18[%get3A_491], %broadcast_in_dim3A_5 masked %and3A_489 : memref<10112xf32, #tpu.memory_space<vmem>>[vector<16xi32>], vector<16xf32>, vector<16xi1>
          %get3A_492 = arith.index_cast %add3A_475 : i32 to index
          %get3A_493 = tpu.vector_load %arg13[%get3A_492] {strides = array<i32>} : memref<8192xi32, #tpu.memory_space<vmem>>, vector<16xi32>,
          tpu.vector_store_idx %arg18[%get3A_493], %broadcast_in_dim3A_5 masked %and3A_489 : memref<10112xf32, #tpu.memory_space<vmem>>[vector<16xi32>], vector<16xf32>, vector<16xi1>
          %get3A_494 = arith.index_cast %add3A_475 : i32 to index
          %get3A_495 = tpu.vector_load %arg15[%get3A_494] {strides = array<i32>} : memref<8192xf32, #tpu.memory_space<vmem>>, vector<16xf32>,
          %gt3A_496 = arith.constant 5.000000e-01 : f32
          %gt3A_497 = vector.broadcast %gt3A_496 : f32 to vector<16xf32>
          %gt3A_498 = arith.cmpf ogt, %get3A_495, %gt3A_497 : vector<16xf32>
          %convert_element_type3A_499 = arith.extui %gt3A_498 : vector<16xi1> to vector<16xi32>
          %convert_element_type3A_500 = arith.sitofp %convert_element_type3A_499 : vector<16xi32> to vector<16xf32>
          %get3A_501 = arith.index_cast %add3A_475 : i32 to index
          %get3A_502 = tpu.vector_load %arg16[%get3A_501] {strides = array<i32>} : memref<8192xf32, #tpu.memory_space<vmem>>, vector<16xf32>,
          %jit3A_503 = arith.constant 9.99999993E-9 : f32
          %jit3A_504 = arith.constant 1.000000e+00 : f32
          %max3A_505 = vector.broadcast %jit3A_503 : f32 to vector<16xf32>
          %max3A_506 = arith.maximumf %max3A_505, %get3A_502 : vector<16xf32>
          %min3A_507 = vector.broadcast %jit3A_504 : f32 to vector<16xf32>
          %min3A_508 = arith.minimumf %min3A_507, %max3A_506 : vector<16xf32>
          %get3A_509 = arith.index_cast %add3A_475 : i32 to index
          %get3A_510 = tpu.vector_load %arg17[%get3A_509] {strides = array<i32>} : memref<8192xf32, #tpu.memory_space<vmem>>, vector<16xf32>,
          %convert_element_type3A_511 = arith.extui %and3A_483 : vector<16xi1> to vector<16xi32>
          %convert_element_type3A_512 = arith.sitofp %convert_element_type3A_511 : vector<16xi32> to vector<16xf32>
          %convert_element_type3A_513 = arith.extui %and3A_489 : vector<16xi1> to vector<16xi32>
          %convert_element_type3A_514 = arith.sitofp %convert_element_type3A_513 : vector<16xi32> to vector<16xf32>
          %add3A_515 = arith.addf %add3A_461, %convert_element_type3A_514 : vector<16xf32>
          %mul3A_516 = arith.mulf %convert_element_type3A_512, %convert_element_type3A_500 : vector<16xf32>
          %add3A_517 = arith.addf %add3A_463, %mul3A_516 : vector<16xf32>
          %mul3A_518 = arith.mulf %convert_element_type3A_514, %convert_element_type3A_500 : vector<16xf32>
          %add3A_519 = arith.addf %add3A_465, %mul3A_518 : vector<16xf32>
          %mul3A_520 = arith.mulf %convert_element_type3A_512, %get3A_510 : vector<16xf32>
          %add3A_521 = arith.addf %add3A_467, %mul3A_520 : vector<16xf32>
          %mul3A_522 = arith.mulf %convert_element_type3A_514, %get3A_510 : vector<16xf32>
          %add3A_523 = arith.addf %add3A_469, %mul3A_522 : vector<16xf32>
          %mul3A_524 = arith.mulf %convert_element_type3A_514, %min3A_508 : vector<16xf32>
          %add3A_525 = arith.addf %add3A_471, %mul3A_524 : vector<16xf32>
          %mul3A_526 = arith.constant 128 : i32
          %mul3A_527 = arith.muli %add3A_259, %mul3A_526 : i32
          %add3A_528 = arith.constant 80 : i32
          %add3A_529 = arith.addi %mul3A_527, %add3A_528 : i32
          %add3A_530 = arith.addi %multiple_of3A_218, %add3A_529 : i32
          %add3A_531 = vector.broadcast %add3A_530 : i32 to vector<16xi32>
          %add3A_532 = arith.addi %add3A_531, %iota3A : vector<16xi32>
          %ge3A_533 = vector.broadcast %reduce_max3A_77 : i32 to vector<16xi32>
          %ge3A_534 = arith.cmpi sge, %add3A_532, %ge3A_533 : vector<16xi32>
          %lt3A_535 = vector.broadcast %reduce_max3A_90 : i32 to vector<16xi32>
          %lt3A_536 = arith.cmpi slt, %add3A_532, %lt3A_535 : vector<16xi32>
          %and3A_537 = arith.andi %ge3A_534, %lt3A_536 : vector<16xi1>
          %get3A_538 = arith.index_cast %add3A_529 : i32 to index
          %get3A_539 = tpu.vector_load %arg14[%get3A_538] {strides = array<i32>} : memref<8192xf32, #tpu.memory_space<vmem>>, vector<16xf32>,
          %gt3A_540 = arith.constant 0.000000e+00 : f32
          %gt3A_541 = vector.broadcast %gt3A_540 : f32 to vector<16xf32>
          %gt3A_542 = arith.cmpf ogt, %get3A_539, %gt3A_541 : vector<16xf32>
          %and3A_543 = arith.andi %and3A_537, %gt3A_542 : vector<16xi1>
          %get3A_544 = arith.index_cast %add3A_529 : i32 to index
          %get3A_545 = tpu.vector_load %arg12[%get3A_544] {strides = array<i32>} : memref<8192xi32, #tpu.memory_space<vmem>>, vector<16xi32>,
          tpu.vector_store_idx %arg18[%get3A_545], %broadcast_in_dim3A_5 masked %and3A_543 : memref<10112xf32, #tpu.memory_space<vmem>>[vector<16xi32>], vector<16xf32>, vector<16xi1>
          %get3A_546 = arith.index_cast %add3A_529 : i32 to index
          %get3A_547 = tpu.vector_load %arg13[%get3A_546] {strides = array<i32>} : memref<8192xi32, #tpu.memory_space<vmem>>, vector<16xi32>,
          tpu.vector_store_idx %arg18[%get3A_547], %broadcast_in_dim3A_5 masked %and3A_543 : memref<10112xf32, #tpu.memory_space<vmem>>[vector<16xi32>], vector<16xf32>, vector<16xi1>
          %get3A_548 = arith.index_cast %add3A_529 : i32 to index
          %get3A_549 = tpu.vector_load %arg15[%get3A_548] {strides = array<i32>} : memref<8192xf32, #tpu.memory_space<vmem>>, vector<16xf32>,
          %gt3A_550 = arith.constant 5.000000e-01 : f32
          %gt3A_551 = vector.broadcast %gt3A_550 : f32 to vector<16xf32>
          %gt3A_552 = arith.cmpf ogt, %get3A_549, %gt3A_551 : vector<16xf32>
          %convert_element_type3A_553 = arith.extui %gt3A_552 : vector<16xi1> to vector<16xi32>
          %convert_element_type3A_554 = arith.sitofp %convert_element_type3A_553 : vector<16xi32> to vector<16xf32>
          %get3A_555 = arith.index_cast %add3A_529 : i32 to index
          %get3A_556 = tpu.vector_load %arg16[%get3A_555] {strides = array<i32>} : memref<8192xf32, #tpu.memory_space<vmem>>, vector<16xf32>,
          %jit3A_557 = arith.constant 9.99999993E-9 : f32
          %jit3A_558 = arith.constant 1.000000e+00 : f32
          %max3A_559 = vector.broadcast %jit3A_557 : f32 to vector<16xf32>
          %max3A_560 = arith.maximumf %max3A_559, %get3A_556 : vector<16xf32>
          %min3A_561 = vector.broadcast %jit3A_558 : f32 to vector<16xf32>
          %min3A_562 = arith.minimumf %min3A_561, %max3A_560 : vector<16xf32>
          %get3A_563 = arith.index_cast %add3A_529 : i32 to index
          %get3A_564 = tpu.vector_load %arg17[%get3A_563] {strides = array<i32>} : memref<8192xf32, #tpu.memory_space<vmem>>, vector<16xf32>,
          %convert_element_type3A_565 = arith.extui %and3A_537 : vector<16xi1> to vector<16xi32>
          %convert_element_type3A_566 = arith.sitofp %convert_element_type3A_565 : vector<16xi32> to vector<16xf32>
          %convert_element_type3A_567 = arith.extui %and3A_543 : vector<16xi1> to vector<16xi32>
          %convert_element_type3A_568 = arith.sitofp %convert_element_type3A_567 : vector<16xi32> to vector<16xf32>
          %add3A_569 = arith.addf %add3A_515, %convert_element_type3A_568 : vector<16xf32>
          %mul3A_570 = arith.mulf %convert_element_type3A_566, %convert_element_type3A_554 : vector<16xf32>
          %add3A_571 = arith.addf %add3A_517, %mul3A_570 : vector<16xf32>
          %mul3A_572 = arith.mulf %convert_element_type3A_568, %convert_element_type3A_554 : vector<16xf32>
          %add3A_573 = arith.addf %add3A_519, %mul3A_572 : vector<16xf32>
          %mul3A_574 = arith.mulf %convert_element_type3A_566, %get3A_564 : vector<16xf32>
          %add3A_575 = arith.addf %add3A_521, %mul3A_574 : vector<16xf32>
          %mul3A_576 = arith.mulf %convert_element_type3A_568, %get3A_564 : vector<16xf32>
          %add3A_577 = arith.addf %add3A_523, %mul3A_576 : vector<16xf32>
          %mul3A_578 = arith.mulf %convert_element_type3A_568, %min3A_562 : vector<16xf32>
          %add3A_579 = arith.addf %add3A_525, %mul3A_578 : vector<16xf32>
          %mul3A_580 = arith.constant 128 : i32
          %mul3A_581 = arith.muli %add3A_259, %mul3A_580 : i32
          %add3A_582 = arith.constant 96 : i32
          %add3A_583 = arith.addi %mul3A_581, %add3A_582 : i32
          %add3A_584 = arith.addi %multiple_of3A_218, %add3A_583 : i32
          %add3A_585 = vector.broadcast %add3A_584 : i32 to vector<16xi32>
          %add3A_586 = arith.addi %add3A_585, %iota3A : vector<16xi32>
          %ge3A_587 = vector.broadcast %reduce_max3A_77 : i32 to vector<16xi32>
          %ge3A_588 = arith.cmpi sge, %add3A_586, %ge3A_587 : vector<16xi32>
          %lt3A_589 = vector.broadcast %reduce_max3A_90 : i32 to vector<16xi32>
          %lt3A_590 = arith.cmpi slt, %add3A_586, %lt3A_589 : vector<16xi32>
          %and3A_591 = arith.andi %ge3A_588, %lt3A_590 : vector<16xi1>
          %get3A_592 = arith.index_cast %add3A_583 : i32 to index
          %get3A_593 = tpu.vector_load %arg14[%get3A_592] {strides = array<i32>} : memref<8192xf32, #tpu.memory_space<vmem>>, vector<16xf32>,
          %gt3A_594 = arith.constant 0.000000e+00 : f32
          %gt3A_595 = vector.broadcast %gt3A_594 : f32 to vector<16xf32>
          %gt3A_596 = arith.cmpf ogt, %get3A_593, %gt3A_595 : vector<16xf32>
          %and3A_597 = arith.andi %and3A_591, %gt3A_596 : vector<16xi1>
          %get3A_598 = arith.index_cast %add3A_583 : i32 to index
          %get3A_599 = tpu.vector_load %arg12[%get3A_598] {strides = array<i32>} : memref<8192xi32, #tpu.memory_space<vmem>>, vector<16xi32>,
          tpu.vector_store_idx %arg18[%get3A_599], %broadcast_in_dim3A_5 masked %and3A_597 : memref<10112xf32, #tpu.memory_space<vmem>>[vector<16xi32>], vector<16xf32>, vector<16xi1>
          %get3A_600 = arith.index_cast %add3A_583 : i32 to index
          %get3A_601 = tpu.vector_load %arg13[%get3A_600] {strides = array<i32>} : memref<8192xi32, #tpu.memory_space<vmem>>, vector<16xi32>,
          tpu.vector_store_idx %arg18[%get3A_601], %broadcast_in_dim3A_5 masked %and3A_597 : memref<10112xf32, #tpu.memory_space<vmem>>[vector<16xi32>], vector<16xf32>, vector<16xi1>
          %get3A_602 = arith.index_cast %add3A_583 : i32 to index
          %get3A_603 = tpu.vector_load %arg15[%get3A_602] {strides = array<i32>} : memref<8192xf32, #tpu.memory_space<vmem>>, vector<16xf32>,
          %gt3A_604 = arith.constant 5.000000e-01 : f32
          %gt3A_605 = vector.broadcast %gt3A_604 : f32 to vector<16xf32>
          %gt3A_606 = arith.cmpf ogt, %get3A_603, %gt3A_605 : vector<16xf32>
          %convert_element_type3A_607 = arith.extui %gt3A_606 : vector<16xi1> to vector<16xi32>
          %convert_element_type3A_608 = arith.sitofp %convert_element_type3A_607 : vector<16xi32> to vector<16xf32>
          %get3A_609 = arith.index_cast %add3A_583 : i32 to index
          %get3A_610 = tpu.vector_load %arg16[%get3A_609] {strides = array<i32>} : memref<8192xf32, #tpu.memory_space<vmem>>, vector<16xf32>,
          %jit3A_611 = arith.constant 9.99999993E-9 : f32
          %jit3A_612 = arith.constant 1.000000e+00 : f32
          %max3A_613 = vector.broadcast %jit3A_611 : f32 to vector<16xf32>
          %max3A_614 = arith.maximumf %max3A_613, %get3A_610 : vector<16xf32>
          %min3A_615 = vector.broadcast %jit3A_612 : f32 to vector<16xf32>
          %min3A_616 = arith.minimumf %min3A_615, %max3A_614 : vector<16xf32>
          %get3A_617 = arith.index_cast %add3A_583 : i32 to index
          %get3A_618 = tpu.vector_load %arg17[%get3A_617] {strides = array<i32>} : memref<8192xf32, #tpu.memory_space<vmem>>, vector<16xf32>,
          %convert_element_type3A_619 = arith.extui %and3A_591 : vector<16xi1> to vector<16xi32>
          %convert_element_type3A_620 = arith.sitofp %convert_element_type3A_619 : vector<16xi32> to vector<16xf32>
          %convert_element_type3A_621 = arith.extui %and3A_597 : vector<16xi1> to vector<16xi32>
          %convert_element_type3A_622 = arith.sitofp %convert_element_type3A_621 : vector<16xi32> to vector<16xf32>
          %add3A_623 = arith.addf %add3A_569, %convert_element_type3A_622 : vector<16xf32>
          %mul3A_624 = arith.mulf %convert_element_type3A_620, %convert_element_type3A_608 : vector<16xf32>
          %add3A_625 = arith.addf %add3A_571, %mul3A_624 : vector<16xf32>
          %mul3A_626 = arith.mulf %convert_element_type3A_622, %convert_element_type3A_608 : vector<16xf32>
          %add3A_627 = arith.addf %add3A_573, %mul3A_626 : vector<16xf32>
          %mul3A_628 = arith.mulf %convert_element_type3A_620, %get3A_618 : vector<16xf32>
          %add3A_629 = arith.addf %add3A_575, %mul3A_628 : vector<16xf32>
          %mul3A_630 = arith.mulf %convert_element_type3A_622, %get3A_618 : vector<16xf32>
          %add3A_631 = arith.addf %add3A_577, %mul3A_630 : vector<16xf32>
          %mul3A_632 = arith.mulf %convert_element_type3A_622, %min3A_616 : vector<16xf32>
          %add3A_633 = arith.addf %add3A_579, %mul3A_632 : vector<16xf32>
          %mul3A_634 = arith.constant 128 : i32
          %mul3A_635 = arith.muli %add3A_259, %mul3A_634 : i32
          %add3A_636 = arith.constant 112 : i32
          %add3A_637 = arith.addi %mul3A_635, %add3A_636 : i32
          %add3A_638 = arith.addi %multiple_of3A_218, %add3A_637 : i32
          %add3A_639 = vector.broadcast %add3A_638 : i32 to vector<16xi32>
          %add3A_640 = arith.addi %add3A_639, %iota3A : vector<16xi32>
          %ge3A_641 = vector.broadcast %reduce_max3A_77 : i32 to vector<16xi32>
          %ge3A_642 = arith.cmpi sge, %add3A_640, %ge3A_641 : vector<16xi32>
          %lt3A_643 = vector.broadcast %reduce_max3A_90 : i32 to vector<16xi32>
          %lt3A_644 = arith.cmpi slt, %add3A_640, %lt3A_643 : vector<16xi32>
          %and3A_645 = arith.andi %ge3A_642, %lt3A_644 : vector<16xi1>
          %get3A_646 = arith.index_cast %add3A_637 : i32 to index
          %get3A_647 = tpu.vector_load %arg14[%get3A_646] {strides = array<i32>} : memref<8192xf32, #tpu.memory_space<vmem>>, vector<16xf32>,
          %gt3A_648 = arith.constant 0.000000e+00 : f32
          %gt3A_649 = vector.broadcast %gt3A_648 : f32 to vector<16xf32>
          %gt3A_650 = arith.cmpf ogt, %get3A_647, %gt3A_649 : vector<16xf32>
          %and3A_651 = arith.andi %and3A_645, %gt3A_650 : vector<16xi1>
          %get3A_652 = arith.index_cast %add3A_637 : i32 to index
          %get3A_653 = tpu.vector_load %arg12[%get3A_652] {strides = array<i32>} : memref<8192xi32, #tpu.memory_space<vmem>>, vector<16xi32>,
          tpu.vector_store_idx %arg18[%get3A_653], %broadcast_in_dim3A_5 masked %and3A_651 : memref<10112xf32, #tpu.memory_space<vmem>>[vector<16xi32>], vector<16xf32>, vector<16xi1>
          %get3A_654 = arith.index_cast %add3A_637 : i32 to index
          %get3A_655 = tpu.vector_load %arg13[%get3A_654] {strides = array<i32>} : memref<8192xi32, #tpu.memory_space<vmem>>, vector<16xi32>,
          tpu.vector_store_idx %arg18[%get3A_655], %broadcast_in_dim3A_5 masked %and3A_651 : memref<10112xf32, #tpu.memory_space<vmem>>[vector<16xi32>], vector<16xf32>, vector<16xi1>
          %get3A_656 = arith.index_cast %add3A_637 : i32 to index
          %get3A_657 = tpu.vector_load %arg15[%get3A_656] {strides = array<i32>} : memref<8192xf32, #tpu.memory_space<vmem>>, vector<16xf32>,
          %gt3A_658 = arith.constant 5.000000e-01 : f32
          %gt3A_659 = vector.broadcast %gt3A_658 : f32 to vector<16xf32>
          %gt3A_660 = arith.cmpf ogt, %get3A_657, %gt3A_659 : vector<16xf32>
          %convert_element_type3A_661 = arith.extui %gt3A_660 : vector<16xi1> to vector<16xi32>
          %convert_element_type3A_662 = arith.sitofp %convert_element_type3A_661 : vector<16xi32> to vector<16xf32>
          %get3A_663 = arith.index_cast %add3A_637 : i32 to index
          %get3A_664 = tpu.vector_load %arg16[%get3A_663] {strides = array<i32>} : memref<8192xf32, #tpu.memory_space<vmem>>, vector<16xf32>,
          %jit3A_665 = arith.constant 9.99999993E-9 : f32
          %jit3A_666 = arith.constant 1.000000e+00 : f32
          %max3A_667 = vector.broadcast %jit3A_665 : f32 to vector<16xf32>
          %max3A_668 = arith.maximumf %max3A_667, %get3A_664 : vector<16xf32>
          %min3A_669 = vector.broadcast %jit3A_666 : f32 to vector<16xf32>
          %min3A_670 = arith.minimumf %min3A_669, %max3A_668 : vector<16xf32>
          %get3A_671 = arith.index_cast %add3A_637 : i32 to index
          %get3A_672 = tpu.vector_load %arg17[%get3A_671] {strides = array<i32>} : memref<8192xf32, #tpu.memory_space<vmem>>, vector<16xf32>,
          %convert_element_type3A_673 = arith.extui %and3A_645 : vector<16xi1> to vector<16xi32>
          %convert_element_type3A_674 = arith.sitofp %convert_element_type3A_673 : vector<16xi32> to vector<16xf32>
          %convert_element_type3A_675 = arith.extui %and3A_651 : vector<16xi1> to vector<16xi32>
          %convert_element_type3A_676 = arith.sitofp %convert_element_type3A_675 : vector<16xi32> to vector<16xf32>
          %add3A_677 = arith.addf %add3A_623, %convert_element_type3A_676 : vector<16xf32>
          %mul3A_678 = arith.mulf %convert_element_type3A_674, %convert_element_type3A_662 : vector<16xf32>
          %add3A_679 = arith.addf %add3A_625, %mul3A_678 : vector<16xf32>
          %mul3A_680 = arith.mulf %convert_element_type3A_676, %convert_element_type3A_662 : vector<16xf32>
          %add3A_681 = arith.addf %add3A_627, %mul3A_680 : vector<16xf32>
          %mul3A_682 = arith.mulf %convert_element_type3A_674, %get3A_672 : vector<16xf32>
          %add3A_683 = arith.addf %add3A_629, %mul3A_682 : vector<16xf32>
          %mul3A_684 = arith.mulf %convert_element_type3A_676, %get3A_672 : vector<16xf32>
          %add3A_685 = arith.addf %add3A_631, %mul3A_684 : vector<16xf32>
          %mul3A_686 = arith.mulf %convert_element_type3A_676, %min3A_670 : vector<16xf32>
          %add3A_687 = arith.addf %add3A_633, %mul3A_686 : vector<16xf32>
          %scan3A_688 = arith.constant 1 : i32
          %scan3A_689 = arith.addi %scan3A_249, %scan3A_688 : i32
          %mul3A_690 = arith.constant 1 : i32
          %mul3A_691 = arith.muli %scan3A_689, %mul3A_690 : i32
          %add3A_692 = arith.constant 0 : i32
          %add3A_693 = arith.addi %add3A_692, %mul3A_691 : i32
          %mul3A_694 = arith.constant 128 : i32
          %mul3A_695 = arith.muli %add3A_693, %mul3A_694 : i32
          %add3A_696 = arith.constant 0 : i32
          %add3A_697 = arith.addi %mul3A_695, %add3A_696 : i32
          %add3A_698 = arith.addi %multiple_of3A_218, %add3A_697 : i32
          %add3A_699 = vector.broadcast %add3A_698 : i32 to vector<16xi32>
          %add3A_700 = arith.addi %add3A_699, %iota3A : vector<16xi32>
          %ge3A_701 = vector.broadcast %reduce_max3A_77 : i32 to vector<16xi32>
          %ge3A_702 = arith.cmpi sge, %add3A_700, %ge3A_701 : vector<16xi32>
          %lt3A_703 = vector.broadcast %reduce_max3A_90 : i32 to vector<16xi32>
          %lt3A_704 = arith.cmpi slt, %add3A_700, %lt3A_703 : vector<16xi32>
          %and3A_705 = arith.andi %ge3A_702, %lt3A_704 : vector<16xi1>
          %get3A_706 = arith.index_cast %add3A_697 : i32 to index
          %get3A_707 = tpu.vector_load %arg14[%get3A_706] {strides = array<i32>} : memref<8192xf32, #tpu.memory_space<vmem>>, vector<16xf32>,
          %gt3A_708 = arith.constant 0.000000e+00 : f32
          %gt3A_709 = vector.broadcast %gt3A_708 : f32 to vector<16xf32>
          %gt3A_710 = arith.cmpf ogt, %get3A_707, %gt3A_709 : vector<16xf32>
          %and3A_711 = arith.andi %and3A_705, %gt3A_710 : vector<16xi1>
          %get3A_712 = arith.index_cast %add3A_697 : i32 to index
          %get3A_713 = tpu.vector_load %arg12[%get3A_712] {strides = array<i32>} : memref<8192xi32, #tpu.memory_space<vmem>>, vector<16xi32>,
          tpu.vector_store_idx %arg18[%get3A_713], %broadcast_in_dim3A_5 masked %and3A_711 : memref<10112xf32, #tpu.memory_space<vmem>>[vector<16xi32>], vector<16xf32>, vector<16xi1>
          %get3A_714 = arith.index_cast %add3A_697 : i32 to index
          %get3A_715 = tpu.vector_load %arg13[%get3A_714] {strides = array<i32>} : memref<8192xi32, #tpu.memory_space<vmem>>, vector<16xi32>,
          tpu.vector_store_idx %arg18[%get3A_715], %broadcast_in_dim3A_5 masked %and3A_711 : memref<10112xf32, #tpu.memory_space<vmem>>[vector<16xi32>], vector<16xf32>, vector<16xi1>
          %get3A_716 = arith.index_cast %add3A_697 : i32 to index
          %get3A_717 = tpu.vector_load %arg15[%get3A_716] {strides = array<i32>} : memref<8192xf32, #tpu.memory_space<vmem>>, vector<16xf32>,
          %gt3A_718 = arith.constant 5.000000e-01 : f32
          %gt3A_719 = vector.broadcast %gt3A_718 : f32 to vector<16xf32>
          %gt3A_720 = arith.cmpf ogt, %get3A_717, %gt3A_719 : vector<16xf32>
          %convert_element_type3A_721 = arith.extui %gt3A_720 : vector<16xi1> to vector<16xi32>
          %convert_element_type3A_722 = arith.sitofp %convert_element_type3A_721 : vector<16xi32> to vector<16xf32>
          %get3A_723 = arith.index_cast %add3A_697 : i32 to index
          %get3A_724 = tpu.vector_load %arg16[%get3A_723] {strides = array<i32>} : memref<8192xf32, #tpu.memory_space<vmem>>, vector<16xf32>,
          %jit3A_725 = arith.constant 9.99999993E-9 : f32
          %jit3A_726 = arith.constant 1.000000e+00 : f32
          %max3A_727 = vector.broadcast %jit3A_725 : f32 to vector<16xf32>
          %max3A_728 = arith.maximumf %max3A_727, %get3A_724 : vector<16xf32>
          %min3A_729 = vector.broadcast %jit3A_726 : f32 to vector<16xf32>
          %min3A_730 = arith.minimumf %min3A_729, %max3A_728 : vector<16xf32>
          %get3A_731 = arith.index_cast %add3A_697 : i32 to index
          %get3A_732 = tpu.vector_load %arg17[%get3A_731] {strides = array<i32>} : memref<8192xf32, #tpu.memory_space<vmem>>, vector<16xf32>,
          %convert_element_type3A_733 = arith.extui %and3A_705 : vector<16xi1> to vector<16xi32>
          %convert_element_type3A_734 = arith.sitofp %convert_element_type3A_733 : vector<16xi32> to vector<16xf32>
          %convert_element_type3A_735 = arith.extui %and3A_711 : vector<16xi1> to vector<16xi32>
          %convert_element_type3A_736 = arith.sitofp %convert_element_type3A_735 : vector<16xi32> to vector<16xf32>
          %add3A_737 = arith.addf %add3A_677, %convert_element_type3A_736 : vector<16xf32>
          %mul3A_738 = arith.mulf %convert_element_type3A_734, %convert_element_type3A_722 : vector<16xf32>
          %add3A_739 = arith.addf %add3A_679, %mul3A_738 : vector<16xf32>
          %mul3A_740 = arith.mulf %convert_element_type3A_736, %convert_element_type3A_722 : vector<16xf32>
          %add3A_741 = arith.addf %add3A_681, %mul3A_740 : vector<16xf32>
          %mul3A_742 = arith.mulf %convert_element_type3A_734, %get3A_732 : vector<16xf32>
          %add3A_743 = arith.addf %add3A_683, %mul3A_742 : vector<16xf32>
          %mul3A_744 = arith.mulf %convert_element_type3A_736, %get3A_732 : vector<16xf32>
          %add3A_745 = arith.addf %add3A_685, %mul3A_744 : vector<16xf32>
          %mul3A_746 = arith.mulf %convert_element_type3A_736, %min3A_730 : vector<16xf32>
          %add3A_747 = arith.addf %add3A_687, %mul3A_746 : vector<16xf32>
          %mul3A_748 = arith.constant 128 : i32
          %mul3A_749 = arith.muli %add3A_693, %mul3A_748 : i32
          %add3A_750 = arith.constant 16 : i32
          %add3A_751 = arith.addi %mul3A_749, %add3A_750 : i32
          %add3A_752 = arith.addi %multiple_of3A_218, %add3A_751 : i32
          %add3A_753 = vector.broadcast %add3A_752 : i32 to vector<16xi32>
          %add3A_754 = arith.addi %add3A_753, %iota3A : vector<16xi32>
          %ge3A_755 = vector.broadcast %reduce_max3A_77 : i32 to vector<16xi32>
          %ge3A_756 = arith.cmpi sge, %add3A_754, %ge3A_755 : vector<16xi32>
          %lt3A_757 = vector.broadcast %reduce_max3A_90 : i32 to vector<16xi32>
          %lt3A_758 = arith.cmpi slt, %add3A_754, %lt3A_757 : vector<16xi32>
          %and3A_759 = arith.andi %ge3A_756, %lt3A_758 : vector<16xi1>
          %get3A_760 = arith.index_cast %add3A_751 : i32 to index
          %get3A_761 = tpu.vector_load %arg14[%get3A_760] {strides = array<i32>} : memref<8192xf32, #tpu.memory_space<vmem>>, vector<16xf32>,
          %gt3A_762 = arith.constant 0.000000e+00 : f32
          %gt3A_763 = vector.broadcast %gt3A_762 : f32 to vector<16xf32>
          %gt3A_764 = arith.cmpf ogt, %get3A_761, %gt3A_763 : vector<16xf32>
          %and3A_765 = arith.andi %and3A_759, %gt3A_764 : vector<16xi1>
          %get3A_766 = arith.index_cast %add3A_751 : i32 to index
          %get3A_767 = tpu.vector_load %arg12[%get3A_766] {strides = array<i32>} : memref<8192xi32, #tpu.memory_space<vmem>>, vector<16xi32>,
          tpu.vector_store_idx %arg18[%get3A_767], %broadcast_in_dim3A_5 masked %and3A_765 : memref<10112xf32, #tpu.memory_space<vmem>>[vector<16xi32>], vector<16xf32>, vector<16xi1>
          %get3A_768 = arith.index_cast %add3A_751 : i32 to index
          %get3A_769 = tpu.vector_load %arg13[%get3A_768] {strides = array<i32>} : memref<8192xi32, #tpu.memory_space<vmem>>, vector<16xi32>,
          tpu.vector_store_idx %arg18[%get3A_769], %broadcast_in_dim3A_5 masked %and3A_765 : memref<10112xf32, #tpu.memory_space<vmem>>[vector<16xi32>], vector<16xf32>, vector<16xi1>
          %get3A_770 = arith.index_cast %add3A_751 : i32 to index
          %get3A_771 = tpu.vector_load %arg15[%get3A_770] {strides = array<i32>} : memref<8192xf32, #tpu.memory_space<vmem>>, vector<16xf32>,
          %gt3A_772 = arith.constant 5.000000e-01 : f32
          %gt3A_773 = vector.broadcast %gt3A_772 : f32 to vector<16xf32>
          %gt3A_774 = arith.cmpf ogt, %get3A_771, %gt3A_773 : vector<16xf32>
          %convert_element_type3A_775 = arith.extui %gt3A_774 : vector<16xi1> to vector<16xi32>
          %convert_element_type3A_776 = arith.sitofp %convert_element_type3A_775 : vector<16xi32> to vector<16xf32>
          %get3A_777 = arith.index_cast %add3A_751 : i32 to index
          %get3A_778 = tpu.vector_load %arg16[%get3A_777] {strides = array<i32>} : memref<8192xf32, #tpu.memory_space<vmem>>, vector<16xf32>,
          %jit3A_779 = arith.constant 9.99999993E-9 : f32
          %jit3A_780 = arith.constant 1.000000e+00 : f32
          %max3A_781 = vector.broadcast %jit3A_779 : f32 to vector<16xf32>
          %max3A_782 = arith.maximumf %max3A_781, %get3A_778 : vector<16xf32>
          %min3A_783 = vector.broadcast %jit3A_780 : f32 to vector<16xf32>
          %min3A_784 = arith.minimumf %min3A_783, %max3A_782 : vector<16xf32>
          %get3A_785 = arith.index_cast %add3A_751 : i32 to index
          %get3A_786 = tpu.vector_load %arg17[%get3A_785] {strides = array<i32>} : memref<8192xf32, #tpu.memory_space<vmem>>, vector<16xf32>,
          %convert_element_type3A_787 = arith.extui %and3A_759 : vector<16xi1> to vector<16xi32>
          %convert_element_type3A_788 = arith.sitofp %convert_element_type3A_787 : vector<16xi32> to vector<16xf32>
          %convert_element_type3A_789 = arith.extui %and3A_765 : vector<16xi1> to vector<16xi32>
          %convert_element_type3A_790 = arith.sitofp %convert_element_type3A_789 : vector<16xi32> to vector<16xf32>
          %add3A_791 = arith.addf %add3A_737, %convert_element_type3A_790 : vector<16xf32>
          %mul3A_792 = arith.mulf %convert_element_type3A_788, %convert_element_type3A_776 : vector<16xf32>
          %add3A_793 = arith.addf %add3A_739, %mul3A_792 : vector<16xf32>
          %mul3A_794 = arith.mulf %convert_element_type3A_790, %convert_element_type3A_776 : vector<16xf32>
          %add3A_795 = arith.addf %add3A_741, %mul3A_794 : vector<16xf32>
          %mul3A_796 = arith.mulf %convert_element_type3A_788, %get3A_786 : vector<16xf32>
          %add3A_797 = arith.addf %add3A_743, %mul3A_796 : vector<16xf32>
          %mul3A_798 = arith.mulf %convert_element_type3A_790, %get3A_786 : vector<16xf32>
          %add3A_799 = arith.addf %add3A_745, %mul3A_798 : vector<16xf32>
          %mul3A_800 = arith.mulf %convert_element_type3A_790, %min3A_784 : vector<16xf32>
          %add3A_801 = arith.addf %add3A_747, %mul3A_800 : vector<16xf32>
          %mul3A_802 = arith.constant 128 : i32
          %mul3A_803 = arith.muli %add3A_693, %mul3A_802 : i32
          %add3A_804 = arith.constant 32 : i32
          %add3A_805 = arith.addi %mul3A_803, %add3A_804 : i32
          %add3A_806 = arith.addi %multiple_of3A_218, %add3A_805 : i32
          %add3A_807 = vector.broadcast %add3A_806 : i32 to vector<16xi32>
          %add3A_808 = arith.addi %add3A_807, %iota3A : vector<16xi32>
          %ge3A_809 = vector.broadcast %reduce_max3A_77 : i32 to vector<16xi32>
          %ge3A_810 = arith.cmpi sge, %add3A_808, %ge3A_809 : vector<16xi32>
          %lt3A_811 = vector.broadcast %reduce_max3A_90 : i32 to vector<16xi32>
          %lt3A_812 = arith.cmpi slt, %add3A_808, %lt3A_811 : vector<16xi32>
          %and3A_813 = arith.andi %ge3A_810, %lt3A_812 : vector<16xi1>
          %get3A_814 = arith.index_cast %add3A_805 : i32 to index
          %get3A_815 = tpu.vector_load %arg14[%get3A_814] {strides = array<i32>} : memref<8192xf32, #tpu.memory_space<vmem>>, vector<16xf32>,
          %gt3A_816 = arith.constant 0.000000e+00 : f32
          %gt3A_817 = vector.broadcast %gt3A_816 : f32 to vector<16xf32>
          %gt3A_818 = arith.cmpf ogt, %get3A_815, %gt3A_817 : vector<16xf32>
          %and3A_819 = arith.andi %and3A_813, %gt3A_818 : vector<16xi1>
          %get3A_820 = arith.index_cast %add3A_805 : i32 to index
          %get3A_821 = tpu.vector_load %arg12[%get3A_820] {strides = array<i32>} : memref<8192xi32, #tpu.memory_space<vmem>>, vector<16xi32>,
          tpu.vector_store_idx %arg18[%get3A_821], %broadcast_in_dim3A_5 masked %and3A_819 : memref<10112xf32, #tpu.memory_space<vmem>>[vector<16xi32>], vector<16xf32>, vector<16xi1>
          %get3A_822 = arith.index_cast %add3A_805 : i32 to index
          %get3A_823 = tpu.vector_load %arg13[%get3A_822] {strides = array<i32>} : memref<8192xi32, #tpu.memory_space<vmem>>, vector<16xi32>,
          tpu.vector_store_idx %arg18[%get3A_823], %broadcast_in_dim3A_5 masked %and3A_819 : memref<10112xf32, #tpu.memory_space<vmem>>[vector<16xi32>], vector<16xf32>, vector<16xi1>
          %get3A_824 = arith.index_cast %add3A_805 : i32 to index
          %get3A_825 = tpu.vector_load %arg15[%get3A_824] {strides = array<i32>} : memref<8192xf32, #tpu.memory_space<vmem>>, vector<16xf32>,
          %gt3A_826 = arith.constant 5.000000e-01 : f32
          %gt3A_827 = vector.broadcast %gt3A_826 : f32 to vector<16xf32>
          %gt3A_828 = arith.cmpf ogt, %get3A_825, %gt3A_827 : vector<16xf32>
          %convert_element_type3A_829 = arith.extui %gt3A_828 : vector<16xi1> to vector<16xi32>
          %convert_element_type3A_830 = arith.sitofp %convert_element_type3A_829 : vector<16xi32> to vector<16xf32>
          %get3A_831 = arith.index_cast %add3A_805 : i32 to index
          %get3A_832 = tpu.vector_load %arg16[%get3A_831] {strides = array<i32>} : memref<8192xf32, #tpu.memory_space<vmem>>, vector<16xf32>,
          %jit3A_833 = arith.constant 9.99999993E-9 : f32
          %jit3A_834 = arith.constant 1.000000e+00 : f32
          %max3A_835 = vector.broadcast %jit3A_833 : f32 to vector<16xf32>
          %max3A_836 = arith.maximumf %max3A_835, %get3A_832 : vector<16xf32>
          %min3A_837 = vector.broadcast %jit3A_834 : f32 to vector<16xf32>
          %min3A_838 = arith.minimumf %min3A_837, %max3A_836 : vector<16xf32>
          %get3A_839 = arith.index_cast %add3A_805 : i32 to index
          %get3A_840 = tpu.vector_load %arg17[%get3A_839] {strides = array<i32>} : memref<8192xf32, #tpu.memory_space<vmem>>, vector<16xf32>,
          %convert_element_type3A_841 = arith.extui %and3A_813 : vector<16xi1> to vector<16xi32>
          %convert_element_type3A_842 = arith.sitofp %convert_element_type3A_841 : vector<16xi32> to vector<16xf32>
          %convert_element_type3A_843 = arith.extui %and3A_819 : vector<16xi1> to vector<16xi32>
          %convert_element_type3A_844 = arith.sitofp %convert_element_type3A_843 : vector<16xi32> to vector<16xf32>
          %add3A_845 = arith.addf %add3A_791, %convert_element_type3A_844 : vector<16xf32>
          %mul3A_846 = arith.mulf %convert_element_type3A_842, %convert_element_type3A_830 : vector<16xf32>
          %add3A_847 = arith.addf %add3A_793, %mul3A_846 : vector<16xf32>
          %mul3A_848 = arith.mulf %convert_element_type3A_844, %convert_element_type3A_830 : vector<16xf32>
          %add3A_849 = arith.addf %add3A_795, %mul3A_848 : vector<16xf32>
          %mul3A_850 = arith.mulf %convert_element_type3A_842, %get3A_840 : vector<16xf32>
          %add3A_851 = arith.addf %add3A_797, %mul3A_850 : vector<16xf32>
          %mul3A_852 = arith.mulf %convert_element_type3A_844, %get3A_840 : vector<16xf32>
          %add3A_853 = arith.addf %add3A_799, %mul3A_852 : vector<16xf32>
          %mul3A_854 = arith.mulf %convert_element_type3A_844, %min3A_838 : vector<16xf32>
          %add3A_855 = arith.addf %add3A_801, %mul3A_854 : vector<16xf32>
          %mul3A_856 = arith.constant 128 : i32
          %mul3A_857 = arith.muli %add3A_693, %mul3A_856 : i32
          %add3A_858 = arith.constant 48 : i32
          %add3A_859 = arith.addi %mul3A_857, %add3A_858 : i32
          %add3A_860 = arith.addi %multiple_of3A_218, %add3A_859 : i32
          %add3A_861 = vector.broadcast %add3A_860 : i32 to vector<16xi32>
          %add3A_862 = arith.addi %add3A_861, %iota3A : vector<16xi32>
          %ge3A_863 = vector.broadcast %reduce_max3A_77 : i32 to vector<16xi32>
          %ge3A_864 = arith.cmpi sge, %add3A_862, %ge3A_863 : vector<16xi32>
          %lt3A_865 = vector.broadcast %reduce_max3A_90 : i32 to vector<16xi32>
          %lt3A_866 = arith.cmpi slt, %add3A_862, %lt3A_865 : vector<16xi32>
          %and3A_867 = arith.andi %ge3A_864, %lt3A_866 : vector<16xi1>
          %get3A_868 = arith.index_cast %add3A_859 : i32 to index
          %get3A_869 = tpu.vector_load %arg14[%get3A_868] {strides = array<i32>} : memref<8192xf32, #tpu.memory_space<vmem>>, vector<16xf32>,
          %gt3A_870 = arith.constant 0.000000e+00 : f32
          %gt3A_871 = vector.broadcast %gt3A_870 : f32 to vector<16xf32>
          %gt3A_872 = arith.cmpf ogt, %get3A_869, %gt3A_871 : vector<16xf32>
          %and3A_873 = arith.andi %and3A_867, %gt3A_872 : vector<16xi1>
          %get3A_874 = arith.index_cast %add3A_859 : i32 to index
          %get3A_875 = tpu.vector_load %arg12[%get3A_874] {strides = array<i32>} : memref<8192xi32, #tpu.memory_space<vmem>>, vector<16xi32>,
          tpu.vector_store_idx %arg18[%get3A_875], %broadcast_in_dim3A_5 masked %and3A_873 : memref<10112xf32, #tpu.memory_space<vmem>>[vector<16xi32>], vector<16xf32>, vector<16xi1>
          %get3A_876 = arith.index_cast %add3A_859 : i32 to index
          %get3A_877 = tpu.vector_load %arg13[%get3A_876] {strides = array<i32>} : memref<8192xi32, #tpu.memory_space<vmem>>, vector<16xi32>,
          tpu.vector_store_idx %arg18[%get3A_877], %broadcast_in_dim3A_5 masked %and3A_873 : memref<10112xf32, #tpu.memory_space<vmem>>[vector<16xi32>], vector<16xf32>, vector<16xi1>
          %get3A_878 = arith.index_cast %add3A_859 : i32 to index
          %get3A_879 = tpu.vector_load %arg15[%get3A_878] {strides = array<i32>} : memref<8192xf32, #tpu.memory_space<vmem>>, vector<16xf32>,
          %gt3A_880 = arith.constant 5.000000e-01 : f32
          %gt3A_881 = vector.broadcast %gt3A_880 : f32 to vector<16xf32>
          %gt3A_882 = arith.cmpf ogt, %get3A_879, %gt3A_881 : vector<16xf32>
          %convert_element_type3A_883 = arith.extui %gt3A_882 : vector<16xi1> to vector<16xi32>
          %convert_element_type3A_884 = arith.sitofp %convert_element_type3A_883 : vector<16xi32> to vector<16xf32>
          %get3A_885 = arith.index_cast %add3A_859 : i32 to index
          %get3A_886 = tpu.vector_load %arg16[%get3A_885] {strides = array<i32>} : memref<8192xf32, #tpu.memory_space<vmem>>, vector<16xf32>,
          %jit3A_887 = arith.constant 9.99999993E-9 : f32
          %jit3A_888 = arith.constant 1.000000e+00 : f32
          %max3A_889 = vector.broadcast %jit3A_887 : f32 to vector<16xf32>
          %max3A_890 = arith.maximumf %max3A_889, %get3A_886 : vector<16xf32>
          %min3A_891 = vector.broadcast %jit3A_888 : f32 to vector<16xf32>
          %min3A_892 = arith.minimumf %min3A_891, %max3A_890 : vector<16xf32>
          %get3A_893 = arith.index_cast %add3A_859 : i32 to index
          %get3A_894 = tpu.vector_load %arg17[%get3A_893] {strides = array<i32>} : memref<8192xf32, #tpu.memory_space<vmem>>, vector<16xf32>,
          %convert_element_type3A_895 = arith.extui %and3A_867 : vector<16xi1> to vector<16xi32>
          %convert_element_type3A_896 = arith.sitofp %convert_element_type3A_895 : vector<16xi32> to vector<16xf32>
          %convert_element_type3A_897 = arith.extui %and3A_873 : vector<16xi1> to vector<16xi32>
          %convert_element_type3A_898 = arith.sitofp %convert_element_type3A_897 : vector<16xi32> to vector<16xf32>
          %add3A_899 = arith.addf %add3A_845, %convert_element_type3A_898 : vector<16xf32>
          %mul3A_900 = arith.mulf %convert_element_type3A_896, %convert_element_type3A_884 : vector<16xf32>
          %add3A_901 = arith.addf %add3A_847, %mul3A_900 : vector<16xf32>
          %mul3A_902 = arith.mulf %convert_element_type3A_898, %convert_element_type3A_884 : vector<16xf32>
          %add3A_903 = arith.addf %add3A_849, %mul3A_902 : vector<16xf32>
          %mul3A_904 = arith.mulf %convert_element_type3A_896, %get3A_894 : vector<16xf32>
          %add3A_905 = arith.addf %add3A_851, %mul3A_904 : vector<16xf32>
          %mul3A_906 = arith.mulf %convert_element_type3A_898, %get3A_894 : vector<16xf32>
          %add3A_907 = arith.addf %add3A_853, %mul3A_906 : vector<16xf32>
          %mul3A_908 = arith.mulf %convert_element_type3A_898, %min3A_892 : vector<16xf32>
          %add3A_909 = arith.addf %add3A_855, %mul3A_908 : vector<16xf32>
          %mul3A_910 = arith.constant 128 : i32
          %mul3A_911 = arith.muli %add3A_693, %mul3A_910 : i32
          %add3A_912 = arith.constant 64 : i32
          %add3A_913 = arith.addi %mul3A_911, %add3A_912 : i32
          %add3A_914 = arith.addi %multiple_of3A_218, %add3A_913 : i32
          %add3A_915 = vector.broadcast %add3A_914 : i32 to vector<16xi32>
          %add3A_916 = arith.addi %add3A_915, %iota3A : vector<16xi32>
          %ge3A_917 = vector.broadcast %reduce_max3A_77 : i32 to vector<16xi32>
          %ge3A_918 = arith.cmpi sge, %add3A_916, %ge3A_917 : vector<16xi32>
          %lt3A_919 = vector.broadcast %reduce_max3A_90 : i32 to vector<16xi32>
          %lt3A_920 = arith.cmpi slt, %add3A_916, %lt3A_919 : vector<16xi32>
          %and3A_921 = arith.andi %ge3A_918, %lt3A_920 : vector<16xi1>
          %get3A_922 = arith.index_cast %add3A_913 : i32 to index
          %get3A_923 = tpu.vector_load %arg14[%get3A_922] {strides = array<i32>} : memref<8192xf32, #tpu.memory_space<vmem>>, vector<16xf32>,
          %gt3A_924 = arith.constant 0.000000e+00 : f32
          %gt3A_925 = vector.broadcast %gt3A_924 : f32 to vector<16xf32>
          %gt3A_926 = arith.cmpf ogt, %get3A_923, %gt3A_925 : vector<16xf32>
          %and3A_927 = arith.andi %and3A_921, %gt3A_926 : vector<16xi1>
          %get3A_928 = arith.index_cast %add3A_913 : i32 to index
          %get3A_929 = tpu.vector_load %arg12[%get3A_928] {strides = array<i32>} : memref<8192xi32, #tpu.memory_space<vmem>>, vector<16xi32>,
          tpu.vector_store_idx %arg18[%get3A_929], %broadcast_in_dim3A_5 masked %and3A_927 : memref<10112xf32, #tpu.memory_space<vmem>>[vector<16xi32>], vector<16xf32>, vector<16xi1>
          %get3A_930 = arith.index_cast %add3A_913 : i32 to index
          %get3A_931 = tpu.vector_load %arg13[%get3A_930] {strides = array<i32>} : memref<8192xi32, #tpu.memory_space<vmem>>, vector<16xi32>,
          tpu.vector_store_idx %arg18[%get3A_931], %broadcast_in_dim3A_5 masked %and3A_927 : memref<10112xf32, #tpu.memory_space<vmem>>[vector<16xi32>], vector<16xf32>, vector<16xi1>
          %get3A_932 = arith.index_cast %add3A_913 : i32 to index
          %get3A_933 = tpu.vector_load %arg15[%get3A_932] {strides = array<i32>} : memref<8192xf32, #tpu.memory_space<vmem>>, vector<16xf32>,
          %gt3A_934 = arith.constant 5.000000e-01 : f32
          %gt3A_935 = vector.broadcast %gt3A_934 : f32 to vector<16xf32>
          %gt3A_936 = arith.cmpf ogt, %get3A_933, %gt3A_935 : vector<16xf32>
          %convert_element_type3A_937 = arith.extui %gt3A_936 : vector<16xi1> to vector<16xi32>
          %convert_element_type3A_938 = arith.sitofp %convert_element_type3A_937 : vector<16xi32> to vector<16xf32>
          %get3A_939 = arith.index_cast %add3A_913 : i32 to index
          %get3A_940 = tpu.vector_load %arg16[%get3A_939] {strides = array<i32>} : memref<8192xf32, #tpu.memory_space<vmem>>, vector<16xf32>,
          %jit3A_941 = arith.constant 9.99999993E-9 : f32
          %jit3A_942 = arith.constant 1.000000e+00 : f32
          %max3A_943 = vector.broadcast %jit3A_941 : f32 to vector<16xf32>
          %max3A_944 = arith.maximumf %max3A_943, %get3A_940 : vector<16xf32>
          %min3A_945 = vector.broadcast %jit3A_942 : f32 to vector<16xf32>
          %min3A_946 = arith.minimumf %min3A_945, %max3A_944 : vector<16xf32>
          %get3A_947 = arith.index_cast %add3A_913 : i32 to index
          %get3A_948 = tpu.vector_load %arg17[%get3A_947] {strides = array<i32>} : memref<8192xf32, #tpu.memory_space<vmem>>, vector<16xf32>,
          %convert_element_type3A_949 = arith.extui %and3A_921 : vector<16xi1> to vector<16xi32>
          %convert_element_type3A_950 = arith.sitofp %convert_element_type3A_949 : vector<16xi32> to vector<16xf32>
          %convert_element_type3A_951 = arith.extui %and3A_927 : vector<16xi1> to vector<16xi32>
          %convert_element_type3A_952 = arith.sitofp %convert_element_type3A_951 : vector<16xi32> to vector<16xf32>
          %add3A_953 = arith.addf %add3A_899, %convert_element_type3A_952 : vector<16xf32>
          %mul3A_954 = arith.mulf %convert_element_type3A_950, %convert_element_type3A_938 : vector<16xf32>
          %add3A_955 = arith.addf %add3A_901, %mul3A_954 : vector<16xf32>
          %mul3A_956 = arith.mulf %convert_element_type3A_952, %convert_element_type3A_938 : vector<16xf32>
          %add3A_957 = arith.addf %add3A_903, %mul3A_956 : vector<16xf32>
          %mul3A_958 = arith.mulf %convert_element_type3A_950, %get3A_948 : vector<16xf32>
          %add3A_959 = arith.addf %add3A_905, %mul3A_958 : vector<16xf32>
          %mul3A_960 = arith.mulf %convert_element_type3A_952, %get3A_948 : vector<16xf32>
          %add3A_961 = arith.addf %add3A_907, %mul3A_960 : vector<16xf32>
          %mul3A_962 = arith.mulf %convert_element_type3A_952, %min3A_946 : vector<16xf32>
          %add3A_963 = arith.addf %add3A_909, %mul3A_962 : vector<16xf32>
          %mul3A_964 = arith.constant 128 : i32
          %mul3A_965 = arith.muli %add3A_693, %mul3A_964 : i32
          %add3A_966 = arith.constant 80 : i32
          %add3A_967 = arith.addi %mul3A_965, %add3A_966 : i32
          %add3A_968 = arith.addi %multiple_of3A_218, %add3A_967 : i32
          %add3A_969 = vector.broadcast %add3A_968 : i32 to vector<16xi32>
          %add3A_970 = arith.addi %add3A_969, %iota3A : vector<16xi32>
          %ge3A_971 = vector.broadcast %reduce_max3A_77 : i32 to vector<16xi32>
          %ge3A_972 = arith.cmpi sge, %add3A_970, %ge3A_971 : vector<16xi32>
          %lt3A_973 = vector.broadcast %reduce_max3A_90 : i32 to vector<16xi32>
          %lt3A_974 = arith.cmpi slt, %add3A_970, %lt3A_973 : vector<16xi32>
          %and3A_975 = arith.andi %ge3A_972, %lt3A_974 : vector<16xi1>
          %get3A_976 = arith.index_cast %add3A_967 : i32 to index
          %get3A_977 = tpu.vector_load %arg14[%get3A_976] {strides = array<i32>} : memref<8192xf32, #tpu.memory_space<vmem>>, vector<16xf32>,
          %gt3A_978 = arith.constant 0.000000e+00 : f32
          %gt3A_979 = vector.broadcast %gt3A_978 : f32 to vector<16xf32>
          %gt3A_980 = arith.cmpf ogt, %get3A_977, %gt3A_979 : vector<16xf32>
          %and3A_981 = arith.andi %and3A_975, %gt3A_980 : vector<16xi1>
          %get3A_982 = arith.index_cast %add3A_967 : i32 to index
          %get3A_983 = tpu.vector_load %arg12[%get3A_982] {strides = array<i32>} : memref<8192xi32, #tpu.memory_space<vmem>>, vector<16xi32>,
          tpu.vector_store_idx %arg18[%get3A_983], %broadcast_in_dim3A_5 masked %and3A_981 : memref<10112xf32, #tpu.memory_space<vmem>>[vector<16xi32>], vector<16xf32>, vector<16xi1>
          %get3A_984 = arith.index_cast %add3A_967 : i32 to index
          %get3A_985 = tpu.vector_load %arg13[%get3A_984] {strides = array<i32>} : memref<8192xi32, #tpu.memory_space<vmem>>, vector<16xi32>,
          tpu.vector_store_idx %arg18[%get3A_985], %broadcast_in_dim3A_5 masked %and3A_981 : memref<10112xf32, #tpu.memory_space<vmem>>[vector<16xi32>], vector<16xf32>, vector<16xi1>
          %get3A_986 = arith.index_cast %add3A_967 : i32 to index
          %get3A_987 = tpu.vector_load %arg15[%get3A_986] {strides = array<i32>} : memref<8192xf32, #tpu.memory_space<vmem>>, vector<16xf32>,
          %gt3A_988 = arith.constant 5.000000e-01 : f32
          %gt3A_989 = vector.broadcast %gt3A_988 : f32 to vector<16xf32>
          %gt3A_990 = arith.cmpf ogt, %get3A_987, %gt3A_989 : vector<16xf32>
          %convert_element_type3A_991 = arith.extui %gt3A_990 : vector<16xi1> to vector<16xi32>
          %convert_element_type3A_992 = arith.sitofp %convert_element_type3A_991 : vector<16xi32> to vector<16xf32>
          %get3A_993 = arith.index_cast %add3A_967 : i32 to index
          %get3A_994 = tpu.vector_load %arg16[%get3A_993] {strides = array<i32>} : memref<8192xf32, #tpu.memory_space<vmem>>, vector<16xf32>,
          %jit3A_995 = arith.constant 9.99999993E-9 : f32
          %jit3A_996 = arith.constant 1.000000e+00 : f32
          %max3A_997 = vector.broadcast %jit3A_995 : f32 to vector<16xf32>
          %max3A_998 = arith.maximumf %max3A_997, %get3A_994 : vector<16xf32>
          %min3A_999 = vector.broadcast %jit3A_996 : f32 to vector<16xf32>
          %min3A_1000 = arith.minimumf %min3A_999, %max3A_998 : vector<16xf32>
          %get3A_1001 = arith.index_cast %add3A_967 : i32 to index
          %get3A_1002 = tpu.vector_load %arg17[%get3A_1001] {strides = array<i32>} : memref<8192xf32, #tpu.memory_space<vmem>>, vector<16xf32>,
          %convert_element_type3A_1003 = arith.extui %and3A_975 : vector<16xi1> to vector<16xi32>
          %convert_element_type3A_1004 = arith.sitofp %convert_element_type3A_1003 : vector<16xi32> to vector<16xf32>
          %convert_element_type3A_1005 = arith.extui %and3A_981 : vector<16xi1> to vector<16xi32>
          %convert_element_type3A_1006 = arith.sitofp %convert_element_type3A_1005 : vector<16xi32> to vector<16xf32>
          %add3A_1007 = arith.addf %add3A_953, %convert_element_type3A_1006 : vector<16xf32>
          %mul3A_1008 = arith.mulf %convert_element_type3A_1004, %convert_element_type3A_992 : vector<16xf32>
          %add3A_1009 = arith.addf %add3A_955, %mul3A_1008 : vector<16xf32>
          %mul3A_1010 = arith.mulf %convert_element_type3A_1006, %convert_element_type3A_992 : vector<16xf32>
          %add3A_1011 = arith.addf %add3A_957, %mul3A_1010 : vector<16xf32>
          %mul3A_1012 = arith.mulf %convert_element_type3A_1004, %get3A_1002 : vector<16xf32>
          %add3A_1013 = arith.addf %add3A_959, %mul3A_1012 : vector<16xf32>
          %mul3A_1014 = arith.mulf %convert_element_type3A_1006, %get3A_1002 : vector<16xf32>
          %add3A_1015 = arith.addf %add3A_961, %mul3A_1014 : vector<16xf32>
          %mul3A_1016 = arith.mulf %convert_element_type3A_1006, %min3A_1000 : vector<16xf32>
          %add3A_1017 = arith.addf %add3A_963, %mul3A_1016 : vector<16xf32>
          %mul3A_1018 = arith.constant 128 : i32
          %mul3A_1019 = arith.muli %add3A_693, %mul3A_1018 : i32
          %add3A_1020 = arith.constant 96 : i32
          %add3A_1021 = arith.addi %mul3A_1019, %add3A_1020 : i32
          %add3A_1022 = arith.addi %multiple_of3A_218, %add3A_1021 : i32
          %add3A_1023 = vector.broadcast %add3A_1022 : i32 to vector<16xi32>
          %add3A_1024 = arith.addi %add3A_1023, %iota3A : vector<16xi32>
          %ge3A_1025 = vector.broadcast %reduce_max3A_77 : i32 to vector<16xi32>
          %ge3A_1026 = arith.cmpi sge, %add3A_1024, %ge3A_1025 : vector<16xi32>
          %lt3A_1027 = vector.broadcast %reduce_max3A_90 : i32 to vector<16xi32>
          %lt3A_1028 = arith.cmpi slt, %add3A_1024, %lt3A_1027 : vector<16xi32>
          %and3A_1029 = arith.andi %ge3A_1026, %lt3A_1028 : vector<16xi1>
          %get3A_1030 = arith.index_cast %add3A_1021 : i32 to index
          %get3A_1031 = tpu.vector_load %arg14[%get3A_1030] {strides = array<i32>} : memref<8192xf32, #tpu.memory_space<vmem>>, vector<16xf32>,
          %gt3A_1032 = arith.constant 0.000000e+00 : f32
          %gt3A_1033 = vector.broadcast %gt3A_1032 : f32 to vector<16xf32>
          %gt3A_1034 = arith.cmpf ogt, %get3A_1031, %gt3A_1033 : vector<16xf32>
          %and3A_1035 = arith.andi %and3A_1029, %gt3A_1034 : vector<16xi1>
          %get3A_1036 = arith.index_cast %add3A_1021 : i32 to index
          %get3A_1037 = tpu.vector_load %arg12[%get3A_1036] {strides = array<i32>} : memref<8192xi32, #tpu.memory_space<vmem>>, vector<16xi32>,
          tpu.vector_store_idx %arg18[%get3A_1037], %broadcast_in_dim3A_5 masked %and3A_1035 : memref<10112xf32, #tpu.memory_space<vmem>>[vector<16xi32>], vector<16xf32>, vector<16xi1>
          %get3A_1038 = arith.index_cast %add3A_1021 : i32 to index
          %get3A_1039 = tpu.vector_load %arg13[%get3A_1038] {strides = array<i32>} : memref<8192xi32, #tpu.memory_space<vmem>>, vector<16xi32>,
          tpu.vector_store_idx %arg18[%get3A_1039], %broadcast_in_dim3A_5 masked %and3A_1035 : memref<10112xf32, #tpu.memory_space<vmem>>[vector<16xi32>], vector<16xf32>, vector<16xi1>
          %get3A_1040 = arith.index_cast %add3A_1021 : i32 to index
          %get3A_1041 = tpu.vector_load %arg15[%get3A_1040] {strides = array<i32>} : memref<8192xf32, #tpu.memory_space<vmem>>, vector<16xf32>,
          %gt3A_1042 = arith.constant 5.000000e-01 : f32
          %gt3A_1043 = vector.broadcast %gt3A_1042 : f32 to vector<16xf32>
          %gt3A_1044 = arith.cmpf ogt, %get3A_1041, %gt3A_1043 : vector<16xf32>
          %convert_element_type3A_1045 = arith.extui %gt3A_1044 : vector<16xi1> to vector<16xi32>
          %convert_element_type3A_1046 = arith.sitofp %convert_element_type3A_1045 : vector<16xi32> to vector<16xf32>
          %get3A_1047 = arith.index_cast %add3A_1021 : i32 to index
          %get3A_1048 = tpu.vector_load %arg16[%get3A_1047] {strides = array<i32>} : memref<8192xf32, #tpu.memory_space<vmem>>, vector<16xf32>,
          %jit3A_1049 = arith.constant 9.99999993E-9 : f32
          %jit3A_1050 = arith.constant 1.000000e+00 : f32
          %max3A_1051 = vector.broadcast %jit3A_1049 : f32 to vector<16xf32>
          %max3A_1052 = arith.maximumf %max3A_1051, %get3A_1048 : vector<16xf32>
          %min3A_1053 = vector.broadcast %jit3A_1050 : f32 to vector<16xf32>
          %min3A_1054 = arith.minimumf %min3A_1053, %max3A_1052 : vector<16xf32>
          %get3A_1055 = arith.index_cast %add3A_1021 : i32 to index
          %get3A_1056 = tpu.vector_load %arg17[%get3A_1055] {strides = array<i32>} : memref<8192xf32, #tpu.memory_space<vmem>>, vector<16xf32>,
          %convert_element_type3A_1057 = arith.extui %and3A_1029 : vector<16xi1> to vector<16xi32>
          %convert_element_type3A_1058 = arith.sitofp %convert_element_type3A_1057 : vector<16xi32> to vector<16xf32>
          %convert_element_type3A_1059 = arith.extui %and3A_1035 : vector<16xi1> to vector<16xi32>
          %convert_element_type3A_1060 = arith.sitofp %convert_element_type3A_1059 : vector<16xi32> to vector<16xf32>
          %add3A_1061 = arith.addf %add3A_1007, %convert_element_type3A_1060 : vector<16xf32>
          %mul3A_1062 = arith.mulf %convert_element_type3A_1058, %convert_element_type3A_1046 : vector<16xf32>
          %add3A_1063 = arith.addf %add3A_1009, %mul3A_1062 : vector<16xf32>
          %mul3A_1064 = arith.mulf %convert_element_type3A_1060, %convert_element_type3A_1046 : vector<16xf32>
          %add3A_1065 = arith.addf %add3A_1011, %mul3A_1064 : vector<16xf32>
          %mul3A_1066 = arith.mulf %convert_element_type3A_1058, %get3A_1056 : vector<16xf32>
          %add3A_1067 = arith.addf %add3A_1013, %mul3A_1066 : vector<16xf32>
          %mul3A_1068 = arith.mulf %convert_element_type3A_1060, %get3A_1056 : vector<16xf32>
          %add3A_1069 = arith.addf %add3A_1015, %mul3A_1068 : vector<16xf32>
          %mul3A_1070 = arith.mulf %convert_element_type3A_1060, %min3A_1054 : vector<16xf32>
          %add3A_1071 = arith.addf %add3A_1017, %mul3A_1070 : vector<16xf32>
          %mul3A_1072 = arith.constant 128 : i32
          %mul3A_1073 = arith.muli %add3A_693, %mul3A_1072 : i32
          %add3A_1074 = arith.constant 112 : i32
          %add3A_1075 = arith.addi %mul3A_1073, %add3A_1074 : i32
          %add3A_1076 = arith.addi %multiple_of3A_218, %add3A_1075 : i32
          %add3A_1077 = vector.broadcast %add3A_1076 : i32 to vector<16xi32>
          %add3A_1078 = arith.addi %add3A_1077, %iota3A : vector<16xi32>
          %ge3A_1079 = vector.broadcast %reduce_max3A_77 : i32 to vector<16xi32>
          %ge3A_1080 = arith.cmpi sge, %add3A_1078, %ge3A_1079 : vector<16xi32>
          %lt3A_1081 = vector.broadcast %reduce_max3A_90 : i32 to vector<16xi32>
          %lt3A_1082 = arith.cmpi slt, %add3A_1078, %lt3A_1081 : vector<16xi32>
          %and3A_1083 = arith.andi %ge3A_1080, %lt3A_1082 : vector<16xi1>
          %get3A_1084 = arith.index_cast %add3A_1075 : i32 to index
          %get3A_1085 = tpu.vector_load %arg14[%get3A_1084] {strides = array<i32>} : memref<8192xf32, #tpu.memory_space<vmem>>, vector<16xf32>,
          %gt3A_1086 = arith.constant 0.000000e+00 : f32
          %gt3A_1087 = vector.broadcast %gt3A_1086 : f32 to vector<16xf32>
          %gt3A_1088 = arith.cmpf ogt, %get3A_1085, %gt3A_1087 : vector<16xf32>
          %and3A_1089 = arith.andi %and3A_1083, %gt3A_1088 : vector<16xi1>
          %get3A_1090 = arith.index_cast %add3A_1075 : i32 to index
          %get3A_1091 = tpu.vector_load %arg12[%get3A_1090] {strides = array<i32>} : memref<8192xi32, #tpu.memory_space<vmem>>, vector<16xi32>,
          tpu.vector_store_idx %arg18[%get3A_1091], %broadcast_in_dim3A_5 masked %and3A_1089 : memref<10112xf32, #tpu.memory_space<vmem>>[vector<16xi32>], vector<16xf32>, vector<16xi1>
          %get3A_1092 = arith.index_cast %add3A_1075 : i32 to index
          %get3A_1093 = tpu.vector_load %arg13[%get3A_1092] {strides = array<i32>} : memref<8192xi32, #tpu.memory_space<vmem>>, vector<16xi32>,
          tpu.vector_store_idx %arg18[%get3A_1093], %broadcast_in_dim3A_5 masked %and3A_1089 : memref<10112xf32, #tpu.memory_space<vmem>>[vector<16xi32>], vector<16xf32>, vector<16xi1>
          %get3A_1094 = arith.index_cast %add3A_1075 : i32 to index
          %get3A_1095 = tpu.vector_load %arg15[%get3A_1094] {strides = array<i32>} : memref<8192xf32, #tpu.memory_space<vmem>>, vector<16xf32>,
          %gt3A_1096 = arith.constant 5.000000e-01 : f32
          %gt3A_1097 = vector.broadcast %gt3A_1096 : f32 to vector<16xf32>
          %gt3A_1098 = arith.cmpf ogt, %get3A_1095, %gt3A_1097 : vector<16xf32>
          %convert_element_type3A_1099 = arith.extui %gt3A_1098 : vector<16xi1> to vector<16xi32>
          %convert_element_type3A_1100 = arith.sitofp %convert_element_type3A_1099 : vector<16xi32> to vector<16xf32>
          %get3A_1101 = arith.index_cast %add3A_1075 : i32 to index
          %get3A_1102 = tpu.vector_load %arg16[%get3A_1101] {strides = array<i32>} : memref<8192xf32, #tpu.memory_space<vmem>>, vector<16xf32>,
          %jit3A_1103 = arith.constant 9.99999993E-9 : f32
          %jit3A_1104 = arith.constant 1.000000e+00 : f32
          %max3A_1105 = vector.broadcast %jit3A_1103 : f32 to vector<16xf32>
          %max3A_1106 = arith.maximumf %max3A_1105, %get3A_1102 : vector<16xf32>
          %min3A_1107 = vector.broadcast %jit3A_1104 : f32 to vector<16xf32>
          %min3A_1108 = arith.minimumf %min3A_1107, %max3A_1106 : vector<16xf32>
          %get3A_1109 = arith.index_cast %add3A_1075 : i32 to index
          %get3A_1110 = tpu.vector_load %arg17[%get3A_1109] {strides = array<i32>} : memref<8192xf32, #tpu.memory_space<vmem>>, vector<16xf32>,
          %convert_element_type3A_1111 = arith.extui %and3A_1083 : vector<16xi1> to vector<16xi32>
          %convert_element_type3A_1112 = arith.sitofp %convert_element_type3A_1111 : vector<16xi32> to vector<16xf32>
          %convert_element_type3A_1113 = arith.extui %and3A_1089 : vector<16xi1> to vector<16xi32>
          %convert_element_type3A_1114 = arith.sitofp %convert_element_type3A_1113 : vector<16xi32> to vector<16xf32>
          %add3A_1115 = arith.addf %add3A_1061, %convert_element_type3A_1114 : vector<16xf32>
          %mul3A_1116 = arith.mulf %convert_element_type3A_1112, %convert_element_type3A_1100 : vector<16xf32>
          %add3A_1117 = arith.addf %add3A_1063, %mul3A_1116 : vector<16xf32>
          %mul3A_1118 = arith.mulf %convert_element_type3A_1114, %convert_element_type3A_1100 : vector<16xf32>
          %add3A_1119 = arith.addf %add3A_1065, %mul3A_1118 : vector<16xf32>
          %mul3A_1120 = arith.mulf %convert_element_type3A_1112, %get3A_1110 : vector<16xf32>
          %add3A_1121 = arith.addf %add3A_1067, %mul3A_1120 : vector<16xf32>
          %mul3A_1122 = arith.mulf %convert_element_type3A_1114, %get3A_1110 : vector<16xf32>
          %add3A_1123 = arith.addf %add3A_1069, %mul3A_1122 : vector<16xf32>
          %mul3A_1124 = arith.mulf %convert_element_type3A_1114, %min3A_1108 : vector<16xf32>
          %add3A_1125 = arith.addf %add3A_1071, %mul3A_1124 : vector<16xf32>
          scf.yield %add3A_1115, %add3A_1117, %add3A_1119, %add3A_1121, %add3A_1123, %add3A_1125 : vector<16xf32>, vector<16xf32>, vector<16xf32>, vector<16xf32>, vector<16xf32>, vector<16xf32>
        }
        %scan3A_248 = arith.constant 64 : i32
        scf.yield %scan3A_247#0, %scan3A_247#1, %scan3A_247#2, %scan3A_247#3, %scan3A_247#4, %scan3A_247#5 : vector<16xf32>, vector<16xf32>, vector<16xf32>, vector<16xf32>, vector<16xf32>, vector<16xf32>
      }
      %while3A_153 = arith.constant 1 : i32
      %while3A_154:6 = scf.for %while3A_207 = %while3A_150 to %while3A_146 step %while3A_153 iter_args(%while3A_208 = %while3A_152#0, %while3A_209 = %while3A_152#1, %while3A_210 = %while3A_152#2, %while3A_211 = %while3A_152#3, %while3A_212 = %while3A_152#4, %while3A_213 = %while3A_152#5) -> (vector<16xf32>, vector<16xf32>, vector<16xf32>, vector<16xf32>, vector<16xf32>, vector<16xf32>)  : i32 {
        %mul3A_214 = arith.constant 8192 : i32
        %mul3A_215 = arith.muli %while3A_207, %mul3A_214 : i32
        %add3A_216 = arith.addi %mul3A_110, %mul3A_215 : i32
        %min3A = arith.constant 3191808 : i32
        %min3A_217 = arith.minsi %add3A_216, %min3A : i32
        %multiple_of3A_218 = tpu.assume_multiple %min3A_217, 8 : i32
        %dma_start3A_219 = tpu.memref_slice %arg2[%multiple_of3A_218] : memref<3200000xi32, #tpu.memory_space<hbm>> -> memref<8192xi32, #tpu.memory_space<hbm>>
        %dma_start3A_220 = tpu.memref_slice %arg2[%multiple_of3A_218] : memref<3200000xi32, #tpu.memory_space<hbm>> -> memref<8192xi32, #tpu.memory_space<hbm>>
        tpu.enqueue_dma source(%dma_start3A_220 : memref<8192xi32, #tpu.memory_space<hbm>>) target(%arg12 : memref<8192xi32, #tpu.memory_space<vmem>>) target_semaphore(%arg20 : memref<!tpu.dma_semaphore, #tpu.memory_space<semaphore_mem>>)
        %dma_start3A_221 = tpu.memref_slice %arg3[%multiple_of3A_218] : memref<3200000xi32, #tpu.memory_space<hbm>> -> memref<8192xi32, #tpu.memory_space<hbm>>
        %dma_start3A_222 = tpu.memref_slice %arg3[%multiple_of3A_218] : memref<3200000xi32, #tpu.memory_space<hbm>> -> memref<8192xi32, #tpu.memory_space<hbm>>
        tpu.enqueue_dma source(%dma_start3A_222 : memref<8192xi32, #tpu.memory_space<hbm>>) target(%arg13 : memref<8192xi32, #tpu.memory_space<vmem>>) target_semaphore(%arg20 : memref<!tpu.dma_semaphore, #tpu.memory_space<semaphore_mem>>)
        %dma_start3A_223 = tpu.memref_slice %arg4[%multiple_of3A_218] : memref<3200000xf32, #tpu.memory_space<hbm>> -> memref<8192xf32, #tpu.memory_space<hbm>>
        %dma_start3A_224 = tpu.memref_slice %arg4[%multiple_of3A_218] : memref<3200000xf32, #tpu.memory_space<hbm>> -> memref<8192xf32, #tpu.memory_space<hbm>>
        tpu.enqueue_dma source(%dma_start3A_224 : memref<8192xf32, #tpu.memory_space<hbm>>) target(%arg14 : memref<8192xf32, #tpu.memory_space<vmem>>) target_semaphore(%arg20 : memref<!tpu.dma_semaphore, #tpu.memory_space<semaphore_mem>>)
        %dma_start3A_225 = tpu.memref_slice %arg5[%multiple_of3A_218] : memref<3200000xf32, #tpu.memory_space<hbm>> -> memref<8192xf32, #tpu.memory_space<hbm>>
        %dma_start3A_226 = tpu.memref_slice %arg5[%multiple_of3A_218] : memref<3200000xf32, #tpu.memory_space<hbm>> -> memref<8192xf32, #tpu.memory_space<hbm>>
        tpu.enqueue_dma source(%dma_start3A_226 : memref<8192xf32, #tpu.memory_space<hbm>>) target(%arg15 : memref<8192xf32, #tpu.memory_space<vmem>>) target_semaphore(%arg20 : memref<!tpu.dma_semaphore, #tpu.memory_space<semaphore_mem>>)
        %dma_start3A_227 = tpu.memref_slice %arg6[%multiple_of3A_218] : memref<3200000xf32, #tpu.memory_space<hbm>> -> memref<8192xf32, #tpu.memory_space<hbm>>
        %dma_start3A_228 = tpu.memref_slice %arg6[%multiple_of3A_218] : memref<3200000xf32, #tpu.memory_space<hbm>> -> memref<8192xf32, #tpu.memory_space<hbm>>
        tpu.enqueue_dma source(%dma_start3A_228 : memref<8192xf32, #tpu.memory_space<hbm>>) target(%arg16 : memref<8192xf32, #tpu.memory_space<vmem>>) target_semaphore(%arg20 : memref<!tpu.dma_semaphore, #tpu.memory_space<semaphore_mem>>)
        %dma_start3A_229 = tpu.memref_slice %arg7[%multiple_of3A_218] : memref<3200000xf32, #tpu.memory_space<hbm>> -> memref<8192xf32, #tpu.memory_space<hbm>>
        %dma_start3A_230 = tpu.memref_slice %arg7[%multiple_of3A_218] : memref<3200000xf32, #tpu.memory_space<hbm>> -> memref<8192xf32, #tpu.memory_space<hbm>>
        tpu.enqueue_dma source(%dma_start3A_230 : memref<8192xf32, #tpu.memory_space<hbm>>) target(%arg17 : memref<8192xf32, #tpu.memory_space<vmem>>) target_semaphore(%arg20 : memref<!tpu.dma_semaphore, #tpu.memory_space<semaphore_mem>>)
        %dma_wait3A_231 = tpu.memref_slice %arg2[%multiple_of3A_218] : memref<3200000xi32, #tpu.memory_space<hbm>> -> memref<8192xi32, #tpu.memory_space<hbm>>
        %dma_wait3A_232 = tpu.memref_slice %arg2[%multiple_of3A_218] : memref<3200000xi32, #tpu.memory_space<hbm>> -> memref<8192xi32, #tpu.memory_space<hbm>>
        tpu.wait_dma2 semaphore(%arg20 : memref<!tpu.dma_semaphore, #tpu.memory_space<semaphore_mem>>) src(%dma_wait3A_232 : memref<8192xi32, #tpu.memory_space<hbm>>) dst(%arg12 : memref<8192xi32, #tpu.memory_space<vmem>>)
        %dma_wait3A_233 = tpu.memref_slice %arg3[%multiple_of3A_218] : memref<3200000xi32, #tpu.memory_space<hbm>> -> memref<8192xi32, #tpu.memory_space<hbm>>
        %dma_wait3A_234 = tpu.memref_slice %arg3[%multiple_of3A_218] : memref<3200000xi32, #tpu.memory_space<hbm>> -> memref<8192xi32, #tpu.memory_space<hbm>>
        tpu.wait_dma2 semaphore(%arg20 : memref<!tpu.dma_semaphore, #tpu.memory_space<semaphore_mem>>) src(%dma_wait3A_234 : memref<8192xi32, #tpu.memory_space<hbm>>) dst(%arg13 : memref<8192xi32, #tpu.memory_space<vmem>>)
        %dma_wait3A_235 = tpu.memref_slice %arg4[%multiple_of3A_218] : memref<3200000xf32, #tpu.memory_space<hbm>> -> memref<8192xf32, #tpu.memory_space<hbm>>
        %dma_wait3A_236 = tpu.memref_slice %arg4[%multiple_of3A_218] : memref<3200000xf32, #tpu.memory_space<hbm>> -> memref<8192xf32, #tpu.memory_space<hbm>>
        tpu.wait_dma2 semaphore(%arg20 : memref<!tpu.dma_semaphore, #tpu.memory_space<semaphore_mem>>) src(%dma_wait3A_236 : memref<8192xf32, #tpu.memory_space<hbm>>) dst(%arg14 : memref<8192xf32, #tpu.memory_space<vmem>>)
        %dma_wait3A_237 = tpu.memref_slice %arg5[%multiple_of3A_218] : memref<3200000xf32, #tpu.memory_space<hbm>> -> memref<8192xf32, #tpu.memory_space<hbm>>
        %dma_wait3A_238 = tpu.memref_slice %arg5[%multiple_of3A_218] : memref<3200000xf32, #tpu.memory_space<hbm>> -> memref<8192xf32, #tpu.memory_space<hbm>>
        tpu.wait_dma2 semaphore(%arg20 : memref<!tpu.dma_semaphore, #tpu.memory_space<semaphore_mem>>) src(%dma_wait3A_238 : memref<8192xf32, #tpu.memory_space<hbm>>) dst(%arg15 : memref<8192xf32, #tpu.memory_space<vmem>>)
        %dma_wait3A_239 = tpu.memref_slice %arg6[%multiple_of3A_218] : memref<3200000xf32, #tpu.memory_space<hbm>> -> memref<8192xf32, #tpu.memory_space<hbm>>
        %dma_wait3A_240 = tpu.memref_slice %arg6[%multiple_of3A_218] : memref<3200000xf32, #tpu.memory_space<hbm>> -> memref<8192xf32, #tpu.memory_space<hbm>>
        tpu.wait_dma2 semaphore(%arg20 : memref<!tpu.dma_semaphore, #tpu.memory_space<semaphore_mem>>) src(%dma_wait3A_240 : memref<8192xf32, #tpu.memory_space<hbm>>) dst(%arg16 : memref<8192xf32, #tpu.memory_space<vmem>>)
        %dma_wait3A_241 = tpu.memref_slice %arg7[%multiple_of3A_218] : memref<3200000xf32, #tpu.memory_space<hbm>> -> memref<8192xf32, #tpu.memory_space<hbm>>
        %dma_wait3A_242 = tpu.memref_slice %arg7[%multiple_of3A_218] : memref<3200000xf32, #tpu.memory_space<hbm>> -> memref<8192xf32, #tpu.memory_space<hbm>>
        tpu.wait_dma2 semaphore(%arg20 : memref<!tpu.dma_semaphore, #tpu.memory_space<semaphore_mem>>) src(%dma_wait3A_242 : memref<8192xf32, #tpu.memory_space<hbm>>) dst(%arg17 : memref<8192xf32, #tpu.memory_space<vmem>>)
        %scan3A_243 = arith.constant 0 : i32
        %scan3A_244 = arith.constant 64 : i32
        %scan3A_245 = arith.addi %scan3A_243, %scan3A_244 : i32
        %scan3A_246 = arith.constant 2 : i32
        %scan3A_247:6 = scf.for %scan3A_249 = %scan3A_243 to %scan3A_245 step %scan3A_246 iter_args(%scan3A_250 = %while3A_208, %scan3A_251 = %while3A_209, %scan3A_252 = %while3A_210, %scan3A_253 = %while3A_211, %scan3A_254 = %while3A_212, %scan3A_255 = %while3A_213) -> (vector<16xf32>, vector<16xf32>, vector<16xf32>, vector<16xf32>, vector<16xf32>, vector<16xf32>)  : i32 {
          %mul3A_256 = arith.constant 1 : i32
          %mul3A_257 = arith.muli %scan3A_249, %mul3A_256 : i32
          %add3A_258 = arith.constant 0 : i32
          %add3A_259 = arith.addi %add3A_258, %mul3A_257 : i32
          %mul3A_260 = arith.constant 128 : i32
          %mul3A_261 = arith.muli %add3A_259, %mul3A_260 : i32
          %add3A_262 = arith.constant 0 : i32
          %add3A_263 = arith.addi %mul3A_261, %add3A_262 : i32
          %add3A_264 = arith.addi %multiple_of3A_218, %add3A_263 : i32
          %add3A_265 = vector.broadcast %add3A_264 : i32 to vector<16xi32>
          %add3A_266 = arith.addi %add3A_265, %iota3A : vector<16xi32>
          %ge3A_267 = vector.broadcast %reduce_max3A_77 : i32 to vector<16xi32>
          %ge3A_268 = arith.cmpi sge, %add3A_266, %ge3A_267 : vector<16xi32>
          %lt3A_269 = vector.broadcast %reduce_max3A_90 : i32 to vector<16xi32>
          %lt3A_270 = arith.cmpi slt, %add3A_266, %lt3A_269 : vector<16xi32>
          %and3A_271 = arith.andi %ge3A_268, %lt3A_270 : vector<16xi1>
          %get3A = arith.index_cast %add3A_263 : i32 to index
          %get3A_272 = tpu.vector_load %arg14[%get3A] {strides = array<i32>} : memref<8192xf32, #tpu.memory_space<vmem>>, vector<16xf32>,
          %gt3A = arith.constant 0.000000e+00 : f32
          %gt3A_273 = vector.broadcast %gt3A : f32 to vector<16xf32>
          %gt3A_274 = arith.cmpf ogt, %get3A_272, %gt3A_273 : vector<16xf32>
          %and3A_275 = arith.andi %and3A_271, %gt3A_274 : vector<16xi1>
          %get3A_276 = arith.index_cast %add3A_263 : i32 to index
          %get3A_277 = tpu.vector_load %arg12[%get3A_276] {strides = array<i32>} : memref<8192xi32, #tpu.memory_space<vmem>>, vector<16xi32>,
          tpu.vector_store_idx %arg18[%get3A_277], %broadcast_in_dim3A_5 masked %and3A_275 : memref<10112xf32, #tpu.memory_space<vmem>>[vector<16xi32>], vector<16xf32>, vector<16xi1>
          %get3A_278 = arith.index_cast %add3A_263 : i32 to index
          %get3A_279 = tpu.vector_load %arg13[%get3A_278] {strides = array<i32>} : memref<8192xi32, #tpu.memory_space<vmem>>, vector<16xi32>,
          tpu.vector_store_idx %arg18[%get3A_279], %broadcast_in_dim3A_5 masked %and3A_275 : memref<10112xf32, #tpu.memory_space<vmem>>[vector<16xi32>], vector<16xf32>, vector<16xi1>
          %get3A_280 = arith.index_cast %add3A_263 : i32 to index
          %get3A_281 = tpu.vector_load %arg15[%get3A_280] {strides = array<i32>} : memref<8192xf32, #tpu.memory_space<vmem>>, vector<16xf32>,
          %gt3A_282 = arith.constant 5.000000e-01 : f32
          %gt3A_283 = vector.broadcast %gt3A_282 : f32 to vector<16xf32>
          %gt3A_284 = arith.cmpf ogt, %get3A_281, %gt3A_283 : vector<16xf32>
          %convert_element_type3A = arith.extui %gt3A_284 : vector<16xi1> to vector<16xi32>
          %convert_element_type3A_285 = arith.sitofp %convert_element_type3A : vector<16xi32> to vector<16xf32>
          %get3A_286 = arith.index_cast %add3A_263 : i32 to index
          %get3A_287 = tpu.vector_load %arg16[%get3A_286] {strides = array<i32>} : memref<8192xf32, #tpu.memory_space<vmem>>, vector<16xf32>,
          %jit3A_288 = arith.constant 9.99999993E-9 : f32
          %jit3A_289 = arith.constant 1.000000e+00 : f32
          %max3A = vector.broadcast %jit3A_288 : f32 to vector<16xf32>
          %max3A_290 = arith.maximumf %max3A, %get3A_287 : vector<16xf32>
          %min3A_291 = vector.broadcast %jit3A_289 : f32 to vector<16xf32>
          %min3A_292 = arith.minimumf %min3A_291, %max3A_290 : vector<16xf32>
          %get3A_293 = arith.index_cast %add3A_263 : i32 to index
          %get3A_294 = tpu.vector_load %arg17[%get3A_293] {strides = array<i32>} : memref<8192xf32, #tpu.memory_space<vmem>>, vector<16xf32>,
          %convert_element_type3A_295 = arith.extui %and3A_271 : vector<16xi1> to vector<16xi32>
          %convert_element_type3A_296 = arith.sitofp %convert_element_type3A_295 : vector<16xi32> to vector<16xf32>
          %convert_element_type3A_297 = arith.extui %and3A_275 : vector<16xi1> to vector<16xi32>
          %convert_element_type3A_298 = arith.sitofp %convert_element_type3A_297 : vector<16xi32> to vector<16xf32>
          %add3A_299 = arith.addf %scan3A_250, %convert_element_type3A_298 : vector<16xf32>
          %mul3A_300 = arith.mulf %convert_element_type3A_296, %convert_element_type3A_285 : vector<16xf32>
          %add3A_301 = arith.addf %scan3A_251, %mul3A_300 : vector<16xf32>
          %mul3A_302 = arith.mulf %convert_element_type3A_298, %convert_element_type3A_285 : vector<16xf32>
          %add3A_303 = arith.addf %scan3A_252, %mul3A_302 : vector<16xf32>
          %mul3A_304 = arith.mulf %convert_element_type3A_296, %get3A_294 : vector<16xf32>
          %add3A_305 = arith.addf %scan3A_253, %mul3A_304 : vector<16xf32>
          %mul3A_306 = arith.mulf %convert_element_type3A_298, %get3A_294 : vector<16xf32>
          %add3A_307 = arith.addf %scan3A_254, %mul3A_306 : vector<16xf32>
          %mul3A_308 = arith.mulf %convert_element_type3A_298, %min3A_292 : vector<16xf32>
          %add3A_309 = arith.addf %scan3A_255, %mul3A_308 : vector<16xf32>
          %mul3A_310 = arith.constant 128 : i32
          %mul3A_311 = arith.muli %add3A_259, %mul3A_310 : i32
          %add3A_312 = arith.constant 16 : i32
          %add3A_313 = arith.addi %mul3A_311, %add3A_312 : i32
          %add3A_314 = arith.addi %multiple_of3A_218, %add3A_313 : i32
          %add3A_315 = vector.broadcast %add3A_314 : i32 to vector<16xi32>
          %add3A_316 = arith.addi %add3A_315, %iota3A : vector<16xi32>
          %ge3A_317 = vector.broadcast %reduce_max3A_77 : i32 to vector<16xi32>
          %ge3A_318 = arith.cmpi sge, %add3A_316, %ge3A_317 : vector<16xi32>
          %lt3A_319 = vector.broadcast %reduce_max3A_90 : i32 to vector<16xi32>
          %lt3A_320 = arith.cmpi slt, %add3A_316, %lt3A_319 : vector<16xi32>
          %and3A_321 = arith.andi %ge3A_318, %lt3A_320 : vector<16xi1>
          %get3A_322 = arith.index_cast %add3A_313 : i32 to index
          %get3A_323 = tpu.vector_load %arg14[%get3A_322] {strides = array<i32>} : memref<8192xf32, #tpu.memory_space<vmem>>, vector<16xf32>,
          %gt3A_324 = arith.constant 0.000000e+00 : f32
          %gt3A_325 = vector.broadcast %gt3A_324 : f32 to vector<16xf32>
          %gt3A_326 = arith.cmpf ogt, %get3A_323, %gt3A_325 : vector<16xf32>
          %and3A_327 = arith.andi %and3A_321, %gt3A_326 : vector<16xi1>
          %get3A_328 = arith.index_cast %add3A_313 : i32 to index
          %get3A_329 = tpu.vector_load %arg12[%get3A_328] {strides = array<i32>} : memref<8192xi32, #tpu.memory_space<vmem>>, vector<16xi32>,
          tpu.vector_store_idx %arg18[%get3A_329], %broadcast_in_dim3A_5 masked %and3A_327 : memref<10112xf32, #tpu.memory_space<vmem>>[vector<16xi32>], vector<16xf32>, vector<16xi1>
          %get3A_330 = arith.index_cast %add3A_313 : i32 to index
          %get3A_331 = tpu.vector_load %arg13[%get3A_330] {strides = array<i32>} : memref<8192xi32, #tpu.memory_space<vmem>>, vector<16xi32>,
          tpu.vector_store_idx %arg18[%get3A_331], %broadcast_in_dim3A_5 masked %and3A_327 : memref<10112xf32, #tpu.memory_space<vmem>>[vector<16xi32>], vector<16xf32>, vector<16xi1>
          %get3A_332 = arith.index_cast %add3A_313 : i32 to index
          %get3A_333 = tpu.vector_load %arg15[%get3A_332] {strides = array<i32>} : memref<8192xf32, #tpu.memory_space<vmem>>, vector<16xf32>,
          %gt3A_334 = arith.constant 5.000000e-01 : f32
          %gt3A_335 = vector.broadcast %gt3A_334 : f32 to vector<16xf32>
          %gt3A_336 = arith.cmpf ogt, %get3A_333, %gt3A_335 : vector<16xf32>
          %convert_element_type3A_337 = arith.extui %gt3A_336 : vector<16xi1> to vector<16xi32>
          %convert_element_type3A_338 = arith.sitofp %convert_element_type3A_337 : vector<16xi32> to vector<16xf32>
          %get3A_339 = arith.index_cast %add3A_313 : i32 to index
          %get3A_340 = tpu.vector_load %arg16[%get3A_339] {strides = array<i32>} : memref<8192xf32, #tpu.memory_space<vmem>>, vector<16xf32>,
          %jit3A_341 = arith.constant 9.99999993E-9 : f32
          %jit3A_342 = arith.constant 1.000000e+00 : f32
          %max3A_343 = vector.broadcast %jit3A_341 : f32 to vector<16xf32>
          %max3A_344 = arith.maximumf %max3A_343, %get3A_340 : vector<16xf32>
          %min3A_345 = vector.broadcast %jit3A_342 : f32 to vector<16xf32>
          %min3A_346 = arith.minimumf %min3A_345, %max3A_344 : vector<16xf32>
          %get3A_347 = arith.index_cast %add3A_313 : i32 to index
          %get3A_348 = tpu.vector_load %arg17[%get3A_347] {strides = array<i32>} : memref<8192xf32, #tpu.memory_space<vmem>>, vector<16xf32>,
          %convert_element_type3A_349 = arith.extui %and3A_321 : vector<16xi1> to vector<16xi32>
          %convert_element_type3A_350 = arith.sitofp %convert_element_type3A_349 : vector<16xi32> to vector<16xf32>
          %convert_element_type3A_351 = arith.extui %and3A_327 : vector<16xi1> to vector<16xi32>
          %convert_element_type3A_352 = arith.sitofp %convert_element_type3A_351 : vector<16xi32> to vector<16xf32>
          %add3A_353 = arith.addf %add3A_299, %convert_element_type3A_352 : vector<16xf32>
          %mul3A_354 = arith.mulf %convert_element_type3A_350, %convert_element_type3A_338 : vector<16xf32>
          %add3A_355 = arith.addf %add3A_301, %mul3A_354 : vector<16xf32>
          %mul3A_356 = arith.mulf %convert_element_type3A_352, %convert_element_type3A_338 : vector<16xf32>
          %add3A_357 = arith.addf %add3A_303, %mul3A_356 : vector<16xf32>
          %mul3A_358 = arith.mulf %convert_element_type3A_350, %get3A_348 : vector<16xf32>
          %add3A_359 = arith.addf %add3A_305, %mul3A_358 : vector<16xf32>
          %mul3A_360 = arith.mulf %convert_element_type3A_352, %get3A_348 : vector<16xf32>
          %add3A_361 = arith.addf %add3A_307, %mul3A_360 : vector<16xf32>
          %mul3A_362 = arith.mulf %convert_element_type3A_352, %min3A_346 : vector<16xf32>
          %add3A_363 = arith.addf %add3A_309, %mul3A_362 : vector<16xf32>
          %mul3A_364 = arith.constant 128 : i32
          %mul3A_365 = arith.muli %add3A_259, %mul3A_364 : i32
          %add3A_366 = arith.constant 32 : i32
          %add3A_367 = arith.addi %mul3A_365, %add3A_366 : i32
          %add3A_368 = arith.addi %multiple_of3A_218, %add3A_367 : i32
          %add3A_369 = vector.broadcast %add3A_368 : i32 to vector<16xi32>
          %add3A_370 = arith.addi %add3A_369, %iota3A : vector<16xi32>
          %ge3A_371 = vector.broadcast %reduce_max3A_77 : i32 to vector<16xi32>
          %ge3A_372 = arith.cmpi sge, %add3A_370, %ge3A_371 : vector<16xi32>
          %lt3A_373 = vector.broadcast %reduce_max3A_90 : i32 to vector<16xi32>
          %lt3A_374 = arith.cmpi slt, %add3A_370, %lt3A_373 : vector<16xi32>
          %and3A_375 = arith.andi %ge3A_372, %lt3A_374 : vector<16xi1>
          %get3A_376 = arith.index_cast %add3A_367 : i32 to index
          %get3A_377 = tpu.vector_load %arg14[%get3A_376] {strides = array<i32>} : memref<8192xf32, #tpu.memory_space<vmem>>, vector<16xf32>,
          %gt3A_378 = arith.constant 0.000000e+00 : f32
          %gt3A_379 = vector.broadcast %gt3A_378 : f32 to vector<16xf32>
          %gt3A_380 = arith.cmpf ogt, %get3A_377, %gt3A_379 : vector<16xf32>
          %and3A_381 = arith.andi %and3A_375, %gt3A_380 : vector<16xi1>
          %get3A_382 = arith.index_cast %add3A_367 : i32 to index
          %get3A_383 = tpu.vector_load %arg12[%get3A_382] {strides = array<i32>} : memref<8192xi32, #tpu.memory_space<vmem>>, vector<16xi32>,
          tpu.vector_store_idx %arg18[%get3A_383], %broadcast_in_dim3A_5 masked %and3A_381 : memref<10112xf32, #tpu.memory_space<vmem>>[vector<16xi32>], vector<16xf32>, vector<16xi1>
          %get3A_384 = arith.index_cast %add3A_367 : i32 to index
          %get3A_385 = tpu.vector_load %arg13[%get3A_384] {strides = array<i32>} : memref<8192xi32, #tpu.memory_space<vmem>>, vector<16xi32>,
          tpu.vector_store_idx %arg18[%get3A_385], %broadcast_in_dim3A_5 masked %and3A_381 : memref<10112xf32, #tpu.memory_space<vmem>>[vector<16xi32>], vector<16xf32>, vector<16xi1>
          %get3A_386 = arith.index_cast %add3A_367 : i32 to index
          %get3A_387 = tpu.vector_load %arg15[%get3A_386] {strides = array<i32>} : memref<8192xf32, #tpu.memory_space<vmem>>, vector<16xf32>,
          %gt3A_388 = arith.constant 5.000000e-01 : f32
          %gt3A_389 = vector.broadcast %gt3A_388 : f32 to vector<16xf32>
          %gt3A_390 = arith.cmpf ogt, %get3A_387, %gt3A_389 : vector<16xf32>
          %convert_element_type3A_391 = arith.extui %gt3A_390 : vector<16xi1> to vector<16xi32>
          %convert_element_type3A_392 = arith.sitofp %convert_element_type3A_391 : vector<16xi32> to vector<16xf32>
          %get3A_393 = arith.index_cast %add3A_367 : i32 to index
          %get3A_394 = tpu.vector_load %arg16[%get3A_393] {strides = array<i32>} : memref<8192xf32, #tpu.memory_space<vmem>>, vector<16xf32>,
          %jit3A_395 = arith.constant 9.99999993E-9 : f32
          %jit3A_396 = arith.constant 1.000000e+00 : f32
          %max3A_397 = vector.broadcast %jit3A_395 : f32 to vector<16xf32>
          %max3A_398 = arith.maximumf %max3A_397, %get3A_394 : vector<16xf32>
          %min3A_399 = vector.broadcast %jit3A_396 : f32 to vector<16xf32>
          %min3A_400 = arith.minimumf %min3A_399, %max3A_398 : vector<16xf32>
          %get3A_401 = arith.index_cast %add3A_367 : i32 to index
          %get3A_402 = tpu.vector_load %arg17[%get3A_401] {strides = array<i32>} : memref<8192xf32, #tpu.memory_space<vmem>>, vector<16xf32>,
          %convert_element_type3A_403 = arith.extui %and3A_375 : vector<16xi1> to vector<16xi32>
          %convert_element_type3A_404 = arith.sitofp %convert_element_type3A_403 : vector<16xi32> to vector<16xf32>
          %convert_element_type3A_405 = arith.extui %and3A_381 : vector<16xi1> to vector<16xi32>
          %convert_element_type3A_406 = arith.sitofp %convert_element_type3A_405 : vector<16xi32> to vector<16xf32>
          %add3A_407 = arith.addf %add3A_353, %convert_element_type3A_406 : vector<16xf32>
          %mul3A_408 = arith.mulf %convert_element_type3A_404, %convert_element_type3A_392 : vector<16xf32>
          %add3A_409 = arith.addf %add3A_355, %mul3A_408 : vector<16xf32>
          %mul3A_410 = arith.mulf %convert_element_type3A_406, %convert_element_type3A_392 : vector<16xf32>
          %add3A_411 = arith.addf %add3A_357, %mul3A_410 : vector<16xf32>
          %mul3A_412 = arith.mulf %convert_element_type3A_404, %get3A_402 : vector<16xf32>
          %add3A_413 = arith.addf %add3A_359, %mul3A_412 : vector<16xf32>
          %mul3A_414 = arith.mulf %convert_element_type3A_406, %get3A_402 : vector<16xf32>
          %add3A_415 = arith.addf %add3A_361, %mul3A_414 : vector<16xf32>
          %mul3A_416 = arith.mulf %convert_element_type3A_406, %min3A_400 : vector<16xf32>
          %add3A_417 = arith.addf %add3A_363, %mul3A_416 : vector<16xf32>
          %mul3A_418 = arith.constant 128 : i32
          %mul3A_419 = arith.muli %add3A_259, %mul3A_418 : i32
          %add3A_420 = arith.constant 48 : i32
          %add3A_421 = arith.addi %mul3A_419, %add3A_420 : i32
          %add3A_422 = arith.addi %multiple_of3A_218, %add3A_421 : i32
          %add3A_423 = vector.broadcast %add3A_422 : i32 to vector<16xi32>
          %add3A_424 = arith.addi %add3A_423, %iota3A : vector<16xi32>
          %ge3A_425 = vector.broadcast %reduce_max3A_77 : i32 to vector<16xi32>
          %ge3A_426 = arith.cmpi sge, %add3A_424, %ge3A_425 : vector<16xi32>
          %lt3A_427 = vector.broadcast %reduce_max3A_90 : i32 to vector<16xi32>
          %lt3A_428 = arith.cmpi slt, %add3A_424, %lt3A_427 : vector<16xi32>
          %and3A_429 = arith.andi %ge3A_426, %lt3A_428 : vector<16xi1>
          %get3A_430 = arith.index_cast %add3A_421 : i32 to index
          %get3A_431 = tpu.vector_load %arg14[%get3A_430] {strides = array<i32>} : memref<8192xf32, #tpu.memory_space<vmem>>, vector<16xf32>,
          %gt3A_432 = arith.constant 0.000000e+00 : f32
          %gt3A_433 = vector.broadcast %gt3A_432 : f32 to vector<16xf32>
          %gt3A_434 = arith.cmpf ogt, %get3A_431, %gt3A_433 : vector<16xf32>
          %and3A_435 = arith.andi %and3A_429, %gt3A_434 : vector<16xi1>
          %get3A_436 = arith.index_cast %add3A_421 : i32 to index
          %get3A_437 = tpu.vector_load %arg12[%get3A_436] {strides = array<i32>} : memref<8192xi32, #tpu.memory_space<vmem>>, vector<16xi32>,
          tpu.vector_store_idx %arg18[%get3A_437], %broadcast_in_dim3A_5 masked %and3A_435 : memref<10112xf32, #tpu.memory_space<vmem>>[vector<16xi32>], vector<16xf32>, vector<16xi1>
          %get3A_438 = arith.index_cast %add3A_421 : i32 to index
          %get3A_439 = tpu.vector_load %arg13[%get3A_438] {strides = array<i32>} : memref<8192xi32, #tpu.memory_space<vmem>>, vector<16xi32>,
          tpu.vector_store_idx %arg18[%get3A_439], %broadcast_in_dim3A_5 masked %and3A_435 : memref<10112xf32, #tpu.memory_space<vmem>>[vector<16xi32>], vector<16xf32>, vector<16xi1>
          %get3A_440 = arith.index_cast %add3A_421 : i32 to index
          %get3A_441 = tpu.vector_load %arg15[%get3A_440] {strides = array<i32>} : memref<8192xf32, #tpu.memory_space<vmem>>, vector<16xf32>,
          %gt3A_442 = arith.constant 5.000000e-01 : f32
          %gt3A_443 = vector.broadcast %gt3A_442 : f32 to vector<16xf32>
          %gt3A_444 = arith.cmpf ogt, %get3A_441, %gt3A_443 : vector<16xf32>
          %convert_element_type3A_445 = arith.extui %gt3A_444 : vector<16xi1> to vector<16xi32>
          %convert_element_type3A_446 = arith.sitofp %convert_element_type3A_445 : vector<16xi32> to vector<16xf32>
          %get3A_447 = arith.index_cast %add3A_421 : i32 to index
          %get3A_448 = tpu.vector_load %arg16[%get3A_447] {strides = array<i32>} : memref<8192xf32, #tpu.memory_space<vmem>>, vector<16xf32>,
          %jit3A_449 = arith.constant 9.99999993E-9 : f32
          %jit3A_450 = arith.constant 1.000000e+00 : f32
          %max3A_451 = vector.broadcast %jit3A_449 : f32 to vector<16xf32>
          %max3A_452 = arith.maximumf %max3A_451, %get3A_448 : vector<16xf32>
          %min3A_453 = vector.broadcast %jit3A_450 : f32 to vector<16xf32>
          %min3A_454 = arith.minimumf %min3A_453, %max3A_452 : vector<16xf32>
          %get3A_455 = arith.index_cast %add3A_421 : i32 to index
          %get3A_456 = tpu.vector_load %arg17[%get3A_455] {strides = array<i32>} : memref<8192xf32, #tpu.memory_space<vmem>>, vector<16xf32>,
          %convert_element_type3A_457 = arith.extui %and3A_429 : vector<16xi1> to vector<16xi32>
          %convert_element_type3A_458 = arith.sitofp %convert_element_type3A_457 : vector<16xi32> to vector<16xf32>
          %convert_element_type3A_459 = arith.extui %and3A_435 : vector<16xi1> to vector<16xi32>
          %convert_element_type3A_460 = arith.sitofp %convert_element_type3A_459 : vector<16xi32> to vector<16xf32>
          %add3A_461 = arith.addf %add3A_407, %convert_element_type3A_460 : vector<16xf32>
          %mul3A_462 = arith.mulf %convert_element_type3A_458, %convert_element_type3A_446 : vector<16xf32>
          %add3A_463 = arith.addf %add3A_409, %mul3A_462 : vector<16xf32>
          %mul3A_464 = arith.mulf %convert_element_type3A_460, %convert_element_type3A_446 : vector<16xf32>
          %add3A_465 = arith.addf %add3A_411, %mul3A_464 : vector<16xf32>
          %mul3A_466 = arith.mulf %convert_element_type3A_458, %get3A_456 : vector<16xf32>
          %add3A_467 = arith.addf %add3A_413, %mul3A_466 : vector<16xf32>
          %mul3A_468 = arith.mulf %convert_element_type3A_460, %get3A_456 : vector<16xf32>
          %add3A_469 = arith.addf %add3A_415, %mul3A_468 : vector<16xf32>
          %mul3A_470 = arith.mulf %convert_element_type3A_460, %min3A_454 : vector<16xf32>
          %add3A_471 = arith.addf %add3A_417, %mul3A_470 : vector<16xf32>
          %mul3A_472 = arith.constant 128 : i32
          %mul3A_473 = arith.muli %add3A_259, %mul3A_472 : i32
          %add3A_474 = arith.constant 64 : i32
          %add3A_475 = arith.addi %mul3A_473, %add3A_474 : i32
          %add3A_476 = arith.addi %multiple_of3A_218, %add3A_475 : i32
          %add3A_477 = vector.broadcast %add3A_476 : i32 to vector<16xi32>
          %add3A_478 = arith.addi %add3A_477, %iota3A : vector<16xi32>
          %ge3A_479 = vector.broadcast %reduce_max3A_77 : i32 to vector<16xi32>
          %ge3A_480 = arith.cmpi sge, %add3A_478, %ge3A_479 : vector<16xi32>
          %lt3A_481 = vector.broadcast %reduce_max3A_90 : i32 to vector<16xi32>
          %lt3A_482 = arith.cmpi slt, %add3A_478, %lt3A_481 : vector<16xi32>
          %and3A_483 = arith.andi %ge3A_480, %lt3A_482 : vector<16xi1>
          %get3A_484 = arith.index_cast %add3A_475 : i32 to index
          %get3A_485 = tpu.vector_load %arg14[%get3A_484] {strides = array<i32>} : memref<8192xf32, #tpu.memory_space<vmem>>, vector<16xf32>,
          %gt3A_486 = arith.constant 0.000000e+00 : f32
          %gt3A_487 = vector.broadcast %gt3A_486 : f32 to vector<16xf32>
          %gt3A_488 = arith.cmpf ogt, %get3A_485, %gt3A_487 : vector<16xf32>
          %and3A_489 = arith.andi %and3A_483, %gt3A_488 : vector<16xi1>
          %get3A_490 = arith.index_cast %add3A_475 : i32 to index
          %get3A_491 = tpu.vector_load %arg12[%get3A_490] {strides = array<i32>} : memref<8192xi32, #tpu.memory_space<vmem>>, vector<16xi32>,
          tpu.vector_store_idx %arg18[%get3A_491], %broadcast_in_dim3A_5 masked %and3A_489 : memref<10112xf32, #tpu.memory_space<vmem>>[vector<16xi32>], vector<16xf32>, vector<16xi1>
          %get3A_492 = arith.index_cast %add3A_475 : i32 to index
          %get3A_493 = tpu.vector_load %arg13[%get3A_492] {strides = array<i32>} : memref<8192xi32, #tpu.memory_space<vmem>>, vector<16xi32>,
          tpu.vector_store_idx %arg18[%get3A_493], %broadcast_in_dim3A_5 masked %and3A_489 : memref<10112xf32, #tpu.memory_space<vmem>>[vector<16xi32>], vector<16xf32>, vector<16xi1>
          %get3A_494 = arith.index_cast %add3A_475 : i32 to index
          %get3A_495 = tpu.vector_load %arg15[%get3A_494] {strides = array<i32>} : memref<8192xf32, #tpu.memory_space<vmem>>, vector<16xf32>,
          %gt3A_496 = arith.constant 5.000000e-01 : f32
          %gt3A_497 = vector.broadcast %gt3A_496 : f32 to vector<16xf32>
          %gt3A_498 = arith.cmpf ogt, %get3A_495, %gt3A_497 : vector<16xf32>
          %convert_element_type3A_499 = arith.extui %gt3A_498 : vector<16xi1> to vector<16xi32>
          %convert_element_type3A_500 = arith.sitofp %convert_element_type3A_499 : vector<16xi32> to vector<16xf32>
          %get3A_501 = arith.index_cast %add3A_475 : i32 to index
          %get3A_502 = tpu.vector_load %arg16[%get3A_501] {strides = array<i32>} : memref<8192xf32, #tpu.memory_space<vmem>>, vector<16xf32>,
          %jit3A_503 = arith.constant 9.99999993E-9 : f32
          %jit3A_504 = arith.constant 1.000000e+00 : f32
          %max3A_505 = vector.broadcast %jit3A_503 : f32 to vector<16xf32>
          %max3A_506 = arith.maximumf %max3A_505, %get3A_502 : vector<16xf32>
          %min3A_507 = vector.broadcast %jit3A_504 : f32 to vector<16xf32>
          %min3A_508 = arith.minimumf %min3A_507, %max3A_506 : vector<16xf32>
          %get3A_509 = arith.index_cast %add3A_475 : i32 to index
          %get3A_510 = tpu.vector_load %arg17[%get3A_509] {strides = array<i32>} : memref<8192xf32, #tpu.memory_space<vmem>>, vector<16xf32>,
          %convert_element_type3A_511 = arith.extui %and3A_483 : vector<16xi1> to vector<16xi32>
          %convert_element_type3A_512 = arith.sitofp %convert_element_type3A_511 : vector<16xi32> to vector<16xf32>
          %convert_element_type3A_513 = arith.extui %and3A_489 : vector<16xi1> to vector<16xi32>
          %convert_element_type3A_514 = arith.sitofp %convert_element_type3A_513 : vector<16xi32> to vector<16xf32>
          %add3A_515 = arith.addf %add3A_461, %convert_element_type3A_514 : vector<16xf32>
          %mul3A_516 = arith.mulf %convert_element_type3A_512, %convert_element_type3A_500 : vector<16xf32>
          %add3A_517 = arith.addf %add3A_463, %mul3A_516 : vector<16xf32>
          %mul3A_518 = arith.mulf %convert_element_type3A_514, %convert_element_type3A_500 : vector<16xf32>
          %add3A_519 = arith.addf %add3A_465, %mul3A_518 : vector<16xf32>
          %mul3A_520 = arith.mulf %convert_element_type3A_512, %get3A_510 : vector<16xf32>
          %add3A_521 = arith.addf %add3A_467, %mul3A_520 : vector<16xf32>
          %mul3A_522 = arith.mulf %convert_element_type3A_514, %get3A_510 : vector<16xf32>
          %add3A_523 = arith.addf %add3A_469, %mul3A_522 : vector<16xf32>
          %mul3A_524 = arith.mulf %convert_element_type3A_514, %min3A_508 : vector<16xf32>
          %add3A_525 = arith.addf %add3A_471, %mul3A_524 : vector<16xf32>
          %mul3A_526 = arith.constant 128 : i32
          %mul3A_527 = arith.muli %add3A_259, %mul3A_526 : i32
          %add3A_528 = arith.constant 80 : i32
          %add3A_529 = arith.addi %mul3A_527, %add3A_528 : i32
          %add3A_530 = arith.addi %multiple_of3A_218, %add3A_529 : i32
          %add3A_531 = vector.broadcast %add3A_530 : i32 to vector<16xi32>
          %add3A_532 = arith.addi %add3A_531, %iota3A : vector<16xi32>
          %ge3A_533 = vector.broadcast %reduce_max3A_77 : i32 to vector<16xi32>
          %ge3A_534 = arith.cmpi sge, %add3A_532, %ge3A_533 : vector<16xi32>
          %lt3A_535 = vector.broadcast %reduce_max3A_90 : i32 to vector<16xi32>
          %lt3A_536 = arith.cmpi slt, %add3A_532, %lt3A_535 : vector<16xi32>
          %and3A_537 = arith.andi %ge3A_534, %lt3A_536 : vector<16xi1>
          %get3A_538 = arith.index_cast %add3A_529 : i32 to index
          %get3A_539 = tpu.vector_load %arg14[%get3A_538] {strides = array<i32>} : memref<8192xf32, #tpu.memory_space<vmem>>, vector<16xf32>,
          %gt3A_540 = arith.constant 0.000000e+00 : f32
          %gt3A_541 = vector.broadcast %gt3A_540 : f32 to vector<16xf32>
          %gt3A_542 = arith.cmpf ogt, %get3A_539, %gt3A_541 : vector<16xf32>
          %and3A_543 = arith.andi %and3A_537, %gt3A_542 : vector<16xi1>
          %get3A_544 = arith.index_cast %add3A_529 : i32 to index
          %get3A_545 = tpu.vector_load %arg12[%get3A_544] {strides = array<i32>} : memref<8192xi32, #tpu.memory_space<vmem>>, vector<16xi32>,
          tpu.vector_store_idx %arg18[%get3A_545], %broadcast_in_dim3A_5 masked %and3A_543 : memref<10112xf32, #tpu.memory_space<vmem>>[vector<16xi32>], vector<16xf32>, vector<16xi1>
          %get3A_546 = arith.index_cast %add3A_529 : i32 to index
          %get3A_547 = tpu.vector_load %arg13[%get3A_546] {strides = array<i32>} : memref<8192xi32, #tpu.memory_space<vmem>>, vector<16xi32>,
          tpu.vector_store_idx %arg18[%get3A_547], %broadcast_in_dim3A_5 masked %and3A_543 : memref<10112xf32, #tpu.memory_space<vmem>>[vector<16xi32>], vector<16xf32>, vector<16xi1>
          %get3A_548 = arith.index_cast %add3A_529 : i32 to index
          %get3A_549 = tpu.vector_load %arg15[%get3A_548] {strides = array<i32>} : memref<8192xf32, #tpu.memory_space<vmem>>, vector<16xf32>,
          %gt3A_550 = arith.constant 5.000000e-01 : f32
          %gt3A_551 = vector.broadcast %gt3A_550 : f32 to vector<16xf32>
          %gt3A_552 = arith.cmpf ogt, %get3A_549, %gt3A_551 : vector<16xf32>
          %convert_element_type3A_553 = arith.extui %gt3A_552 : vector<16xi1> to vector<16xi32>
          %convert_element_type3A_554 = arith.sitofp %convert_element_type3A_553 : vector<16xi32> to vector<16xf32>
          %get3A_555 = arith.index_cast %add3A_529 : i32 to index
          %get3A_556 = tpu.vector_load %arg16[%get3A_555] {strides = array<i32>} : memref<8192xf32, #tpu.memory_space<vmem>>, vector<16xf32>,
          %jit3A_557 = arith.constant 9.99999993E-9 : f32
          %jit3A_558 = arith.constant 1.000000e+00 : f32
          %max3A_559 = vector.broadcast %jit3A_557 : f32 to vector<16xf32>
          %max3A_560 = arith.maximumf %max3A_559, %get3A_556 : vector<16xf32>
          %min3A_561 = vector.broadcast %jit3A_558 : f32 to vector<16xf32>
          %min3A_562 = arith.minimumf %min3A_561, %max3A_560 : vector<16xf32>
          %get3A_563 = arith.index_cast %add3A_529 : i32 to index
          %get3A_564 = tpu.vector_load %arg17[%get3A_563] {strides = array<i32>} : memref<8192xf32, #tpu.memory_space<vmem>>, vector<16xf32>,
          %convert_element_type3A_565 = arith.extui %and3A_537 : vector<16xi1> to vector<16xi32>
          %convert_element_type3A_566 = arith.sitofp %convert_element_type3A_565 : vector<16xi32> to vector<16xf32>
          %convert_element_type3A_567 = arith.extui %and3A_543 : vector<16xi1> to vector<16xi32>
          %convert_element_type3A_568 = arith.sitofp %convert_element_type3A_567 : vector<16xi32> to vector<16xf32>
          %add3A_569 = arith.addf %add3A_515, %convert_element_type3A_568 : vector<16xf32>
          %mul3A_570 = arith.mulf %convert_element_type3A_566, %convert_element_type3A_554 : vector<16xf32>
          %add3A_571 = arith.addf %add3A_517, %mul3A_570 : vector<16xf32>
          %mul3A_572 = arith.mulf %convert_element_type3A_568, %convert_element_type3A_554 : vector<16xf32>
          %add3A_573 = arith.addf %add3A_519, %mul3A_572 : vector<16xf32>
          %mul3A_574 = arith.mulf %convert_element_type3A_566, %get3A_564 : vector<16xf32>
          %add3A_575 = arith.addf %add3A_521, %mul3A_574 : vector<16xf32>
          %mul3A_576 = arith.mulf %convert_element_type3A_568, %get3A_564 : vector<16xf32>
          %add3A_577 = arith.addf %add3A_523, %mul3A_576 : vector<16xf32>
          %mul3A_578 = arith.mulf %convert_element_type3A_568, %min3A_562 : vector<16xf32>
          %add3A_579 = arith.addf %add3A_525, %mul3A_578 : vector<16xf32>
          %mul3A_580 = arith.constant 128 : i32
          %mul3A_581 = arith.muli %add3A_259, %mul3A_580 : i32
          %add3A_582 = arith.constant 96 : i32
          %add3A_583 = arith.addi %mul3A_581, %add3A_582 : i32
          %add3A_584 = arith.addi %multiple_of3A_218, %add3A_583 : i32
          %add3A_585 = vector.broadcast %add3A_584 : i32 to vector<16xi32>
          %add3A_586 = arith.addi %add3A_585, %iota3A : vector<16xi32>
          %ge3A_587 = vector.broadcast %reduce_max3A_77 : i32 to vector<16xi32>
          %ge3A_588 = arith.cmpi sge, %add3A_586, %ge3A_587 : vector<16xi32>
          %lt3A_589 = vector.broadcast %reduce_max3A_90 : i32 to vector<16xi32>
          %lt3A_590 = arith.cmpi slt, %add3A_586, %lt3A_589 : vector<16xi32>
          %and3A_591 = arith.andi %ge3A_588, %lt3A_590 : vector<16xi1>
          %get3A_592 = arith.index_cast %add3A_583 : i32 to index
          %get3A_593 = tpu.vector_load %arg14[%get3A_592] {strides = array<i32>} : memref<8192xf32, #tpu.memory_space<vmem>>, vector<16xf32>,
          %gt3A_594 = arith.constant 0.000000e+00 : f32
          %gt3A_595 = vector.broadcast %gt3A_594 : f32 to vector<16xf32>
          %gt3A_596 = arith.cmpf ogt, %get3A_593, %gt3A_595 : vector<16xf32>
          %and3A_597 = arith.andi %and3A_591, %gt3A_596 : vector<16xi1>
          %get3A_598 = arith.index_cast %add3A_583 : i32 to index
          %get3A_599 = tpu.vector_load %arg12[%get3A_598] {strides = array<i32>} : memref<8192xi32, #tpu.memory_space<vmem>>, vector<16xi32>,
          tpu.vector_store_idx %arg18[%get3A_599], %broadcast_in_dim3A_5 masked %and3A_597 : memref<10112xf32, #tpu.memory_space<vmem>>[vector<16xi32>], vector<16xf32>, vector<16xi1>
          %get3A_600 = arith.index_cast %add3A_583 : i32 to index
          %get3A_601 = tpu.vector_load %arg13[%get3A_600] {strides = array<i32>} : memref<8192xi32, #tpu.memory_space<vmem>>, vector<16xi32>,
          tpu.vector_store_idx %arg18[%get3A_601], %broadcast_in_dim3A_5 masked %and3A_597 : memref<10112xf32, #tpu.memory_space<vmem>>[vector<16xi32>], vector<16xf32>, vector<16xi1>
          %get3A_602 = arith.index_cast %add3A_583 : i32 to index
          %get3A_603 = tpu.vector_load %arg15[%get3A_602] {strides = array<i32>} : memref<8192xf32, #tpu.memory_space<vmem>>, vector<16xf32>,
          %gt3A_604 = arith.constant 5.000000e-01 : f32
          %gt3A_605 = vector.broadcast %gt3A_604 : f32 to vector<16xf32>
          %gt3A_606 = arith.cmpf ogt, %get3A_603, %gt3A_605 : vector<16xf32>
          %convert_element_type3A_607 = arith.extui %gt3A_606 : vector<16xi1> to vector<16xi32>
          %convert_element_type3A_608 = arith.sitofp %convert_element_type3A_607 : vector<16xi32> to vector<16xf32>
          %get3A_609 = arith.index_cast %add3A_583 : i32 to index
          %get3A_610 = tpu.vector_load %arg16[%get3A_609] {strides = array<i32>} : memref<8192xf32, #tpu.memory_space<vmem>>, vector<16xf32>,
          %jit3A_611 = arith.constant 9.99999993E-9 : f32
          %jit3A_612 = arith.constant 1.000000e+00 : f32
          %max3A_613 = vector.broadcast %jit3A_611 : f32 to vector<16xf32>
          %max3A_614 = arith.maximumf %max3A_613, %get3A_610 : vector<16xf32>
          %min3A_615 = vector.broadcast %jit3A_612 : f32 to vector<16xf32>
          %min3A_616 = arith.minimumf %min3A_615, %max3A_614 : vector<16xf32>
          %get3A_617 = arith.index_cast %add3A_583 : i32 to index
          %get3A_618 = tpu.vector_load %arg17[%get3A_617] {strides = array<i32>} : memref<8192xf32, #tpu.memory_space<vmem>>, vector<16xf32>,
          %convert_element_type3A_619 = arith.extui %and3A_591 : vector<16xi1> to vector<16xi32>
          %convert_element_type3A_620 = arith.sitofp %convert_element_type3A_619 : vector<16xi32> to vector<16xf32>
          %convert_element_type3A_621 = arith.extui %and3A_597 : vector<16xi1> to vector<16xi32>
          %convert_element_type3A_622 = arith.sitofp %convert_element_type3A_621 : vector<16xi32> to vector<16xf32>
          %add3A_623 = arith.addf %add3A_569, %convert_element_type3A_622 : vector<16xf32>
          %mul3A_624 = arith.mulf %convert_element_type3A_620, %convert_element_type3A_608 : vector<16xf32>
          %add3A_625 = arith.addf %add3A_571, %mul3A_624 : vector<16xf32>
          %mul3A_626 = arith.mulf %convert_element_type3A_622, %convert_element_type3A_608 : vector<16xf32>
          %add3A_627 = arith.addf %add3A_573, %mul3A_626 : vector<16xf32>
          %mul3A_628 = arith.mulf %convert_element_type3A_620, %get3A_618 : vector<16xf32>
          %add3A_629 = arith.addf %add3A_575, %mul3A_628 : vector<16xf32>
          %mul3A_630 = arith.mulf %convert_element_type3A_622, %get3A_618 : vector<16xf32>
          %add3A_631 = arith.addf %add3A_577, %mul3A_630 : vector<16xf32>
          %mul3A_632 = arith.mulf %convert_element_type3A_622, %min3A_616 : vector<16xf32>
          %add3A_633 = arith.addf %add3A_579, %mul3A_632 : vector<16xf32>
          %mul3A_634 = arith.constant 128 : i32
          %mul3A_635 = arith.muli %add3A_259, %mul3A_634 : i32
          %add3A_636 = arith.constant 112 : i32
          %add3A_637 = arith.addi %mul3A_635, %add3A_636 : i32
          %add3A_638 = arith.addi %multiple_of3A_218, %add3A_637 : i32
          %add3A_639 = vector.broadcast %add3A_638 : i32 to vector<16xi32>
          %add3A_640 = arith.addi %add3A_639, %iota3A : vector<16xi32>
          %ge3A_641 = vector.broadcast %reduce_max3A_77 : i32 to vector<16xi32>
          %ge3A_642 = arith.cmpi sge, %add3A_640, %ge3A_641 : vector<16xi32>
          %lt3A_643 = vector.broadcast %reduce_max3A_90 : i32 to vector<16xi32>
          %lt3A_644 = arith.cmpi slt, %add3A_640, %lt3A_643 : vector<16xi32>
          %and3A_645 = arith.andi %ge3A_642, %lt3A_644 : vector<16xi1>
          %get3A_646 = arith.index_cast %add3A_637 : i32 to index
          %get3A_647 = tpu.vector_load %arg14[%get3A_646] {strides = array<i32>} : memref<8192xf32, #tpu.memory_space<vmem>>, vector<16xf32>,
          %gt3A_648 = arith.constant 0.000000e+00 : f32
          %gt3A_649 = vector.broadcast %gt3A_648 : f32 to vector<16xf32>
          %gt3A_650 = arith.cmpf ogt, %get3A_647, %gt3A_649 : vector<16xf32>
          %and3A_651 = arith.andi %and3A_645, %gt3A_650 : vector<16xi1>
          %get3A_652 = arith.index_cast %add3A_637 : i32 to index
          %get3A_653 = tpu.vector_load %arg12[%get3A_652] {strides = array<i32>} : memref<8192xi32, #tpu.memory_space<vmem>>, vector<16xi32>,
          tpu.vector_store_idx %arg18[%get3A_653], %broadcast_in_dim3A_5 masked %and3A_651 : memref<10112xf32, #tpu.memory_space<vmem>>[vector<16xi32>], vector<16xf32>, vector<16xi1>
          %get3A_654 = arith.index_cast %add3A_637 : i32 to index
          %get3A_655 = tpu.vector_load %arg13[%get3A_654] {strides = array<i32>} : memref<8192xi32, #tpu.memory_space<vmem>>, vector<16xi32>,
          tpu.vector_store_idx %arg18[%get3A_655], %broadcast_in_dim3A_5 masked %and3A_651 : memref<10112xf32, #tpu.memory_space<vmem>>[vector<16xi32>], vector<16xf32>, vector<16xi1>
          %get3A_656 = arith.index_cast %add3A_637 : i32 to index
          %get3A_657 = tpu.vector_load %arg15[%get3A_656] {strides = array<i32>} : memref<8192xf32, #tpu.memory_space<vmem>>, vector<16xf32>,
          %gt3A_658 = arith.constant 5.000000e-01 : f32
          %gt3A_659 = vector.broadcast %gt3A_658 : f32 to vector<16xf32>
          %gt3A_660 = arith.cmpf ogt, %get3A_657, %gt3A_659 : vector<16xf32>
          %convert_element_type3A_661 = arith.extui %gt3A_660 : vector<16xi1> to vector<16xi32>
          %convert_element_type3A_662 = arith.sitofp %convert_element_type3A_661 : vector<16xi32> to vector<16xf32>
          %get3A_663 = arith.index_cast %add3A_637 : i32 to index
          %get3A_664 = tpu.vector_load %arg16[%get3A_663] {strides = array<i32>} : memref<8192xf32, #tpu.memory_space<vmem>>, vector<16xf32>,
          %jit3A_665 = arith.constant 9.99999993E-9 : f32
          %jit3A_666 = arith.constant 1.000000e+00 : f32
          %max3A_667 = vector.broadcast %jit3A_665 : f32 to vector<16xf32>
          %max3A_668 = arith.maximumf %max3A_667, %get3A_664 : vector<16xf32>
          %min3A_669 = vector.broadcast %jit3A_666 : f32 to vector<16xf32>
          %min3A_670 = arith.minimumf %min3A_669, %max3A_668 : vector<16xf32>
          %get3A_671 = arith.index_cast %add3A_637 : i32 to index
          %get3A_672 = tpu.vector_load %arg17[%get3A_671] {strides = array<i32>} : memref<8192xf32, #tpu.memory_space<vmem>>, vector<16xf32>,
          %convert_element_type3A_673 = arith.extui %and3A_645 : vector<16xi1> to vector<16xi32>
          %convert_element_type3A_674 = arith.sitofp %convert_element_type3A_673 : vector<16xi32> to vector<16xf32>
          %convert_element_type3A_675 = arith.extui %and3A_651 : vector<16xi1> to vector<16xi32>
          %convert_element_type3A_676 = arith.sitofp %convert_element_type3A_675 : vector<16xi32> to vector<16xf32>
          %add3A_677 = arith.addf %add3A_623, %convert_element_type3A_676 : vector<16xf32>
          %mul3A_678 = arith.mulf %convert_element_type3A_674, %convert_element_type3A_662 : vector<16xf32>
          %add3A_679 = arith.addf %add3A_625, %mul3A_678 : vector<16xf32>
          %mul3A_680 = arith.mulf %convert_element_type3A_676, %convert_element_type3A_662 : vector<16xf32>
          %add3A_681 = arith.addf %add3A_627, %mul3A_680 : vector<16xf32>
          %mul3A_682 = arith.mulf %convert_element_type3A_674, %get3A_672 : vector<16xf32>
          %add3A_683 = arith.addf %add3A_629, %mul3A_682 : vector<16xf32>
          %mul3A_684 = arith.mulf %convert_element_type3A_676, %get3A_672 : vector<16xf32>
          %add3A_685 = arith.addf %add3A_631, %mul3A_684 : vector<16xf32>
          %mul3A_686 = arith.mulf %convert_element_type3A_676, %min3A_670 : vector<16xf32>
          %add3A_687 = arith.addf %add3A_633, %mul3A_686 : vector<16xf32>
          %scan3A_688 = arith.constant 1 : i32
          %scan3A_689 = arith.addi %scan3A_249, %scan3A_688 : i32
          %mul3A_690 = arith.constant 1 : i32
          %mul3A_691 = arith.muli %scan3A_689, %mul3A_690 : i32
          %add3A_692 = arith.constant 0 : i32
          %add3A_693 = arith.addi %add3A_692, %mul3A_691 : i32
          %mul3A_694 = arith.constant 128 : i32
          %mul3A_695 = arith.muli %add3A_693, %mul3A_694 : i32
          %add3A_696 = arith.constant 0 : i32
          %add3A_697 = arith.addi %mul3A_695, %add3A_696 : i32
          %add3A_698 = arith.addi %multiple_of3A_218, %add3A_697 : i32
          %add3A_699 = vector.broadcast %add3A_698 : i32 to vector<16xi32>
          %add3A_700 = arith.addi %add3A_699, %iota3A : vector<16xi32>
          %ge3A_701 = vector.broadcast %reduce_max3A_77 : i32 to vector<16xi32>
          %ge3A_702 = arith.cmpi sge, %add3A_700, %ge3A_701 : vector<16xi32>
          %lt3A_703 = vector.broadcast %reduce_max3A_90 : i32 to vector<16xi32>
          %lt3A_704 = arith.cmpi slt, %add3A_700, %lt3A_703 : vector<16xi32>
          %and3A_705 = arith.andi %ge3A_702, %lt3A_704 : vector<16xi1>
          %get3A_706 = arith.index_cast %add3A_697 : i32 to index
          %get3A_707 = tpu.vector_load %arg14[%get3A_706] {strides = array<i32>} : memref<8192xf32, #tpu.memory_space<vmem>>, vector<16xf32>,
          %gt3A_708 = arith.constant 0.000000e+00 : f32
          %gt3A_709 = vector.broadcast %gt3A_708 : f32 to vector<16xf32>
          %gt3A_710 = arith.cmpf ogt, %get3A_707, %gt3A_709 : vector<16xf32>
          %and3A_711 = arith.andi %and3A_705, %gt3A_710 : vector<16xi1>
          %get3A_712 = arith.index_cast %add3A_697 : i32 to index
          %get3A_713 = tpu.vector_load %arg12[%get3A_712] {strides = array<i32>} : memref<8192xi32, #tpu.memory_space<vmem>>, vector<16xi32>,
          tpu.vector_store_idx %arg18[%get3A_713], %broadcast_in_dim3A_5 masked %and3A_711 : memref<10112xf32, #tpu.memory_space<vmem>>[vector<16xi32>], vector<16xf32>, vector<16xi1>
          %get3A_714 = arith.index_cast %add3A_697 : i32 to index
          %get3A_715 = tpu.vector_load %arg13[%get3A_714] {strides = array<i32>} : memref<8192xi32, #tpu.memory_space<vmem>>, vector<16xi32>,
          tpu.vector_store_idx %arg18[%get3A_715], %broadcast_in_dim3A_5 masked %and3A_711 : memref<10112xf32, #tpu.memory_space<vmem>>[vector<16xi32>], vector<16xf32>, vector<16xi1>
          %get3A_716 = arith.index_cast %add3A_697 : i32 to index
          %get3A_717 = tpu.vector_load %arg15[%get3A_716] {strides = array<i32>} : memref<8192xf32, #tpu.memory_space<vmem>>, vector<16xf32>,
          %gt3A_718 = arith.constant 5.000000e-01 : f32
          %gt3A_719 = vector.broadcast %gt3A_718 : f32 to vector<16xf32>
          %gt3A_720 = arith.cmpf ogt, %get3A_717, %gt3A_719 : vector<16xf32>
          %convert_element_type3A_721 = arith.extui %gt3A_720 : vector<16xi1> to vector<16xi32>
          %convert_element_type3A_722 = arith.sitofp %convert_element_type3A_721 : vector<16xi32> to vector<16xf32>
          %get3A_723 = arith.index_cast %add3A_697 : i32 to index
          %get3A_724 = tpu.vector_load %arg16[%get3A_723] {strides = array<i32>} : memref<8192xf32, #tpu.memory_space<vmem>>, vector<16xf32>,
          %jit3A_725 = arith.constant 9.99999993E-9 : f32
          %jit3A_726 = arith.constant 1.000000e+00 : f32
          %max3A_727 = vector.broadcast %jit3A_725 : f32 to vector<16xf32>
          %max3A_728 = arith.maximumf %max3A_727, %get3A_724 : vector<16xf32>
          %min3A_729 = vector.broadcast %jit3A_726 : f32 to vector<16xf32>
          %min3A_730 = arith.minimumf %min3A_729, %max3A_728 : vector<16xf32>
          %get3A_731 = arith.index_cast %add3A_697 : i32 to index
          %get3A_732 = tpu.vector_load %arg17[%get3A_731] {strides = array<i32>} : memref<8192xf32, #tpu.memory_space<vmem>>, vector<16xf32>,
          %convert_element_type3A_733 = arith.extui %and3A_705 : vector<16xi1> to vector<16xi32>
          %convert_element_type3A_734 = arith.sitofp %convert_element_type3A_733 : vector<16xi32> to vector<16xf32>
          %convert_element_type3A_735 = arith.extui %and3A_711 : vector<16xi1> to vector<16xi32>
          %convert_element_type3A_736 = arith.sitofp %convert_element_type3A_735 : vector<16xi32> to vector<16xf32>
          %add3A_737 = arith.addf %add3A_677, %convert_element_type3A_736 : vector<16xf32>
          %mul3A_738 = arith.mulf %convert_element_type3A_734, %convert_element_type3A_722 : vector<16xf32>
          %add3A_739 = arith.addf %add3A_679, %mul3A_738 : vector<16xf32>
          %mul3A_740 = arith.mulf %convert_element_type3A_736, %convert_element_type3A_722 : vector<16xf32>
          %add3A_741 = arith.addf %add3A_681, %mul3A_740 : vector<16xf32>
          %mul3A_742 = arith.mulf %convert_element_type3A_734, %get3A_732 : vector<16xf32>
          %add3A_743 = arith.addf %add3A_683, %mul3A_742 : vector<16xf32>
          %mul3A_744 = arith.mulf %convert_element_type3A_736, %get3A_732 : vector<16xf32>
          %add3A_745 = arith.addf %add3A_685, %mul3A_744 : vector<16xf32>
          %mul3A_746 = arith.mulf %convert_element_type3A_736, %min3A_730 : vector<16xf32>
          %add3A_747 = arith.addf %add3A_687, %mul3A_746 : vector<16xf32>
          %mul3A_748 = arith.constant 128 : i32
          %mul3A_749 = arith.muli %add3A_693, %mul3A_748 : i32
          %add3A_750 = arith.constant 16 : i32
          %add3A_751 = arith.addi %mul3A_749, %add3A_750 : i32
          %add3A_752 = arith.addi %multiple_of3A_218, %add3A_751 : i32
          %add3A_753 = vector.broadcast %add3A_752 : i32 to vector<16xi32>
          %add3A_754 = arith.addi %add3A_753, %iota3A : vector<16xi32>
          %ge3A_755 = vector.broadcast %reduce_max3A_77 : i32 to vector<16xi32>
          %ge3A_756 = arith.cmpi sge, %add3A_754, %ge3A_755 : vector<16xi32>
          %lt3A_757 = vector.broadcast %reduce_max3A_90 : i32 to vector<16xi32>
          %lt3A_758 = arith.cmpi slt, %add3A_754, %lt3A_757 : vector<16xi32>
          %and3A_759 = arith.andi %ge3A_756, %lt3A_758 : vector<16xi1>
          %get3A_760 = arith.index_cast %add3A_751 : i32 to index
          %get3A_761 = tpu.vector_load %arg14[%get3A_760] {strides = array<i32>} : memref<8192xf32, #tpu.memory_space<vmem>>, vector<16xf32>,
          %gt3A_762 = arith.constant 0.000000e+00 : f32
          %gt3A_763 = vector.broadcast %gt3A_762 : f32 to vector<16xf32>
          %gt3A_764 = arith.cmpf ogt, %get3A_761, %gt3A_763 : vector<16xf32>
          %and3A_765 = arith.andi %and3A_759, %gt3A_764 : vector<16xi1>
          %get3A_766 = arith.index_cast %add3A_751 : i32 to index
          %get3A_767 = tpu.vector_load %arg12[%get3A_766] {strides = array<i32>} : memref<8192xi32, #tpu.memory_space<vmem>>, vector<16xi32>,
          tpu.vector_store_idx %arg18[%get3A_767], %broadcast_in_dim3A_5 masked %and3A_765 : memref<10112xf32, #tpu.memory_space<vmem>>[vector<16xi32>], vector<16xf32>, vector<16xi1>
          %get3A_768 = arith.index_cast %add3A_751 : i32 to index
          %get3A_769 = tpu.vector_load %arg13[%get3A_768] {strides = array<i32>} : memref<8192xi32, #tpu.memory_space<vmem>>, vector<16xi32>,
          tpu.vector_store_idx %arg18[%get3A_769], %broadcast_in_dim3A_5 masked %and3A_765 : memref<10112xf32, #tpu.memory_space<vmem>>[vector<16xi32>], vector<16xf32>, vector<16xi1>
          %get3A_770 = arith.index_cast %add3A_751 : i32 to index
          %get3A_771 = tpu.vector_load %arg15[%get3A_770] {strides = array<i32>} : memref<8192xf32, #tpu.memory_space<vmem>>, vector<16xf32>,
          %gt3A_772 = arith.constant 5.000000e-01 : f32
          %gt3A_773 = vector.broadcast %gt3A_772 : f32 to vector<16xf32>
          %gt3A_774 = arith.cmpf ogt, %get3A_771, %gt3A_773 : vector<16xf32>
          %convert_element_type3A_775 = arith.extui %gt3A_774 : vector<16xi1> to vector<16xi32>
          %convert_element_type3A_776 = arith.sitofp %convert_element_type3A_775 : vector<16xi32> to vector<16xf32>
          %get3A_777 = arith.index_cast %add3A_751 : i32 to index
          %get3A_778 = tpu.vector_load %arg16[%get3A_777] {strides = array<i32>} : memref<8192xf32, #tpu.memory_space<vmem>>, vector<16xf32>,
          %jit3A_779 = arith.constant 9.99999993E-9 : f32
          %jit3A_780 = arith.constant 1.000000e+00 : f32
          %max3A_781 = vector.broadcast %jit3A_779 : f32 to vector<16xf32>
          %max3A_782 = arith.maximumf %max3A_781, %get3A_778 : vector<16xf32>
          %min3A_783 = vector.broadcast %jit3A_780 : f32 to vector<16xf32>
          %min3A_784 = arith.minimumf %min3A_783, %max3A_782 : vector<16xf32>
          %get3A_785 = arith.index_cast %add3A_751 : i32 to index
          %get3A_786 = tpu.vector_load %arg17[%get3A_785] {strides = array<i32>} : memref<8192xf32, #tpu.memory_space<vmem>>, vector<16xf32>,
          %convert_element_type3A_787 = arith.extui %and3A_759 : vector<16xi1> to vector<16xi32>
          %convert_element_type3A_788 = arith.sitofp %convert_element_type3A_787 : vector<16xi32> to vector<16xf32>
          %convert_element_type3A_789 = arith.extui %and3A_765 : vector<16xi1> to vector<16xi32>
          %convert_element_type3A_790 = arith.sitofp %convert_element_type3A_789 : vector<16xi32> to vector<16xf32>
          %add3A_791 = arith.addf %add3A_737, %convert_element_type3A_790 : vector<16xf32>
          %mul3A_792 = arith.mulf %convert_element_type3A_788, %convert_element_type3A_776 : vector<16xf32>
          %add3A_793 = arith.addf %add3A_739, %mul3A_792 : vector<16xf32>
          %mul3A_794 = arith.mulf %convert_element_type3A_790, %convert_element_type3A_776 : vector<16xf32>
          %add3A_795 = arith.addf %add3A_741, %mul3A_794 : vector<16xf32>
          %mul3A_796 = arith.mulf %convert_element_type3A_788, %get3A_786 : vector<16xf32>
          %add3A_797 = arith.addf %add3A_743, %mul3A_796 : vector<16xf32>
          %mul3A_798 = arith.mulf %convert_element_type3A_790, %get3A_786 : vector<16xf32>
          %add3A_799 = arith.addf %add3A_745, %mul3A_798 : vector<16xf32>
          %mul3A_800 = arith.mulf %convert_element_type3A_790, %min3A_784 : vector<16xf32>
          %add3A_801 = arith.addf %add3A_747, %mul3A_800 : vector<16xf32>
          %mul3A_802 = arith.constant 128 : i32
          %mul3A_803 = arith.muli %add3A_693, %mul3A_802 : i32
          %add3A_804 = arith.constant 32 : i32
          %add3A_805 = arith.addi %mul3A_803, %add3A_804 : i32
          %add3A_806 = arith.addi %multiple_of3A_218, %add3A_805 : i32
          %add3A_807 = vector.broadcast %add3A_806 : i32 to vector<16xi32>
          %add3A_808 = arith.addi %add3A_807, %iota3A : vector<16xi32>
          %ge3A_809 = vector.broadcast %reduce_max3A_77 : i32 to vector<16xi32>
          %ge3A_810 = arith.cmpi sge, %add3A_808, %ge3A_809 : vector<16xi32>
          %lt3A_811 = vector.broadcast %reduce_max3A_90 : i32 to vector<16xi32>
          %lt3A_812 = arith.cmpi slt, %add3A_808, %lt3A_811 : vector<16xi32>
          %and3A_813 = arith.andi %ge3A_810, %lt3A_812 : vector<16xi1>
          %get3A_814 = arith.index_cast %add3A_805 : i32 to index
          %get3A_815 = tpu.vector_load %arg14[%get3A_814] {strides = array<i32>} : memref<8192xf32, #tpu.memory_space<vmem>>, vector<16xf32>,
          %gt3A_816 = arith.constant 0.000000e+00 : f32
          %gt3A_817 = vector.broadcast %gt3A_816 : f32 to vector<16xf32>
          %gt3A_818 = arith.cmpf ogt, %get3A_815, %gt3A_817 : vector<16xf32>
          %and3A_819 = arith.andi %and3A_813, %gt3A_818 : vector<16xi1>
          %get3A_820 = arith.index_cast %add3A_805 : i32 to index
          %get3A_821 = tpu.vector_load %arg12[%get3A_820] {strides = array<i32>} : memref<8192xi32, #tpu.memory_space<vmem>>, vector<16xi32>,
          tpu.vector_store_idx %arg18[%get3A_821], %broadcast_in_dim3A_5 masked %and3A_819 : memref<10112xf32, #tpu.memory_space<vmem>>[vector<16xi32>], vector<16xf32>, vector<16xi1>
          %get3A_822 = arith.index_cast %add3A_805 : i32 to index
          %get3A_823 = tpu.vector_load %arg13[%get3A_822] {strides = array<i32>} : memref<8192xi32, #tpu.memory_space<vmem>>, vector<16xi32>,
          tpu.vector_store_idx %arg18[%get3A_823], %broadcast_in_dim3A_5 masked %and3A_819 : memref<10112xf32, #tpu.memory_space<vmem>>[vector<16xi32>], vector<16xf32>, vector<16xi1>
          %get3A_824 = arith.index_cast %add3A_805 : i32 to index
          %get3A_825 = tpu.vector_load %arg15[%get3A_824] {strides = array<i32>} : memref<8192xf32, #tpu.memory_space<vmem>>, vector<16xf32>,
          %gt3A_826 = arith.constant 5.000000e-01 : f32
          %gt3A_827 = vector.broadcast %gt3A_826 : f32 to vector<16xf32>
          %gt3A_828 = arith.cmpf ogt, %get3A_825, %gt3A_827 : vector<16xf32>
          %convert_element_type3A_829 = arith.extui %gt3A_828 : vector<16xi1> to vector<16xi32>
          %convert_element_type3A_830 = arith.sitofp %convert_element_type3A_829 : vector<16xi32> to vector<16xf32>
          %get3A_831 = arith.index_cast %add3A_805 : i32 to index
          %get3A_832 = tpu.vector_load %arg16[%get3A_831] {strides = array<i32>} : memref<8192xf32, #tpu.memory_space<vmem>>, vector<16xf32>,
          %jit3A_833 = arith.constant 9.99999993E-9 : f32
          %jit3A_834 = arith.constant 1.000000e+00 : f32
          %max3A_835 = vector.broadcast %jit3A_833 : f32 to vector<16xf32>
          %max3A_836 = arith.maximumf %max3A_835, %get3A_832 : vector<16xf32>
          %min3A_837 = vector.broadcast %jit3A_834 : f32 to vector<16xf32>
          %min3A_838 = arith.minimumf %min3A_837, %max3A_836 : vector<16xf32>
          %get3A_839 = arith.index_cast %add3A_805 : i32 to index
          %get3A_840 = tpu.vector_load %arg17[%get3A_839] {strides = array<i32>} : memref<8192xf32, #tpu.memory_space<vmem>>, vector<16xf32>,
          %convert_element_type3A_841 = arith.extui %and3A_813 : vector<16xi1> to vector<16xi32>
          %convert_element_type3A_842 = arith.sitofp %convert_element_type3A_841 : vector<16xi32> to vector<16xf32>
          %convert_element_type3A_843 = arith.extui %and3A_819 : vector<16xi1> to vector<16xi32>
          %convert_element_type3A_844 = arith.sitofp %convert_element_type3A_843 : vector<16xi32> to vector<16xf32>
          %add3A_845 = arith.addf %add3A_791, %convert_element_type3A_844 : vector<16xf32>
          %mul3A_846 = arith.mulf %convert_element_type3A_842, %convert_element_type3A_830 : vector<16xf32>
          %add3A_847 = arith.addf %add3A_793, %mul3A_846 : vector<16xf32>
          %mul3A_848 = arith.mulf %convert_element_type3A_844, %convert_element_type3A_830 : vector<16xf32>
          %add3A_849 = arith.addf %add3A_795, %mul3A_848 : vector<16xf32>
          %mul3A_850 = arith.mulf %convert_element_type3A_842, %get3A_840 : vector<16xf32>
          %add3A_851 = arith.addf %add3A_797, %mul3A_850 : vector<16xf32>
          %mul3A_852 = arith.mulf %convert_element_type3A_844, %get3A_840 : vector<16xf32>
          %add3A_853 = arith.addf %add3A_799, %mul3A_852 : vector<16xf32>
          %mul3A_854 = arith.mulf %convert_element_type3A_844, %min3A_838 : vector<16xf32>
          %add3A_855 = arith.addf %add3A_801, %mul3A_854 : vector<16xf32>
          %mul3A_856 = arith.constant 128 : i32
          %mul3A_857 = arith.muli %add3A_693, %mul3A_856 : i32
          %add3A_858 = arith.constant 48 : i32
          %add3A_859 = arith.addi %mul3A_857, %add3A_858 : i32
          %add3A_860 = arith.addi %multiple_of3A_218, %add3A_859 : i32
          %add3A_861 = vector.broadcast %add3A_860 : i32 to vector<16xi32>
          %add3A_862 = arith.addi %add3A_861, %iota3A : vector<16xi32>
          %ge3A_863 = vector.broadcast %reduce_max3A_77 : i32 to vector<16xi32>
          %ge3A_864 = arith.cmpi sge, %add3A_862, %ge3A_863 : vector<16xi32>
          %lt3A_865 = vector.broadcast %reduce_max3A_90 : i32 to vector<16xi32>
          %lt3A_866 = arith.cmpi slt, %add3A_862, %lt3A_865 : vector<16xi32>
          %and3A_867 = arith.andi %ge3A_864, %lt3A_866 : vector<16xi1>
          %get3A_868 = arith.index_cast %add3A_859 : i32 to index
          %get3A_869 = tpu.vector_load %arg14[%get3A_868] {strides = array<i32>} : memref<8192xf32, #tpu.memory_space<vmem>>, vector<16xf32>,
          %gt3A_870 = arith.constant 0.000000e+00 : f32
          %gt3A_871 = vector.broadcast %gt3A_870 : f32 to vector<16xf32>
          %gt3A_872 = arith.cmpf ogt, %get3A_869, %gt3A_871 : vector<16xf32>
          %and3A_873 = arith.andi %and3A_867, %gt3A_872 : vector<16xi1>
          %get3A_874 = arith.index_cast %add3A_859 : i32 to index
          %get3A_875 = tpu.vector_load %arg12[%get3A_874] {strides = array<i32>} : memref<8192xi32, #tpu.memory_space<vmem>>, vector<16xi32>,
          tpu.vector_store_idx %arg18[%get3A_875], %broadcast_in_dim3A_5 masked %and3A_873 : memref<10112xf32, #tpu.memory_space<vmem>>[vector<16xi32>], vector<16xf32>, vector<16xi1>
          %get3A_876 = arith.index_cast %add3A_859 : i32 to index
          %get3A_877 = tpu.vector_load %arg13[%get3A_876] {strides = array<i32>} : memref<8192xi32, #tpu.memory_space<vmem>>, vector<16xi32>,
          tpu.vector_store_idx %arg18[%get3A_877], %broadcast_in_dim3A_5 masked %and3A_873 : memref<10112xf32, #tpu.memory_space<vmem>>[vector<16xi32>], vector<16xf32>, vector<16xi1>
          %get3A_878 = arith.index_cast %add3A_859 : i32 to index
          %get3A_879 = tpu.vector_load %arg15[%get3A_878] {strides = array<i32>} : memref<8192xf32, #tpu.memory_space<vmem>>, vector<16xf32>,
          %gt3A_880 = arith.constant 5.000000e-01 : f32
          %gt3A_881 = vector.broadcast %gt3A_880 : f32 to vector<16xf32>
          %gt3A_882 = arith.cmpf ogt, %get3A_879, %gt3A_881 : vector<16xf32>
          %convert_element_type3A_883 = arith.extui %gt3A_882 : vector<16xi1> to vector<16xi32>
          %convert_element_type3A_884 = arith.sitofp %convert_element_type3A_883 : vector<16xi32> to vector<16xf32>
          %get3A_885 = arith.index_cast %add3A_859 : i32 to index
          %get3A_886 = tpu.vector_load %arg16[%get3A_885] {strides = array<i32>} : memref<8192xf32, #tpu.memory_space<vmem>>, vector<16xf32>,
          %jit3A_887 = arith.constant 9.99999993E-9 : f32
          %jit3A_888 = arith.constant 1.000000e+00 : f32
          %max3A_889 = vector.broadcast %jit3A_887 : f32 to vector<16xf32>
          %max3A_890 = arith.maximumf %max3A_889, %get3A_886 : vector<16xf32>
          %min3A_891 = vector.broadcast %jit3A_888 : f32 to vector<16xf32>
          %min3A_892 = arith.minimumf %min3A_891, %max3A_890 : vector<16xf32>
          %get3A_893 = arith.index_cast %add3A_859 : i32 to index
          %get3A_894 = tpu.vector_load %arg17[%get3A_893] {strides = array<i32>} : memref<8192xf32, #tpu.memory_space<vmem>>, vector<16xf32>,
          %convert_element_type3A_895 = arith.extui %and3A_867 : vector<16xi1> to vector<16xi32>
          %convert_element_type3A_896 = arith.sitofp %convert_element_type3A_895 : vector<16xi32> to vector<16xf32>
          %convert_element_type3A_897 = arith.extui %and3A_873 : vector<16xi1> to vector<16xi32>
          %convert_element_type3A_898 = arith.sitofp %convert_element_type3A_897 : vector<16xi32> to vector<16xf32>
          %add3A_899 = arith.addf %add3A_845, %convert_element_type3A_898 : vector<16xf32>
          %mul3A_900 = arith.mulf %convert_element_type3A_896, %convert_element_type3A_884 : vector<16xf32>
          %add3A_901 = arith.addf %add3A_847, %mul3A_900 : vector<16xf32>
          %mul3A_902 = arith.mulf %convert_element_type3A_898, %convert_element_type3A_884 : vector<16xf32>
          %add3A_903 = arith.addf %add3A_849, %mul3A_902 : vector<16xf32>
          %mul3A_904 = arith.mulf %convert_element_type3A_896, %get3A_894 : vector<16xf32>
          %add3A_905 = arith.addf %add3A_851, %mul3A_904 : vector<16xf32>
          %mul3A_906 = arith.mulf %convert_element_type3A_898, %get3A_894 : vector<16xf32>
          %add3A_907 = arith.addf %add3A_853, %mul3A_906 : vector<16xf32>
          %mul3A_908 = arith.mulf %convert_element_type3A_898, %min3A_892 : vector<16xf32>
          %add3A_909 = arith.addf %add3A_855, %mul3A_908 : vector<16xf32>
          %mul3A_910 = arith.constant 128 : i32
          %mul3A_911 = arith.muli %add3A_693, %mul3A_910 : i32
          %add3A_912 = arith.constant 64 : i32
          %add3A_913 = arith.addi %mul3A_911, %add3A_912 : i32
          %add3A_914 = arith.addi %multiple_of3A_218, %add3A_913 : i32
          %add3A_915 = vector.broadcast %add3A_914 : i32 to vector<16xi32>
          %add3A_916 = arith.addi %add3A_915, %iota3A : vector<16xi32>
          %ge3A_917 = vector.broadcast %reduce_max3A_77 : i32 to vector<16xi32>
          %ge3A_918 = arith.cmpi sge, %add3A_916, %ge3A_917 : vector<16xi32>
          %lt3A_919 = vector.broadcast %reduce_max3A_90 : i32 to vector<16xi32>
          %lt3A_920 = arith.cmpi slt, %add3A_916, %lt3A_919 : vector<16xi32>
          %and3A_921 = arith.andi %ge3A_918, %lt3A_920 : vector<16xi1>
          %get3A_922 = arith.index_cast %add3A_913 : i32 to index
          %get3A_923 = tpu.vector_load %arg14[%get3A_922] {strides = array<i32>} : memref<8192xf32, #tpu.memory_space<vmem>>, vector<16xf32>,
          %gt3A_924 = arith.constant 0.000000e+00 : f32
          %gt3A_925 = vector.broadcast %gt3A_924 : f32 to vector<16xf32>
          %gt3A_926 = arith.cmpf ogt, %get3A_923, %gt3A_925 : vector<16xf32>
          %and3A_927 = arith.andi %and3A_921, %gt3A_926 : vector<16xi1>
          %get3A_928 = arith.index_cast %add3A_913 : i32 to index
          %get3A_929 = tpu.vector_load %arg12[%get3A_928] {strides = array<i32>} : memref<8192xi32, #tpu.memory_space<vmem>>, vector<16xi32>,
          tpu.vector_store_idx %arg18[%get3A_929], %broadcast_in_dim3A_5 masked %and3A_927 : memref<10112xf32, #tpu.memory_space<vmem>>[vector<16xi32>], vector<16xf32>, vector<16xi1>
          %get3A_930 = arith.index_cast %add3A_913 : i32 to index
          %get3A_931 = tpu.vector_load %arg13[%get3A_930] {strides = array<i32>} : memref<8192xi32, #tpu.memory_space<vmem>>, vector<16xi32>,
          tpu.vector_store_idx %arg18[%get3A_931], %broadcast_in_dim3A_5 masked %and3A_927 : memref<10112xf32, #tpu.memory_space<vmem>>[vector<16xi32>], vector<16xf32>, vector<16xi1>
          %get3A_932 = arith.index_cast %add3A_913 : i32 to index
          %get3A_933 = tpu.vector_load %arg15[%get3A_932] {strides = array<i32>} : memref<8192xf32, #tpu.memory_space<vmem>>, vector<16xf32>,
          %gt3A_934 = arith.constant 5.000000e-01 : f32
          %gt3A_935 = vector.broadcast %gt3A_934 : f32 to vector<16xf32>
          %gt3A_936 = arith.cmpf ogt, %get3A_933, %gt3A_935 : vector<16xf32>
          %convert_element_type3A_937 = arith.extui %gt3A_936 : vector<16xi1> to vector<16xi32>
          %convert_element_type3A_938 = arith.sitofp %convert_element_type3A_937 : vector<16xi32> to vector<16xf32>
          %get3A_939 = arith.index_cast %add3A_913 : i32 to index
          %get3A_940 = tpu.vector_load %arg16[%get3A_939] {strides = array<i32>} : memref<8192xf32, #tpu.memory_space<vmem>>, vector<16xf32>,
          %jit3A_941 = arith.constant 9.99999993E-9 : f32
          %jit3A_942 = arith.constant 1.000000e+00 : f32
          %max3A_943 = vector.broadcast %jit3A_941 : f32 to vector<16xf32>
          %max3A_944 = arith.maximumf %max3A_943, %get3A_940 : vector<16xf32>
          %min3A_945 = vector.broadcast %jit3A_942 : f32 to vector<16xf32>
          %min3A_946 = arith.minimumf %min3A_945, %max3A_944 : vector<16xf32>
          %get3A_947 = arith.index_cast %add3A_913 : i32 to index
          %get3A_948 = tpu.vector_load %arg17[%get3A_947] {strides = array<i32>} : memref<8192xf32, #tpu.memory_space<vmem>>, vector<16xf32>,
          %convert_element_type3A_949 = arith.extui %and3A_921 : vector<16xi1> to vector<16xi32>
          %convert_element_type3A_950 = arith.sitofp %convert_element_type3A_949 : vector<16xi32> to vector<16xf32>
          %convert_element_type3A_951 = arith.extui %and3A_927 : vector<16xi1> to vector<16xi32>
          %convert_element_type3A_952 = arith.sitofp %convert_element_type3A_951 : vector<16xi32> to vector<16xf32>
          %add3A_953 = arith.addf %add3A_899, %convert_element_type3A_952 : vector<16xf32>
          %mul3A_954 = arith.mulf %convert_element_type3A_950, %convert_element_type3A_938 : vector<16xf32>
          %add3A_955 = arith.addf %add3A_901, %mul3A_954 : vector<16xf32>
          %mul3A_956 = arith.mulf %convert_element_type3A_952, %convert_element_type3A_938 : vector<16xf32>
          %add3A_957 = arith.addf %add3A_903, %mul3A_956 : vector<16xf32>
          %mul3A_958 = arith.mulf %convert_element_type3A_950, %get3A_948 : vector<16xf32>
          %add3A_959 = arith.addf %add3A_905, %mul3A_958 : vector<16xf32>
          %mul3A_960 = arith.mulf %convert_element_type3A_952, %get3A_948 : vector<16xf32>
          %add3A_961 = arith.addf %add3A_907, %mul3A_960 : vector<16xf32>
          %mul3A_962 = arith.mulf %convert_element_type3A_952, %min3A_946 : vector<16xf32>
          %add3A_963 = arith.addf %add3A_909, %mul3A_962 : vector<16xf32>
          %mul3A_964 = arith.constant 128 : i32
          %mul3A_965 = arith.muli %add3A_693, %mul3A_964 : i32
          %add3A_966 = arith.constant 80 : i32
          %add3A_967 = arith.addi %mul3A_965, %add3A_966 : i32
          %add3A_968 = arith.addi %multiple_of3A_218, %add3A_967 : i32
          %add3A_969 = vector.broadcast %add3A_968 : i32 to vector<16xi32>
          %add3A_970 = arith.addi %add3A_969, %iota3A : vector<16xi32>
          %ge3A_971 = vector.broadcast %reduce_max3A_77 : i32 to vector<16xi32>
          %ge3A_972 = arith.cmpi sge, %add3A_970, %ge3A_971 : vector<16xi32>
          %lt3A_973 = vector.broadcast %reduce_max3A_90 : i32 to vector<16xi32>
          %lt3A_974 = arith.cmpi slt, %add3A_970, %lt3A_973 : vector<16xi32>
          %and3A_975 = arith.andi %ge3A_972, %lt3A_974 : vector<16xi1>
          %get3A_976 = arith.index_cast %add3A_967 : i32 to index
          %get3A_977 = tpu.vector_load %arg14[%get3A_976] {strides = array<i32>} : memref<8192xf32, #tpu.memory_space<vmem>>, vector<16xf32>,
          %gt3A_978 = arith.constant 0.000000e+00 : f32
          %gt3A_979 = vector.broadcast %gt3A_978 : f32 to vector<16xf32>
          %gt3A_980 = arith.cmpf ogt, %get3A_977, %gt3A_979 : vector<16xf32>
          %and3A_981 = arith.andi %and3A_975, %gt3A_980 : vector<16xi1>
          %get3A_982 = arith.index_cast %add3A_967 : i32 to index
          %get3A_983 = tpu.vector_load %arg12[%get3A_982] {strides = array<i32>} : memref<8192xi32, #tpu.memory_space<vmem>>, vector<16xi32>,
          tpu.vector_store_idx %arg18[%get3A_983], %broadcast_in_dim3A_5 masked %and3A_981 : memref<10112xf32, #tpu.memory_space<vmem>>[vector<16xi32>], vector<16xf32>, vector<16xi1>
          %get3A_984 = arith.index_cast %add3A_967 : i32 to index
          %get3A_985 = tpu.vector_load %arg13[%get3A_984] {strides = array<i32>} : memref<8192xi32, #tpu.memory_space<vmem>>, vector<16xi32>,
          tpu.vector_store_idx %arg18[%get3A_985], %broadcast_in_dim3A_5 masked %and3A_981 : memref<10112xf32, #tpu.memory_space<vmem>>[vector<16xi32>], vector<16xf32>, vector<16xi1>
          %get3A_986 = arith.index_cast %add3A_967 : i32 to index
          %get3A_987 = tpu.vector_load %arg15[%get3A_986] {strides = array<i32>} : memref<8192xf32, #tpu.memory_space<vmem>>, vector<16xf32>,
          %gt3A_988 = arith.constant 5.000000e-01 : f32
          %gt3A_989 = vector.broadcast %gt3A_988 : f32 to vector<16xf32>
          %gt3A_990 = arith.cmpf ogt, %get3A_987, %gt3A_989 : vector<16xf32>
          %convert_element_type3A_991 = arith.extui %gt3A_990 : vector<16xi1> to vector<16xi32>
          %convert_element_type3A_992 = arith.sitofp %convert_element_type3A_991 : vector<16xi32> to vector<16xf32>
          %get3A_993 = arith.index_cast %add3A_967 : i32 to index
          %get3A_994 = tpu.vector_load %arg16[%get3A_993] {strides = array<i32>} : memref<8192xf32, #tpu.memory_space<vmem>>, vector<16xf32>,
          %jit3A_995 = arith.constant 9.99999993E-9 : f32
          %jit3A_996 = arith.constant 1.000000e+00 : f32
          %max3A_997 = vector.broadcast %jit3A_995 : f32 to vector<16xf32>
          %max3A_998 = arith.maximumf %max3A_997, %get3A_994 : vector<16xf32>
          %min3A_999 = vector.broadcast %jit3A_996 : f32 to vector<16xf32>
          %min3A_1000 = arith.minimumf %min3A_999, %max3A_998 : vector<16xf32>
          %get3A_1001 = arith.index_cast %add3A_967 : i32 to index
          %get3A_1002 = tpu.vector_load %arg17[%get3A_1001] {strides = array<i32>} : memref<8192xf32, #tpu.memory_space<vmem>>, vector<16xf32>,
          %convert_element_type3A_1003 = arith.extui %and3A_975 : vector<16xi1> to vector<16xi32>
          %convert_element_type3A_1004 = arith.sitofp %convert_element_type3A_1003 : vector<16xi32> to vector<16xf32>
          %convert_element_type3A_1005 = arith.extui %and3A_981 : vector<16xi1> to vector<16xi32>
          %convert_element_type3A_1006 = arith.sitofp %convert_element_type3A_1005 : vector<16xi32> to vector<16xf32>
          %add3A_1007 = arith.addf %add3A_953, %convert_element_type3A_1006 : vector<16xf32>
          %mul3A_1008 = arith.mulf %convert_element_type3A_1004, %convert_element_type3A_992 : vector<16xf32>
          %add3A_1009 = arith.addf %add3A_955, %mul3A_1008 : vector<16xf32>
          %mul3A_1010 = arith.mulf %convert_element_type3A_1006, %convert_element_type3A_992 : vector<16xf32>
          %add3A_1011 = arith.addf %add3A_957, %mul3A_1010 : vector<16xf32>
          %mul3A_1012 = arith.mulf %convert_element_type3A_1004, %get3A_1002 : vector<16xf32>
          %add3A_1013 = arith.addf %add3A_959, %mul3A_1012 : vector<16xf32>
          %mul3A_1014 = arith.mulf %convert_element_type3A_1006, %get3A_1002 : vector<16xf32>
          %add3A_1015 = arith.addf %add3A_961, %mul3A_1014 : vector<16xf32>
          %mul3A_1016 = arith.mulf %convert_element_type3A_1006, %min3A_1000 : vector<16xf32>
          %add3A_1017 = arith.addf %add3A_963, %mul3A_1016 : vector<16xf32>
          %mul3A_1018 = arith.constant 128 : i32
          %mul3A_1019 = arith.muli %add3A_693, %mul3A_1018 : i32
          %add3A_1020 = arith.constant 96 : i32
          %add3A_1021 = arith.addi %mul3A_1019, %add3A_1020 : i32
          %add3A_1022 = arith.addi %multiple_of3A_218, %add3A_1021 : i32
          %add3A_1023 = vector.broadcast %add3A_1022 : i32 to vector<16xi32>
          %add3A_1024 = arith.addi %add3A_1023, %iota3A : vector<16xi32>
          %ge3A_1025 = vector.broadcast %reduce_max3A_77 : i32 to vector<16xi32>
          %ge3A_1026 = arith.cmpi sge, %add3A_1024, %ge3A_1025 : vector<16xi32>
          %lt3A_1027 = vector.broadcast %reduce_max3A_90 : i32 to vector<16xi32>
          %lt3A_1028 = arith.cmpi slt, %add3A_1024, %lt3A_1027 : vector<16xi32>
          %and3A_1029 = arith.andi %ge3A_1026, %lt3A_1028 : vector<16xi1>
          %get3A_1030 = arith.index_cast %add3A_1021 : i32 to index
          %get3A_1031 = tpu.vector_load %arg14[%get3A_1030] {strides = array<i32>} : memref<8192xf32, #tpu.memory_space<vmem>>, vector<16xf32>,
          %gt3A_1032 = arith.constant 0.000000e+00 : f32
          %gt3A_1033 = vector.broadcast %gt3A_1032 : f32 to vector<16xf32>
          %gt3A_1034 = arith.cmpf ogt, %get3A_1031, %gt3A_1033 : vector<16xf32>
          %and3A_1035 = arith.andi %and3A_1029, %gt3A_1034 : vector<16xi1>
          %get3A_1036 = arith.index_cast %add3A_1021 : i32 to index
          %get3A_1037 = tpu.vector_load %arg12[%get3A_1036] {strides = array<i32>} : memref<8192xi32, #tpu.memory_space<vmem>>, vector<16xi32>,
          tpu.vector_store_idx %arg18[%get3A_1037], %broadcast_in_dim3A_5 masked %and3A_1035 : memref<10112xf32, #tpu.memory_space<vmem>>[vector<16xi32>], vector<16xf32>, vector<16xi1>
          %get3A_1038 = arith.index_cast %add3A_1021 : i32 to index
          %get3A_1039 = tpu.vector_load %arg13[%get3A_1038] {strides = array<i32>} : memref<8192xi32, #tpu.memory_space<vmem>>, vector<16xi32>,
          tpu.vector_store_idx %arg18[%get3A_1039], %broadcast_in_dim3A_5 masked %and3A_1035 : memref<10112xf32, #tpu.memory_space<vmem>>[vector<16xi32>], vector<16xf32>, vector<16xi1>
          %get3A_1040 = arith.index_cast %add3A_1021 : i32 to index
          %get3A_1041 = tpu.vector_load %arg15[%get3A_1040] {strides = array<i32>} : memref<8192xf32, #tpu.memory_space<vmem>>, vector<16xf32>,
          %gt3A_1042 = arith.constant 5.000000e-01 : f32
          %gt3A_1043 = vector.broadcast %gt3A_1042 : f32 to vector<16xf32>
          %gt3A_1044 = arith.cmpf ogt, %get3A_1041, %gt3A_1043 : vector<16xf32>
          %convert_element_type3A_1045 = arith.extui %gt3A_1044 : vector<16xi1> to vector<16xi32>
          %convert_element_type3A_1046 = arith.sitofp %convert_element_type3A_1045 : vector<16xi32> to vector<16xf32>
          %get3A_1047 = arith.index_cast %add3A_1021 : i32 to index
          %get3A_1048 = tpu.vector_load %arg16[%get3A_1047] {strides = array<i32>} : memref<8192xf32, #tpu.memory_space<vmem>>, vector<16xf32>,
          %jit3A_1049 = arith.constant 9.99999993E-9 : f32
          %jit3A_1050 = arith.constant 1.000000e+00 : f32
          %max3A_1051 = vector.broadcast %jit3A_1049 : f32 to vector<16xf32>
          %max3A_1052 = arith.maximumf %max3A_1051, %get3A_1048 : vector<16xf32>
          %min3A_1053 = vector.broadcast %jit3A_1050 : f32 to vector<16xf32>
          %min3A_1054 = arith.minimumf %min3A_1053, %max3A_1052 : vector<16xf32>
          %get3A_1055 = arith.index_cast %add3A_1021 : i32 to index
          %get3A_1056 = tpu.vector_load %arg17[%get3A_1055] {strides = array<i32>} : memref<8192xf32, #tpu.memory_space<vmem>>, vector<16xf32>,
          %convert_element_type3A_1057 = arith.extui %and3A_1029 : vector<16xi1> to vector<16xi32>
          %convert_element_type3A_1058 = arith.sitofp %convert_element_type3A_1057 : vector<16xi32> to vector<16xf32>
          %convert_element_type3A_1059 = arith.extui %and3A_1035 : vector<16xi1> to vector<16xi32>
          %convert_element_type3A_1060 = arith.sitofp %convert_element_type3A_1059 : vector<16xi32> to vector<16xf32>
          %add3A_1061 = arith.addf %add3A_1007, %convert_element_type3A_1060 : vector<16xf32>
          %mul3A_1062 = arith.mulf %convert_element_type3A_1058, %convert_element_type3A_1046 : vector<16xf32>
          %add3A_1063 = arith.addf %add3A_1009, %mul3A_1062 : vector<16xf32>
          %mul3A_1064 = arith.mulf %convert_element_type3A_1060, %convert_element_type3A_1046 : vector<16xf32>
          %add3A_1065 = arith.addf %add3A_1011, %mul3A_1064 : vector<16xf32>
          %mul3A_1066 = arith.mulf %convert_element_type3A_1058, %get3A_1056 : vector<16xf32>
          %add3A_1067 = arith.addf %add3A_1013, %mul3A_1066 : vector<16xf32>
          %mul3A_1068 = arith.mulf %convert_element_type3A_1060, %get3A_1056 : vector<16xf32>
          %add3A_1069 = arith.addf %add3A_1015, %mul3A_1068 : vector<16xf32>
          %mul3A_1070 = arith.mulf %convert_element_type3A_1060, %min3A_1054 : vector<16xf32>
          %add3A_1071 = arith.addf %add3A_1017, %mul3A_1070 : vector<16xf32>
          %mul3A_1072 = arith.constant 128 : i32
          %mul3A_1073 = arith.muli %add3A_693, %mul3A_1072 : i32
          %add3A_1074 = arith.constant 112 : i32
          %add3A_1075 = arith.addi %mul3A_1073, %add3A_1074 : i32
          %add3A_1076 = arith.addi %multiple_of3A_218, %add3A_1075 : i32
          %add3A_1077 = vector.broadcast %add3A_1076 : i32 to vector<16xi32>
          %add3A_1078 = arith.addi %add3A_1077, %iota3A : vector<16xi32>
          %ge3A_1079 = vector.broadcast %reduce_max3A_77 : i32 to vector<16xi32>
          %ge3A_1080 = arith.cmpi sge, %add3A_1078, %ge3A_1079 : vector<16xi32>
          %lt3A_1081 = vector.broadcast %reduce_max3A_90 : i32 to vector<16xi32>
          %lt3A_1082 = arith.cmpi slt, %add3A_1078, %lt3A_1081 : vector<16xi32>
          %and3A_1083 = arith.andi %ge3A_1080, %lt3A_1082 : vector<16xi1>
          %get3A_1084 = arith.index_cast %add3A_1075 : i32 to index
          %get3A_1085 = tpu.vector_load %arg14[%get3A_1084] {strides = array<i32>} : memref<8192xf32, #tpu.memory_space<vmem>>, vector<16xf32>,
          %gt3A_1086 = arith.constant 0.000000e+00 : f32
          %gt3A_1087 = vector.broadcast %gt3A_1086 : f32 to vector<16xf32>
          %gt3A_1088 = arith.cmpf ogt, %get3A_1085, %gt3A_1087 : vector<16xf32>
          %and3A_1089 = arith.andi %and3A_1083, %gt3A_1088 : vector<16xi1>
          %get3A_1090 = arith.index_cast %add3A_1075 : i32 to index
          %get3A_1091 = tpu.vector_load %arg12[%get3A_1090] {strides = array<i32>} : memref<8192xi32, #tpu.memory_space<vmem>>, vector<16xi32>,
          tpu.vector_store_idx %arg18[%get3A_1091], %broadcast_in_dim3A_5 masked %and3A_1089 : memref<10112xf32, #tpu.memory_space<vmem>>[vector<16xi32>], vector<16xf32>, vector<16xi1>
          %get3A_1092 = arith.index_cast %add3A_1075 : i32 to index
          %get3A_1093 = tpu.vector_load %arg13[%get3A_1092] {strides = array<i32>} : memref<8192xi32, #tpu.memory_space<vmem>>, vector<16xi32>,
          tpu.vector_store_idx %arg18[%get3A_1093], %broadcast_in_dim3A_5 masked %and3A_1089 : memref<10112xf32, #tpu.memory_space<vmem>>[vector<16xi32>], vector<16xf32>, vector<16xi1>
          %get3A_1094 = arith.index_cast %add3A_1075 : i32 to index
          %get3A_1095 = tpu.vector_load %arg15[%get3A_1094] {strides = array<i32>} : memref<8192xf32, #tpu.memory_space<vmem>>, vector<16xf32>,
          %gt3A_1096 = arith.constant 5.000000e-01 : f32
          %gt3A_1097 = vector.broadcast %gt3A_1096 : f32 to vector<16xf32>
          %gt3A_1098 = arith.cmpf ogt, %get3A_1095, %gt3A_1097 : vector<16xf32>
          %convert_element_type3A_1099 = arith.extui %gt3A_1098 : vector<16xi1> to vector<16xi32>
          %convert_element_type3A_1100 = arith.sitofp %convert_element_type3A_1099 : vector<16xi32> to vector<16xf32>
          %get3A_1101 = arith.index_cast %add3A_1075 : i32 to index
          %get3A_1102 = tpu.vector_load %arg16[%get3A_1101] {strides = array<i32>} : memref<8192xf32, #tpu.memory_space<vmem>>, vector<16xf32>,
          %jit3A_1103 = arith.constant 9.99999993E-9 : f32
          %jit3A_1104 = arith.constant 1.000000e+00 : f32
          %max3A_1105 = vector.broadcast %jit3A_1103 : f32 to vector<16xf32>
          %max3A_1106 = arith.maximumf %max3A_1105, %get3A_1102 : vector<16xf32>
          %min3A_1107 = vector.broadcast %jit3A_1104 : f32 to vector<16xf32>
          %min3A_1108 = arith.minimumf %min3A_1107, %max3A_1106 : vector<16xf32>
          %get3A_1109 = arith.index_cast %add3A_1075 : i32 to index
          %get3A_1110 = tpu.vector_load %arg17[%get3A_1109] {strides = array<i32>} : memref<8192xf32, #tpu.memory_space<vmem>>, vector<16xf32>,
          %convert_element_type3A_1111 = arith.extui %and3A_1083 : vector<16xi1> to vector<16xi32>
          %convert_element_type3A_1112 = arith.sitofp %convert_element_type3A_1111 : vector<16xi32> to vector<16xf32>
          %convert_element_type3A_1113 = arith.extui %and3A_1089 : vector<16xi1> to vector<16xi32>
          %convert_element_type3A_1114 = arith.sitofp %convert_element_type3A_1113 : vector<16xi32> to vector<16xf32>
          %add3A_1115 = arith.addf %add3A_1061, %convert_element_type3A_1114 : vector<16xf32>
          %mul3A_1116 = arith.mulf %convert_element_type3A_1112, %convert_element_type3A_1100 : vector<16xf32>
          %add3A_1117 = arith.addf %add3A_1063, %mul3A_1116 : vector<16xf32>
          %mul3A_1118 = arith.mulf %convert_element_type3A_1114, %convert_element_type3A_1100 : vector<16xf32>
          %add3A_1119 = arith.addf %add3A_1065, %mul3A_1118 : vector<16xf32>
          %mul3A_1120 = arith.mulf %convert_element_type3A_1112, %get3A_1110 : vector<16xf32>
          %add3A_1121 = arith.addf %add3A_1067, %mul3A_1120 : vector<16xf32>
          %mul3A_1122 = arith.mulf %convert_element_type3A_1114, %get3A_1110 : vector<16xf32>
          %add3A_1123 = arith.addf %add3A_1069, %mul3A_1122 : vector<16xf32>
          %mul3A_1124 = arith.mulf %convert_element_type3A_1114, %min3A_1108 : vector<16xf32>
          %add3A_1125 = arith.addf %add3A_1071, %mul3A_1124 : vector<16xf32>
          scf.yield %add3A_1115, %add3A_1117, %add3A_1119, %add3A_1121, %add3A_1123, %add3A_1125 : vector<16xf32>, vector<16xf32>, vector<16xf32>, vector<16xf32>, vector<16xf32>, vector<16xf32>
        }
        %scan3A_248 = arith.constant 64 : i32
        scf.yield %scan3A_247#0, %scan3A_247#1, %scan3A_247#2, %scan3A_247#3, %scan3A_247#4, %scan3A_247#5 : vector<16xf32>, vector<16xf32>, vector<16xf32>, vector<16xf32>, vector<16xf32>, vector<16xf32>
      }
      %mul3A_155 = arith.constant 10112 : i32
      %mul3A_156 = arith.muli %add3A_59, %mul3A_155 : i32
      %multiple_of3A = tpu.assume_multiple %mul3A_156, 8 : i32
      %dma_start3A_157 = tpu.memref_slice %arg10[%multiple_of3A] : memref<5177344xf32, #tpu.memory_space<hbm>> -> memref<10112xf32, #tpu.memory_space<hbm>>
      %dma_start3A_158 = tpu.memref_slice %arg10[%multiple_of3A] : memref<5177344xf32, #tpu.memory_space<hbm>> -> memref<10112xf32, #tpu.memory_space<hbm>>
      tpu.enqueue_dma source(%arg18 : memref<10112xf32, #tpu.memory_space<vmem>>) target(%dma_start3A_158 : memref<10112xf32, #tpu.memory_space<hbm>>) target_semaphore(%arg21 : memref<!tpu.dma_semaphore, #tpu.memory_space<semaphore_mem>>)
      %dma_wait3A_159 = tpu.memref_slice %arg10[%multiple_of3A] : memref<5177344xf32, #tpu.memory_space<hbm>> -> memref<10112xf32, #tpu.memory_space<hbm>>
      %dma_wait3A_160 = tpu.memref_slice %arg10[%multiple_of3A] : memref<5177344xf32, #tpu.memory_space<hbm>> -> memref<10112xf32, #tpu.memory_space<hbm>>
      tpu.wait_dma2 semaphore(%arg21 : memref<!tpu.dma_semaphore, #tpu.memory_space<semaphore_mem>>) src(%arg18 : memref<10112xf32, #tpu.memory_space<vmem>>) dst(%dma_wait3A_160 : memref<10112xf32, #tpu.memory_space<hbm>>)
      %eq3A = vector.broadcast %add3A_58 : i32 to vector<16xi32>
      %eq3A_161 = arith.cmpi eq, %iota3A, %eq3A : vector<16xi32>
      %reduce_sum3A = arith.constant true
      %reduce_sum3A_162 = vector.broadcast %reduce_sum3A : i1 to vector<16xi1>
      %reduce_sum3A_163 = tpu.scan <sum>, %while3A_154#0 masked %reduce_sum3A_162 : vector<16xf32>, vector<16xi1> -> vector<16xf32>
      %reduce_sum3A_164 = vector.extract %reduce_sum3A_163[15] : f32 from vector<16xf32>
      %broadcast_in_dim3A_165 = vector.broadcast %reduce_sum3A_164 : f32 to vector<16xf32>
      %select_n3A_166 = arith.select %eq3A_161, %broadcast_in_dim3A_165, %scan3A_49 : vector<16xi1>, vector<16xf32>
      %eq3A_167 = vector.broadcast %add3A_58 : i32 to vector<16xi32>
      %eq3A_168 = arith.cmpi eq, %iota3A, %eq3A_167 : vector<16xi32>
      %reduce_sum3A_169 = arith.constant true
      %reduce_sum3A_170 = vector.broadcast %reduce_sum3A_169 : i1 to vector<16xi1>
      %reduce_sum3A_171 = tpu.scan <sum>, %while3A_154#1 masked %reduce_sum3A_170 : vector<16xf32>, vector<16xi1> -> vector<16xf32>
      %reduce_sum3A_172 = vector.extract %reduce_sum3A_171[15] : f32 from vector<16xf32>
      %broadcast_in_dim3A_173 = vector.broadcast %reduce_sum3A_172 : f32 to vector<16xf32>
      %select_n3A_174 = arith.select %eq3A_168, %broadcast_in_dim3A_173, %scan3A_50 : vector<16xi1>, vector<16xf32>
      %eq3A_175 = vector.broadcast %add3A_58 : i32 to vector<16xi32>
      %eq3A_176 = arith.cmpi eq, %iota3A, %eq3A_175 : vector<16xi32>
      %reduce_sum3A_177 = arith.constant true
      %reduce_sum3A_178 = vector.broadcast %reduce_sum3A_177 : i1 to vector<16xi1>
      %reduce_sum3A_179 = tpu.scan <sum>, %while3A_154#2 masked %reduce_sum3A_178 : vector<16xf32>, vector<16xi1> -> vector<16xf32>
      %reduce_sum3A_180 = vector.extract %reduce_sum3A_179[15] : f32 from vector<16xf32>
      %broadcast_in_dim3A_181 = vector.broadcast %reduce_sum3A_180 : f32 to vector<16xf32>
      %select_n3A_182 = arith.select %eq3A_176, %broadcast_in_dim3A_181, %scan3A_51 : vector<16xi1>, vector<16xf32>
      %eq3A_183 = vector.broadcast %add3A_58 : i32 to vector<16xi32>
      %eq3A_184 = arith.cmpi eq, %iota3A, %eq3A_183 : vector<16xi32>
      %reduce_sum3A_185 = arith.constant true
      %reduce_sum3A_186 = vector.broadcast %reduce_sum3A_185 : i1 to vector<16xi1>
      %reduce_sum3A_187 = tpu.scan <sum>, %while3A_154#3 masked %reduce_sum3A_186 : vector<16xf32>, vector<16xi1> -> vector<16xf32>
      %reduce_sum3A_188 = vector.extract %reduce_sum3A_187[15] : f32 from vector<16xf32>
      %broadcast_in_dim3A_189 = vector.broadcast %reduce_sum3A_188 : f32 to vector<16xf32>
      %select_n3A_190 = arith.select %eq3A_184, %broadcast_in_dim3A_189, %scan3A_52 : vector<16xi1>, vector<16xf32>
      %eq3A_191 = vector.broadcast %add3A_58 : i32 to vector<16xi32>
      %eq3A_192 = arith.cmpi eq, %iota3A, %eq3A_191 : vector<16xi32>
      %reduce_sum3A_193 = arith.constant true
      %reduce_sum3A_194 = vector.broadcast %reduce_sum3A_193 : i1 to vector<16xi1>
      %reduce_sum3A_195 = tpu.scan <sum>, %while3A_154#4 masked %reduce_sum3A_194 : vector<16xf32>, vector<16xi1> -> vector<16xf32>
      %reduce_sum3A_196 = vector.extract %reduce_sum3A_195[15] : f32 from vector<16xf32>
      %broadcast_in_dim3A_197 = vector.broadcast %reduce_sum3A_196 : f32 to vector<16xf32>
      %select_n3A_198 = arith.select %eq3A_192, %broadcast_in_dim3A_197, %scan3A_53 : vector<16xi1>, vector<16xf32>
      %eq3A_199 = vector.broadcast %add3A_58 : i32 to vector<16xi32>
      %eq3A_200 = arith.cmpi eq, %iota3A, %eq3A_199 : vector<16xi32>
      %reduce_sum3A_201 = arith.constant true
      %reduce_sum3A_202 = vector.broadcast %reduce_sum3A_201 : i1 to vector<16xi1>
      %reduce_sum3A_203 = tpu.scan <sum>, %while3A_154#5 masked %reduce_sum3A_202 : vector<16xf32>, vector<16xi1> -> vector<16xf32>
      %reduce_sum3A_204 = vector.extract %reduce_sum3A_203[15] : f32 from vector<16xf32>
      %broadcast_in_dim3A_205 = vector.broadcast %reduce_sum3A_204 : f32 to vector<16xf32>
      %select_n3A_206 = arith.select %eq3A_200, %broadcast_in_dim3A_205, %scan3A_54 : vector<16xi1>, vector<16xf32>
      scf.yield %select_n3A_166, %select_n3A_174, %select_n3A_182, %select_n3A_190, %select_n3A_198, %select_n3A_206 : vector<16xf32>, vector<16xf32>, vector<16xf32>, vector<16xf32>, vector<16xf32>, vector<16xf32>
    }
    %scan3A_10 = arith.constant 16 : i32
    %swap3A = arith.constant 0 : i32
    %swap3A_11 = arith.index_cast %swap3A : i32 to index
    %swap3A_12 = arith.constant 0 : index
    %swap3A_13 = tpu.vector_load %arg19[%swap3A_11, %swap3A_12] {strides = array<i32>} : memref<8x16xf32, #tpu.memory_space<vmem>>, vector<16xf32>,
    tpu.vector_store %arg19[%swap3A_11, %swap3A_12], %scan3A_9#0 {strides = array<i32>} : memref<8x16xf32, #tpu.memory_space<vmem>>, vector<16xf32>,
    %swap3A_14 = arith.constant 1 : i32
    %swap3A_15 = arith.index_cast %swap3A_14 : i32 to index
    %swap3A_16 = arith.constant 0 : index
    %swap3A_17 = tpu.vector_load %arg19[%swap3A_15, %swap3A_16] {strides = array<i32>} : memref<8x16xf32, #tpu.memory_space<vmem>>, vector<16xf32>,
    tpu.vector_store %arg19[%swap3A_15, %swap3A_16], %scan3A_9#1 {strides = array<i32>} : memref<8x16xf32, #tpu.memory_space<vmem>>, vector<16xf32>,
    %swap3A_18 = arith.constant 2 : i32
    %swap3A_19 = arith.index_cast %swap3A_18 : i32 to index
    %swap3A_20 = arith.constant 0 : index
    %swap3A_21 = tpu.vector_load %arg19[%swap3A_19, %swap3A_20] {strides = array<i32>} : memref<8x16xf32, #tpu.memory_space<vmem>>, vector<16xf32>,
    tpu.vector_store %arg19[%swap3A_19, %swap3A_20], %scan3A_9#2 {strides = array<i32>} : memref<8x16xf32, #tpu.memory_space<vmem>>, vector<16xf32>,
    %swap3A_22 = arith.constant 3 : i32
    %swap3A_23 = arith.index_cast %swap3A_22 : i32 to index
    %swap3A_24 = arith.constant 0 : index
    %swap3A_25 = tpu.vector_load %arg19[%swap3A_23, %swap3A_24] {strides = array<i32>} : memref<8x16xf32, #tpu.memory_space<vmem>>, vector<16xf32>,
    tpu.vector_store %arg19[%swap3A_23, %swap3A_24], %scan3A_9#3 {strides = array<i32>} : memref<8x16xf32, #tpu.memory_space<vmem>>, vector<16xf32>,
    %swap3A_26 = arith.constant 4 : i32
    %swap3A_27 = arith.index_cast %swap3A_26 : i32 to index
    %swap3A_28 = arith.constant 0 : index
    %swap3A_29 = tpu.vector_load %arg19[%swap3A_27, %swap3A_28] {strides = array<i32>} : memref<8x16xf32, #tpu.memory_space<vmem>>, vector<16xf32>,
    tpu.vector_store %arg19[%swap3A_27, %swap3A_28], %scan3A_9#4 {strides = array<i32>} : memref<8x16xf32, #tpu.memory_space<vmem>>, vector<16xf32>,
    %swap3A_30 = arith.constant 5 : i32
    %swap3A_31 = arith.index_cast %swap3A_30 : i32 to index
    %swap3A_32 = arith.constant 0 : index
    %swap3A_33 = tpu.vector_load %arg19[%swap3A_31, %swap3A_32] {strides = array<i32>} : memref<8x16xf32, #tpu.memory_space<vmem>>, vector<16xf32>,
    tpu.vector_store %arg19[%swap3A_31, %swap3A_32], %scan3A_9#5 {strides = array<i32>} : memref<8x16xf32, #tpu.memory_space<vmem>>, vector<16xf32>,
    %dma_start3A = arith.constant 0 : i32
    %dma_start3A_34 = arith.constant 0 : i32
    %dma_start3A_35 = tpu.memref_slice %arg9[%add3A, %dma_start3A, %dma_start3A_34] : memref<32x8x16xf32, #tpu.memory_space<hbm>> -> memref<1x8x16xf32, #tpu.memory_space<hbm>>
    %dma_start3A_36 = tpu.memref_squeeze %dma_start3A_35 : memref<1x8x16xf32, #tpu.memory_space<hbm>> -> memref<8x16xf32, #tpu.memory_space<hbm>>
    %dma_start3A_37 = arith.constant 0 : i32
    %dma_start3A_38 = arith.constant 0 : i32
    %dma_start3A_39 = tpu.memref_slice %arg9[%add3A, %dma_start3A_37, %dma_start3A_38] : memref<32x8x16xf32, #tpu.memory_space<hbm>> -> memref<1x8x16xf32, #tpu.memory_space<hbm>>
    %dma_start3A_40 = tpu.memref_squeeze %dma_start3A_39 : memref<1x8x16xf32, #tpu.memory_space<hbm>> -> memref<8x16xf32, #tpu.memory_space<hbm>>
    tpu.enqueue_dma source(%arg19 : memref<8x16xf32, #tpu.memory_space<vmem>>) target(%dma_start3A_40 : memref<8x16xf32, #tpu.memory_space<hbm>>) target_semaphore(%arg22 : memref<!tpu.dma_semaphore, #tpu.memory_space<semaphore_mem>>)
    %dma_wait3A = arith.constant 0 : i32
    %dma_wait3A_41 = arith.constant 0 : i32
    %dma_wait3A_42 = tpu.memref_slice %arg9[%add3A, %dma_wait3A, %dma_wait3A_41] : memref<32x8x16xf32, #tpu.memory_space<hbm>> -> memref<1x8x16xf32, #tpu.memory_space<hbm>>
    %dma_wait3A_43 = tpu.memref_squeeze %dma_wait3A_42 : memref<1x8x16xf32, #tpu.memory_space<hbm>> -> memref<8x16xf32, #tpu.memory_space<hbm>>
    %dma_wait3A_44 = arith.constant 0 : i32
    %dma_wait3A_45 = arith.constant 0 : i32
    %dma_wait3A_46 = tpu.memref_slice %arg9[%add3A, %dma_wait3A_44, %dma_wait3A_45] : memref<32x8x16xf32, #tpu.memory_space<hbm>> -> memref<1x8x16xf32, #tpu.memory_space<hbm>>
    %dma_wait3A_47 = tpu.memref_squeeze %dma_wait3A_46 : memref<1x8x16xf32, #tpu.memory_space<hbm>> -> memref<8x16xf32, #tpu.memory_space<hbm>>
    tpu.wait_dma2 semaphore(%arg22 : memref<!tpu.dma_semaphore, #tpu.memory_space<semaphore_mem>>) src(%arg19 : memref<8x16xf32, #tpu.memory_space<vmem>>) dst(%dma_wait3A_47 : memref<8x16xf32, #tpu.memory_space<hbm>>)
    return
  }
}

module attributes {stable_mosaic.version = 14 : i64} {
  func.func @_rowsum_kernel(%arg0: i32, %arg1: memref<64x10112xf32, #tpu.memory_space<vmem>>, %arg2: memref<64x1xf32, #tpu.memory_space<vmem>>) attributes {dimension_semantics = [#tpu.dimension_semantics<arbitrary>], iteration_bounds = array<i64: 8>, scalar_prefetch = 0 : i64, scratch_operands = 0 : i64, tpu.core_type = #tpu.core_type<tc>, window_params = [{transform_indices = @transform_0, window_bounds = array<i64: 64, 10112>}, {transform_indices = @transform_1, window_bounds = array<i64: 64, 1>}]} {
    %get3A = arith.constant 0 : index
    %get3A_0 = arith.constant 0 : index
    %get3A_1 = vector.load %arg1[%get3A, %get3A_0] : memref<64x10112xf32, #tpu.memory_space<vmem>>, vector<64x10112xf32>
    %reduce_sum3A = arith.constant dense<0.000000e+00> : vector<64xf32>
    %reduce_sum3A_2 = vector.multi_reduction <add>, %get3A_1, %reduce_sum3A [1] : vector<64x10112xf32> to vector<64xf32>
    %broadcast_in_dim3A = vector.shape_cast %reduce_sum3A_2 : vector<64xf32> to vector<64x1xf32>
    %swap3A = arith.constant 0 : index
    %swap3A_3 = arith.constant 0 : index
    %swap3A_4 = vector.load %arg2[%swap3A, %swap3A_3] : memref<64x1xf32, #tpu.memory_space<vmem>>, vector<64x1xf32>
    tpu.vector_store %arg2[%swap3A, %swap3A_3], %broadcast_in_dim3A {strides = array<i32>} : memref<64x1xf32, #tpu.memory_space<vmem>>, vector<64x1xf32>,
    return
  }
  func.func @transform_0(%arg0: i32) -> (i32, i32) {
    %c0_i32 = arith.constant 0 : i32
    %c0_i32_0 = arith.constant 0 : i32
    return %arg0, %c0_i32 : i32, i32
  }
  func.func @transform_1(%arg0: i32) -> (i32, i32) {
    %c0_i32 = arith.constant 0 : i32
    %c0_i32_0 = arith.constant 0 : i32
    return %arg0, %c0_i32 : i32, i32
  }
}

module attributes {stable_mosaic.version = 14 : i64} {
  func.func @_final_math_kernel(%arg0: memref<8x512xf32, #tpu.memory_space<vmem>>, %arg1: memref<1x2048xf32, #tpu.memory_space<vmem>>, %arg2: memref<2048x1xi32, #tpu.memory_space<vmem>>, %arg3: memref<1x512xi32, #tpu.memory_space<vmem>>, %arg4: memref<1x512xi32, #tpu.memory_space<vmem>>, %arg5: memref<1x512xf32, #tpu.memory_space<vmem>>, %arg6: memref<1x512xf32, #tpu.memory_space<vmem>>, %arg7: memref<1x512xf32, #tpu.memory_space<vmem>>, %arg8: memref<1x512xf32, #tpu.memory_space<vmem>>, %arg9: memref<1x512xf32, #tpu.memory_space<vmem>>, %arg10: memref<1x512xf32, #tpu.memory_space<vmem>>, %arg11: memref<1x512xf32, #tpu.memory_space<vmem>>, %arg12: memref<1x512xf32, #tpu.memory_space<vmem>>, %arg13: memref<1x512xf32, #tpu.memory_space<vmem>>, %arg14: memref<1x512xf32, #tpu.memory_space<vmem>>, %arg15: memref<1x512xf32, #tpu.memory_space<vmem>>, %arg16: memref<1x512xf32, #tpu.memory_space<vmem>>, %arg17: memref<1x512xf32, #tpu.memory_space<vmem>>, %arg18: memref<1x512xf32, #tpu.memory_space<vmem>>, %arg19: memref<1x512xf32, #tpu.memory_space<vmem>>, %arg20: memref<1x512xf32, #tpu.memory_space<vmem>>, %arg21: memref<1x512xf32, #tpu.memory_space<vmem>>, %arg22: memref<1x512xf32, #tpu.memory_space<vmem>>, %arg23: memref<1x512xf32, #tpu.memory_space<vmem>>, %arg24: memref<1x512xf32, #tpu.memory_space<vmem>>, %arg25: memref<1x512xf32, #tpu.memory_space<vmem>>) attributes {dimension_semantics = [], scalar_prefetch = 0 : i64, scratch_operands = 0 : i64, tpu.core_type = #tpu.core_type<tc>} {
    %get3A = arith.constant 0 : index
    %get3A_0 = arith.constant 0 : index
    %get3A_1 = vector.load %arg0[%get3A, %get3A_0] : memref<8x512xf32, #tpu.memory_space<vmem>>, vector<1x512xf32>
    %get3A_2 = arith.constant 1 : index
    %get3A_3 = arith.constant 0 : index
    %get3A_4 = vector.load %arg0[%get3A_2, %get3A_3] : memref<8x512xf32, #tpu.memory_space<vmem>>, vector<1x512xf32>
    %get3A_5 = arith.constant 2 : index
    %get3A_6 = arith.constant 0 : index
    %get3A_7 = vector.load %arg0[%get3A_5, %get3A_6] : memref<8x512xf32, #tpu.memory_space<vmem>>, vector<1x512xf32>
    %get3A_8 = arith.constant 3 : index
    %get3A_9 = arith.constant 0 : index
    %get3A_10 = vector.load %arg0[%get3A_8, %get3A_9] : memref<8x512xf32, #tpu.memory_space<vmem>>, vector<1x512xf32>
    %get3A_11 = arith.constant 4 : index
    %get3A_12 = arith.constant 0 : index
    %get3A_13 = vector.load %arg0[%get3A_11, %get3A_12] : memref<8x512xf32, #tpu.memory_space<vmem>>, vector<1x512xf32>
    %get3A_14 = arith.constant 5 : index
    %get3A_15 = arith.constant 0 : index
    %get3A_16 = vector.load %arg0[%get3A_14, %get3A_15] : memref<8x512xf32, #tpu.memory_space<vmem>>, vector<1x512xf32>
    %eq3A = arith.constant 0.000000e+00 : f32
    %eq3A_17 = vector.broadcast %eq3A : f32 to vector<1x512xf32>
    %eq3A_18 = arith.cmpf oeq, %get3A_1, %eq3A_17 : vector<1x512xf32>
    %convert_element_type3A = arith.extui %eq3A_18 : vector<1x512xi1> to vector<1x512xi32>
    %convert_element_type3A_19 = arith.sitofp %convert_element_type3A : vector<1x512xi32> to vector<1x512xf32>
    %broadcast_in_dim3A = arith.constant 0.000000e+00 : f32
    %broadcast_in_dim3A_20 = vector.broadcast %broadcast_in_dim3A : f32 to vector<1x512xf32>
    %gt3A = arith.constant 0.000000e+00 : f32
    %gt3A_21 = vector.broadcast %gt3A : f32 to vector<1x512xf32>
    %gt3A_22 = arith.cmpf ogt, %get3A_1, %gt3A_21 : vector<1x512xf32>
    %jit3A = arith.constant 1.000000e+00 : f32
    %max3A = vector.broadcast %jit3A : f32 to vector<1x512xf32>
    %max3A_23 = arith.maximumf %max3A, %get3A_1 : vector<1x512xf32>
    %div3A = arith.divf %get3A_7, %max3A_23 : vector<1x512xf32>
    %select_n3A = arith.select %gt3A_22, %div3A, %broadcast_in_dim3A_20 : vector<1x512xi1>, vector<1x512xf32>
    %gt3A_24 = arith.constant 0.000000e+00 : f32
    %gt3A_25 = vector.broadcast %gt3A_24 : f32 to vector<1x512xf32>
    %gt3A_26 = arith.cmpf ogt, %get3A_4, %gt3A_25 : vector<1x512xf32>
    %jit3A_27 = arith.constant 1.000000e+00 : f32
    %max3A_28 = vector.broadcast %jit3A_27 : f32 to vector<1x512xf32>
    %max3A_29 = arith.maximumf %max3A_28, %get3A_4 : vector<1x512xf32>
    %div3A_30 = arith.divf %get3A_7, %max3A_29 : vector<1x512xf32>
    %select_n3A_31 = arith.select %gt3A_26, %div3A_30, %broadcast_in_dim3A_20 : vector<1x512xi1>, vector<1x512xf32>
    %add3A = arith.addf %select_n3A, %select_n3A_31 : vector<1x512xf32>
    %gt3A_32 = arith.constant 0.000000e+00 : f32
    %gt3A_33 = vector.broadcast %gt3A_32 : f32 to vector<1x512xf32>
    %gt3A_34 = arith.cmpf ogt, %add3A, %gt3A_33 : vector<1x512xf32>
    %mul3A = arith.constant 2.000000e+00 : f32
    %mul3A_35 = vector.broadcast %mul3A : f32 to vector<1x512xf32>
    %mul3A_36 = arith.mulf %mul3A_35, %select_n3A : vector<1x512xf32>
    %mul3A_37 = arith.mulf %mul3A_36, %select_n3A_31 : vector<1x512xf32>
    %add3A_38 = arith.addf %select_n3A, %select_n3A_31 : vector<1x512xf32>
    %jit3A_39 = arith.constant 9.99999993E-9 : f32
    %max3A_40 = vector.broadcast %jit3A_39 : f32 to vector<1x512xf32>
    %max3A_41 = arith.maximumf %max3A_40, %add3A_38 : vector<1x512xf32>
    %div3A_42 = arith.divf %mul3A_37, %max3A_41 : vector<1x512xf32>
    %select_n3A_43 = arith.select %gt3A_34, %div3A_42, %broadcast_in_dim3A_20 : vector<1x512xi1>, vector<1x512xf32>
    %gt3A_44 = arith.constant 0.000000e+00 : f32
    %gt3A_45 = vector.broadcast %gt3A_44 : f32 to vector<1x512xf32>
    %gt3A_46 = arith.cmpf ogt, %get3A_4, %gt3A_45 : vector<1x512xf32>
    %jit3A_47 = arith.constant 1.000000e+00 : f32
    %max3A_48 = vector.broadcast %jit3A_47 : f32 to vector<1x512xf32>
    %max3A_49 = arith.maximumf %max3A_48, %get3A_4 : vector<1x512xf32>
    %div3A_50 = arith.divf %get3A_7, %max3A_49 : vector<1x512xf32>
    %broadcast_in_dim3A_51 = arith.constant 0.000000e+00 : f32
    %broadcast_in_dim3A_52 = vector.broadcast %broadcast_in_dim3A_51 : f32 to vector<1x512xf32>
    %select_n3A_53 = arith.select %gt3A_46, %div3A_50, %broadcast_in_dim3A_52 : vector<1x512xi1>, vector<1x512xf32>
    %get3A_54 = arith.constant 0 : index
    %get3A_55 = arith.constant 0 : index
    %get3A_56 = vector.load %arg2[%get3A_54, %get3A_55] : memref<2048x1xi32, #tpu.memory_space<vmem>>, vector<2048x1xi32>
    %iota3A = tpu.iota {dimensions = array<i32: 1>} : vector<2048x512xi32>
    %eq3A_57 = vector.broadcast %get3A_56 : vector<2048x1xi32> to vector<2048x512xi32>
    %eq3A_58 = arith.cmpi eq, %eq3A_57, %iota3A : vector<2048x512xi32>
    %get3A_59 = arith.constant 0 : index
    %get3A_60 = arith.constant 0 : index
    %get3A_61 = vector.load %arg1[%get3A_59, %get3A_60] : memref<1x2048xf32, #tpu.memory_space<vmem>>, vector<1x2048xf32>
    %convert_element_type3A_62 = arith.truncf %get3A_61 : vector<1x2048xf32> to vector<1x2048xbf16>
    %convert_element_type3A_63 = arith.extui %eq3A_58 : vector<2048x512xi1> to vector<2048x512xi32>
    %convert_element_type3A_64 = arith.sitofp %convert_element_type3A_63 : vector<2048x512xi32> to vector<2048x512xf32>
    %convert_element_type3A_65 = arith.truncf %convert_element_type3A_64 : vector<2048x512xf32> to vector<2048x512xbf16>
    %dot_general3A = arith.constant dense<0.000000e+00> : vector<1x512xf32>
    %dot_general3A_66 = tpu.matmul %convert_element_type3A_62, %convert_element_type3A_65, %dot_general3A {dimension_numbers = #tpu.dot_dimension_numbers<[1], [0], [0], [1], [0, 0, 1, 1], [], []>, transpose_lhs_hint = false} : vector<1x2048xbf16>, vector<2048x512xbf16>, vector<1x512xf32> -> vector<1x512xf32>
    %get3A_67 = arith.constant 0 : index
    %get3A_68 = arith.constant 0 : index
    %get3A_69 = vector.load %arg4[%get3A_67, %get3A_68] : memref<1x512xi32, #tpu.memory_space<vmem>>, vector<1x512xi32>
    %get3A_70 = arith.constant 0 : index
    %get3A_71 = arith.constant 0 : index
    %get3A_72 = vector.load %arg3[%get3A_70, %get3A_71] : memref<1x512xi32, #tpu.memory_space<vmem>>, vector<1x512xi32>
    %sub3A = arith.subi %get3A_69, %get3A_72 : vector<1x512xi32>
    %convert_element_type3A_73 = arith.sitofp %sub3A : vector<1x512xi32> to vector<1x512xf32>
    %get3A_74 = arith.constant 0 : index
    %get3A_75 = arith.constant 0 : index
    %get3A_76 = vector.load %arg5[%get3A_74, %get3A_75] : memref<1x512xf32, #tpu.memory_space<vmem>>, vector<1x512xf32>
    %broadcast_in_dim3A_77 = arith.constant 0.000000e+00 : f32
    %broadcast_in_dim3A_78 = vector.broadcast %broadcast_in_dim3A_77 : f32 to vector<1x512xf32>
    %gt3A_79 = arith.constant 0.000000e+00 : f32
    %gt3A_80 = vector.broadcast %gt3A_79 : f32 to vector<1x512xf32>
    %gt3A_81 = arith.cmpf ogt, %get3A_76, %gt3A_80 : vector<1x512xf32>
    %jit3A_82 = arith.constant 1.000000e+00 : f32
    %max3A_83 = vector.broadcast %jit3A_82 : f32 to vector<1x512xf32>
    %max3A_84 = arith.maximumf %max3A_83, %get3A_76 : vector<1x512xf32>
    %div3A_85 = arith.divf %dot_general3A_66, %max3A_84 : vector<1x512xf32>
    %select_n3A_86 = arith.select %gt3A_81, %div3A_85, %broadcast_in_dim3A_78 : vector<1x512xi1>, vector<1x512xf32>
    %gt3A_87 = arith.constant 0.000000e+00 : f32
    %gt3A_88 = vector.broadcast %gt3A_87 : f32 to vector<1x512xf32>
    %gt3A_89 = arith.cmpf ogt, %convert_element_type3A_73, %gt3A_88 : vector<1x512xf32>
    %jit3A_90 = arith.constant 1.000000e+00 : f32
    %max3A_91 = vector.broadcast %jit3A_90 : f32 to vector<1x512xf32>
    %max3A_92 = arith.maximumf %max3A_91, %convert_element_type3A_73 : vector<1x512xf32>
    %div3A_93 = arith.divf %dot_general3A_66, %max3A_92 : vector<1x512xf32>
    %select_n3A_94 = arith.select %gt3A_89, %div3A_93, %broadcast_in_dim3A_78 : vector<1x512xi1>, vector<1x512xf32>
    %add3A_95 = arith.addf %select_n3A_86, %select_n3A_94 : vector<1x512xf32>
    %gt3A_96 = arith.constant 0.000000e+00 : f32
    %gt3A_97 = vector.broadcast %gt3A_96 : f32 to vector<1x512xf32>
    %gt3A_98 = arith.cmpf ogt, %add3A_95, %gt3A_97 : vector<1x512xf32>
    %mul3A_99 = arith.constant 2.000000e+00 : f32
    %mul3A_100 = vector.broadcast %mul3A_99 : f32 to vector<1x512xf32>
    %mul3A_101 = arith.mulf %mul3A_100, %select_n3A_86 : vector<1x512xf32>
    %mul3A_102 = arith.mulf %mul3A_101, %select_n3A_94 : vector<1x512xf32>
    %add3A_103 = arith.addf %select_n3A_86, %select_n3A_94 : vector<1x512xf32>
    %jit3A_104 = arith.constant 9.99999993E-9 : f32
    %max3A_105 = vector.broadcast %jit3A_104 : f32 to vector<1x512xf32>
    %max3A_106 = arith.maximumf %max3A_105, %add3A_103 : vector<1x512xf32>
    %div3A_107 = arith.divf %mul3A_102, %max3A_106 : vector<1x512xf32>
    %select_n3A_108 = arith.select %gt3A_98, %div3A_107, %broadcast_in_dim3A_78 : vector<1x512xi1>, vector<1x512xf32>
    %gt3A_109 = arith.constant 0.000000e+00 : f32
    %gt3A_110 = vector.broadcast %gt3A_109 : f32 to vector<1x512xf32>
    %gt3A_111 = arith.cmpf ogt, %convert_element_type3A_73, %gt3A_110 : vector<1x512xf32>
    %select_n3A_112 = arith.select %gt3A_111, %select_n3A_94, %select_n3A_53 : vector<1x512xi1>, vector<1x512xf32>
    %broadcast_in_dim3A_113 = arith.constant 0.000000e+00 : f32
    %broadcast_in_dim3A_114 = vector.broadcast %broadcast_in_dim3A_113 : f32 to vector<1x512xf32>
    %gt3A_115 = arith.constant 0.000000e+00 : f32
    %gt3A_116 = vector.broadcast %gt3A_115 : f32 to vector<1x512xf32>
    %gt3A_117 = arith.cmpf ogt, %get3A_1, %gt3A_116 : vector<1x512xf32>
    %jit3A_118 = arith.constant 1.000000e+00 : f32
    %max3A_119 = vector.broadcast %jit3A_118 : f32 to vector<1x512xf32>
    %max3A_120 = arith.maximumf %max3A_119, %get3A_1 : vector<1x512xf32>
    %div3A_121 = arith.divf %get3A_13, %max3A_120 : vector<1x512xf32>
    %select_n3A_122 = arith.select %gt3A_117, %div3A_121, %broadcast_in_dim3A_114 : vector<1x512xi1>, vector<1x512xf32>
    %gt3A_123 = arith.constant 0.000000e+00 : f32
    %gt3A_124 = vector.broadcast %gt3A_123 : f32 to vector<1x512xf32>
    %gt3A_125 = arith.cmpf ogt, %get3A_10, %gt3A_124 : vector<1x512xf32>
    %jit3A_126 = arith.constant 1.000000e+00 : f32
    %max3A_127 = vector.broadcast %jit3A_126 : f32 to vector<1x512xf32>
    %max3A_128 = arith.maximumf %max3A_127, %get3A_10 : vector<1x512xf32>
    %div3A_129 = arith.divf %get3A_13, %max3A_128 : vector<1x512xf32>
    %select_n3A_130 = arith.select %gt3A_125, %div3A_129, %broadcast_in_dim3A_114 : vector<1x512xi1>, vector<1x512xf32>
    %add3A_131 = arith.addf %select_n3A_122, %select_n3A_130 : vector<1x512xf32>
    %gt3A_132 = arith.constant 0.000000e+00 : f32
    %gt3A_133 = vector.broadcast %gt3A_132 : f32 to vector<1x512xf32>
    %gt3A_134 = arith.cmpf ogt, %add3A_131, %gt3A_133 : vector<1x512xf32>
    %mul3A_135 = arith.constant 2.000000e+00 : f32
    %mul3A_136 = vector.broadcast %mul3A_135 : f32 to vector<1x512xf32>
    %mul3A_137 = arith.mulf %mul3A_136, %select_n3A_122 : vector<1x512xf32>
    %mul3A_138 = arith.mulf %mul3A_137, %select_n3A_130 : vector<1x512xf32>
    %add3A_139 = arith.addf %select_n3A_122, %select_n3A_130 : vector<1x512xf32>
    %jit3A_140 = arith.constant 9.99999993E-9 : f32
    %max3A_141 = vector.broadcast %jit3A_140 : f32 to vector<1x512xf32>
    %max3A_142 = arith.maximumf %max3A_141, %add3A_139 : vector<1x512xf32>
    %div3A_143 = arith.divf %mul3A_138, %max3A_142 : vector<1x512xf32>
    %select_n3A_144 = arith.select %gt3A_134, %div3A_143, %broadcast_in_dim3A_114 : vector<1x512xi1>, vector<1x512xf32>
    %gt3A_145 = arith.constant 0.000000e+00 : f32
    %gt3A_146 = vector.broadcast %gt3A_145 : f32 to vector<1x512xf32>
    %gt3A_147 = arith.cmpf ogt, %get3A_10, %gt3A_146 : vector<1x512xf32>
    %ge3A = arith.cmpf oge, %get3A_13, %get3A_10 : vector<1x512xf32>
    %and3A = arith.andi %gt3A_147, %ge3A : vector<1x512xi1>
    %select_n3A_148 = arith.select %gt3A_147, %select_n3A_130, %select_n3A_112 : vector<1x512xi1>, vector<1x512xf32>
    %get3A_149 = arith.constant 0 : index
    %get3A_150 = arith.constant 0 : index
    %get3A_151 = vector.load %arg6[%get3A_149, %get3A_150] : memref<1x512xf32, #tpu.memory_space<vmem>>, vector<1x512xf32>
    %gt3A_152 = arith.constant 5.000000e-01 : f32
    %gt3A_153 = vector.broadcast %gt3A_152 : f32 to vector<1x512xf32>
    %gt3A_154 = arith.cmpf ogt, %get3A_151, %gt3A_153 : vector<1x512xf32>
    %reduce_or3A = arith.constant 1.000000e+00 : f32
    %reduce_or3A_155 = arith.constant 0.000000e+00 : f32
    %reduce_or3A_156 = vector.broadcast %reduce_or3A : f32 to vector<1x512xf32>
    %reduce_or3A_157 = vector.broadcast %reduce_or3A_155 : f32 to vector<1x512xf32>
    %reduce_or3A_158 = arith.select %gt3A_147, %reduce_or3A_156, %reduce_or3A_157 : vector<1x512xi1>, vector<1x512xf32>
    %reduce_or3A_159 = vector.shape_cast %reduce_or3A_158 : vector<1x512xf32> to vector<1x1x512xf32>
    %reduce_or3A_160 = arith.constant dense<0xFF800000> : vector<1xf32>
    %reduce_or3A_161 = vector.multi_reduction <maximumf>, %reduce_or3A_159, %reduce_or3A_160 [1, 2] : vector<1x1x512xf32> to vector<1xf32>
    %reduce_or3A_162 = vector.shape_cast %reduce_or3A_161 : vector<1xf32> to vector<1x1x1xf32>
    %reduce_or3A_163 = vector.extract %reduce_or3A_162[0, 0, 0] : f32 from vector<1x1x1xf32>
    %reduce_or3A_164 = arith.constant 0.000000e+00 : f32
    %reduce_or3A_165 = arith.cmpf ogt, %reduce_or3A_163, %reduce_or3A_164 : f32
    %not3A = arith.constant true
    %not3A_166 = arith.xori %reduce_or3A_165, %not3A : i1
    %or3A = vector.broadcast %not3A_166 : i1 to vector<1x512xi1>
    %or3A_167 = arith.ori %or3A, %and3A : vector<1x512xi1>
    %and3A_168 = arith.andi %gt3A_154, %or3A_167 : vector<1x512xi1>
    %get3A_169 = arith.constant 0 : index
    %get3A_170 = arith.constant 0 : index
    %get3A_171 = vector.load %arg7[%get3A_169, %get3A_170] : memref<1x512xf32, #tpu.memory_space<vmem>>, vector<1x512xf32>
    %add3A_172 = arith.constant 5.000000e-02 : f32
    %add3A_173 = vector.broadcast %add3A_172 : f32 to vector<1x512xf32>
    %add3A_174 = arith.addf %get3A_171, %add3A_173 : vector<1x512xf32>
    %jit3A_175 = arith.constant 9.99999997E-7 : f32
    %max3A_176 = vector.broadcast %jit3A_175 : f32 to vector<1x512xf32>
    %max3A_177 = arith.maximumf %max3A_176, %add3A_174 : vector<1x512xf32>
    %gt3A_178 = arith.constant 0.000000e+00 : f32
    %gt3A_179 = vector.broadcast %gt3A_178 : f32 to vector<1x512xf32>
    %gt3A_180 = arith.cmpf ogt, %get3A_1, %gt3A_179 : vector<1x512xf32>
    %jit3A_181 = arith.constant 1.000000e+00 : f32
    %max3A_182 = vector.broadcast %jit3A_181 : f32 to vector<1x512xf32>
    %max3A_183 = arith.maximumf %max3A_182, %get3A_1 : vector<1x512xf32>
    %div3A_184 = arith.divf %get3A_16, %max3A_183 : vector<1x512xf32>
    %broadcast_in_dim3A_185 = arith.constant 0.000000e+00 : f32
    %broadcast_in_dim3A_186 = vector.broadcast %broadcast_in_dim3A_185 : f32 to vector<1x512xf32>
    %select_n3A_187 = arith.select %gt3A_180, %div3A_184, %broadcast_in_dim3A_186 : vector<1x512xi1>, vector<1x512xf32>
    %jit3A_188 = arith.constant 9.99999993E-9 : f32
    %jit3A_189 = arith.constant 1.000000e+00 : f32
    %max3A_190 = vector.broadcast %jit3A_188 : f32 to vector<1x512xf32>
    %max3A_191 = arith.maximumf %max3A_190, %select_n3A_187 : vector<1x512xf32>
    %min3A = vector.broadcast %jit3A_189 : f32 to vector<1x512xf32>
    %min3A_192 = arith.minimumf %min3A, %max3A_191 : vector<1x512xf32>
    %pow3A = arith.constant 1.000000e+00 : f32
    %pow3A_193 = vector.broadcast %pow3A : f32 to vector<1x512xf32>
    %pow3A_194 = math.powf %min3A_192, %pow3A_193 : vector<1x512xf32>
    %broadcast_in_dim3A_195 = arith.constant 0.899999976 : f32
    %broadcast_in_dim3A_196 = vector.broadcast %broadcast_in_dim3A_195 : f32 to vector<1x512xf32>
    %pow3A_197 = math.powf %broadcast_in_dim3A_196, %get3A_1 : vector<1x512xf32>
    %broadcast_in_dim3A_198 = arith.constant 1.000000e+00 : f32
    %broadcast_in_dim3A_199 = vector.broadcast %broadcast_in_dim3A_198 : f32 to vector<1x512xf32>
    %and3A_200 = vector.broadcast %reduce_or3A_165 : i1 to vector<1x512xi1>
    %and3A_201 = arith.andi %and3A_200, %gt3A_147 : vector<1x512xi1>
    %jit3A_202 = arith.constant 1.000000e-03 : f32
    %max3A_203 = vector.broadcast %jit3A_202 : f32 to vector<1x512xf32>
    %max3A_204 = arith.maximumf %max3A_203, %select_n3A_144 : vector<1x512xf32>
    %pow3A_205 = arith.constant 1.000000e+00 : f32
    %pow3A_206 = vector.broadcast %pow3A_205 : f32 to vector<1x512xf32>
    %pow3A_207 = math.powf %max3A_204, %pow3A_206 : vector<1x512xf32>
    %select_n3A_208 = arith.select %and3A_201, %pow3A_207, %broadcast_in_dim3A_199 : vector<1x512xi1>, vector<1x512xf32>
    %mul3A_209 = arith.constant 1.000000e+01 : f32
    %mul3A_210 = vector.broadcast %mul3A_209 : f32 to vector<1x512xf32>
    %mul3A_211 = arith.mulf %mul3A_210, %pow3A_197 : vector<1x512xf32>
    %mul3A_212 = arith.mulf %mul3A_211, %select_n3A_208 : vector<1x512xf32>
    %mul3A_213 = arith.mulf %mul3A_212, %pow3A_194 : vector<1x512xf32>
    %mul3A_214 = arith.mulf %mul3A_213, %max3A_177 : vector<1x512xf32>
    %broadcast_in_dim3A_215 = arith.constant 9.99999993E-9 : f32
    %broadcast_in_dim3A_216 = vector.broadcast %broadcast_in_dim3A_215 : f32 to vector<1x512xf32>
    %select_n3A_217 = arith.select %and3A_168, %mul3A_214, %broadcast_in_dim3A_216 : vector<1x512xi1>, vector<1x512xf32>
    %and3A_218 = vector.broadcast %reduce_or3A_165 : i1 to vector<1x512xi1>
    %and3A_219 = arith.andi %and3A_218, %and3A : vector<1x512xi1>
    %mul3A_220 = arith.constant 2.000000e+00 : f32
    %mul3A_221 = vector.broadcast %mul3A_220 : f32 to vector<1x512xf32>
    %mul3A_222 = arith.mulf %select_n3A_217, %mul3A_221 : vector<1x512xf32>
    %select_n3A_223 = arith.select %and3A_219, %mul3A_222, %select_n3A_217 : vector<1x512xi1>, vector<1x512xf32>
    %jit3A_224 = arith.constant 9.99999993E-9 : f32
    %max3A_225 = vector.broadcast %jit3A_224 : f32 to vector<1x512xf32>
    %max3A_226 = arith.maximumf %max3A_225, %select_n3A_223 : vector<1x512xf32>
    %swap3A = arith.constant 0 : index
    %swap3A_227 = arith.constant 0 : index
    %swap3A_228 = vector.load %arg8[%swap3A, %swap3A_227] : memref<1x512xf32, #tpu.memory_space<vmem>>, vector<1x512xf32>
    tpu.vector_store %arg8[%swap3A, %swap3A_227], %max3A_226 {strides = array<i32>} : memref<1x512xf32, #tpu.memory_space<vmem>>, vector<1x512xf32>,
    %swap3A_229 = arith.constant 0 : index
    %swap3A_230 = arith.constant 0 : index
    %swap3A_231 = vector.load %arg9[%swap3A_229, %swap3A_230] : memref<1x512xf32, #tpu.memory_space<vmem>>, vector<1x512xf32>
    tpu.vector_store %arg9[%swap3A_229, %swap3A_230], %select_n3A_148 {strides = array<i32>} : memref<1x512xf32, #tpu.memory_space<vmem>>, vector<1x512xf32>,
    %convert_element_type3A_232 = arith.extui %and3A_168 : vector<1x512xi1> to vector<1x512xi32>
    %convert_element_type3A_233 = arith.sitofp %convert_element_type3A_232 : vector<1x512xi32> to vector<1x512xf32>
    %swap3A_234 = arith.constant 0 : index
    %swap3A_235 = arith.constant 0 : index
    %swap3A_236 = vector.load %arg10[%swap3A_234, %swap3A_235] : memref<1x512xf32, #tpu.memory_space<vmem>>, vector<1x512xf32>
    tpu.vector_store %arg10[%swap3A_234, %swap3A_235], %convert_element_type3A_233 {strides = array<i32>} : memref<1x512xf32, #tpu.memory_space<vmem>>, vector<1x512xf32>,
    %broadcast_in_dim3A_237 = arith.constant 0.000000e+00 : f32
    %broadcast_in_dim3A_238 = vector.broadcast %broadcast_in_dim3A_237 : f32 to vector<1x512xf32>
    %swap3A_239 = arith.constant 0 : index
    %swap3A_240 = arith.constant 0 : index
    %swap3A_241 = vector.load %arg11[%swap3A_239, %swap3A_240] : memref<1x512xf32, #tpu.memory_space<vmem>>, vector<1x512xf32>
    tpu.vector_store %arg11[%swap3A_239, %swap3A_240], %broadcast_in_dim3A_238 {strides = array<i32>} : memref<1x512xf32, #tpu.memory_space<vmem>>, vector<1x512xf32>,
    %swap3A_242 = arith.constant 0 : index
    %swap3A_243 = arith.constant 0 : index
    %swap3A_244 = vector.load %arg12[%swap3A_242, %swap3A_243] : memref<1x512xf32, #tpu.memory_space<vmem>>, vector<1x512xf32>
    tpu.vector_store %arg12[%swap3A_242, %swap3A_243], %convert_element_type3A_19 {strides = array<i32>} : memref<1x512xf32, #tpu.memory_space<vmem>>, vector<1x512xf32>,
    %swap3A_245 = arith.constant 0 : index
    %swap3A_246 = arith.constant 0 : index
    %swap3A_247 = vector.load %arg13[%swap3A_245, %swap3A_246] : memref<1x512xf32, #tpu.memory_space<vmem>>, vector<1x512xf32>
    tpu.vector_store %arg13[%swap3A_245, %swap3A_246], %select_n3A {strides = array<i32>} : memref<1x512xf32, #tpu.memory_space<vmem>>, vector<1x512xf32>,
    %swap3A_248 = arith.constant 0 : index
    %swap3A_249 = arith.constant 0 : index
    %swap3A_250 = vector.load %arg14[%swap3A_248, %swap3A_249] : memref<1x512xf32, #tpu.memory_space<vmem>>, vector<1x512xf32>
    tpu.vector_store %arg14[%swap3A_248, %swap3A_249], %select_n3A_31 {strides = array<i32>} : memref<1x512xf32, #tpu.memory_space<vmem>>, vector<1x512xf32>,
    %swap3A_251 = arith.constant 0 : index
    %swap3A_252 = arith.constant 0 : index
    %swap3A_253 = vector.load %arg15[%swap3A_251, %swap3A_252] : memref<1x512xf32, #tpu.memory_space<vmem>>, vector<1x512xf32>
    tpu.vector_store %arg15[%swap3A_251, %swap3A_252], %select_n3A_43 {strides = array<i32>} : memref<1x512xf32, #tpu.memory_space<vmem>>, vector<1x512xf32>,
    %swap3A_254 = arith.constant 0 : index
    %swap3A_255 = arith.constant 0 : index
    %swap3A_256 = vector.load %arg16[%swap3A_254, %swap3A_255] : memref<1x512xf32, #tpu.memory_space<vmem>>, vector<1x512xf32>
    tpu.vector_store %arg16[%swap3A_254, %swap3A_255], %select_n3A_86 {strides = array<i32>} : memref<1x512xf32, #tpu.memory_space<vmem>>, vector<1x512xf32>,
    %swap3A_257 = arith.constant 0 : index
    %swap3A_258 = arith.constant 0 : index
    %swap3A_259 = vector.load %arg17[%swap3A_257, %swap3A_258] : memref<1x512xf32, #tpu.memory_space<vmem>>, vector<1x512xf32>
    tpu.vector_store %arg17[%swap3A_257, %swap3A_258], %select_n3A_94 {strides = array<i32>} : memref<1x512xf32, #tpu.memory_space<vmem>>, vector<1x512xf32>,
    %swap3A_260 = arith.constant 0 : index
    %swap3A_261 = arith.constant 0 : index
    %swap3A_262 = vector.load %arg18[%swap3A_260, %swap3A_261] : memref<1x512xf32, #tpu.memory_space<vmem>>, vector<1x512xf32>
    tpu.vector_store %arg18[%swap3A_260, %swap3A_261], %select_n3A_108 {strides = array<i32>} : memref<1x512xf32, #tpu.memory_space<vmem>>, vector<1x512xf32>,
    %swap3A_263 = arith.constant 0 : index
    %swap3A_264 = arith.constant 0 : index
    %swap3A_265 = vector.load %arg19[%swap3A_263, %swap3A_264] : memref<1x512xf32, #tpu.memory_space<vmem>>, vector<1x512xf32>
    tpu.vector_store %arg19[%swap3A_263, %swap3A_264], %select_n3A_122 {strides = array<i32>} : memref<1x512xf32, #tpu.memory_space<vmem>>, vector<1x512xf32>,
    %swap3A_266 = arith.constant 0 : index
    %swap3A_267 = arith.constant 0 : index
    %swap3A_268 = vector.load %arg20[%swap3A_266, %swap3A_267] : memref<1x512xf32, #tpu.memory_space<vmem>>, vector<1x512xf32>
    tpu.vector_store %arg20[%swap3A_266, %swap3A_267], %select_n3A_130 {strides = array<i32>} : memref<1x512xf32, #tpu.memory_space<vmem>>, vector<1x512xf32>,
    %swap3A_269 = arith.constant 0 : index
    %swap3A_270 = arith.constant 0 : index
    %swap3A_271 = vector.load %arg21[%swap3A_269, %swap3A_270] : memref<1x512xf32, #tpu.memory_space<vmem>>, vector<1x512xf32>
    tpu.vector_store %arg21[%swap3A_269, %swap3A_270], %select_n3A_144 {strides = array<i32>} : memref<1x512xf32, #tpu.memory_space<vmem>>, vector<1x512xf32>,
    %convert_element_type3A_272 = arith.extui %gt3A_147 : vector<1x512xi1> to vector<1x512xi32>
    %convert_element_type3A_273 = arith.sitofp %convert_element_type3A_272 : vector<1x512xi32> to vector<1x512xf32>
    %swap3A_274 = arith.constant 0 : index
    %swap3A_275 = arith.constant 0 : index
    %swap3A_276 = vector.load %arg22[%swap3A_274, %swap3A_275] : memref<1x512xf32, #tpu.memory_space<vmem>>, vector<1x512xf32>
    tpu.vector_store %arg22[%swap3A_274, %swap3A_275], %convert_element_type3A_273 {strides = array<i32>} : memref<1x512xf32, #tpu.memory_space<vmem>>, vector<1x512xf32>,
    %convert_element_type3A_277 = arith.extui %and3A : vector<1x512xi1> to vector<1x512xi32>
    %convert_element_type3A_278 = arith.sitofp %convert_element_type3A_277 : vector<1x512xi32> to vector<1x512xf32>
    %swap3A_279 = arith.constant 0 : index
    %swap3A_280 = arith.constant 0 : index
    %swap3A_281 = vector.load %arg23[%swap3A_279, %swap3A_280] : memref<1x512xf32, #tpu.memory_space<vmem>>, vector<1x512xf32>
    tpu.vector_store %arg23[%swap3A_279, %swap3A_280], %convert_element_type3A_278 {strides = array<i32>} : memref<1x512xf32, #tpu.memory_space<vmem>>, vector<1x512xf32>,
    %swap3A_282 = arith.constant 0 : index
    %swap3A_283 = arith.constant 0 : index
    %swap3A_284 = vector.load %arg24[%swap3A_282, %swap3A_283] : memref<1x512xf32, #tpu.memory_space<vmem>>, vector<1x512xf32>
    tpu.vector_store %arg24[%swap3A_282, %swap3A_283], %pow3A_197 {strides = array<i32>} : memref<1x512xf32, #tpu.memory_space<vmem>>, vector<1x512xf32>,
    %swap3A_285 = arith.constant 0 : index
    %swap3A_286 = arith.constant 0 : index
    %swap3A_287 = vector.load %arg25[%swap3A_285, %swap3A_286] : memref<1x512xf32, #tpu.memory_space<vmem>>, vector<1x512xf32>
    tpu.vector_store %arg25[%swap3A_285, %swap3A_286], %pow3A_194 {strides = array<i32>} : memref<1x512xf32, #tpu.memory_space<vmem>>, vector<1x512xf32>,
    return
  }
}

</mosaic_0001>

<sc_bundles>
// kernel: kernel.6.cloned.1.call-start
scs
__scs_entry_jumppad:
0x0: {  	(pc) =	sbr.rel $0x88, $3  }
0x1: {  	(tag) =	ssettag $0x0;
	lr =	simm.s32 $0x1  }
0x2: {  	[smem:$0x3F95] =	sst lr;
	_ =	strace $0xD0000000  }
0x3: {  	_ = 	snop  }
0x4: {  	_ = 	snop  }
0x5: {  	_ = 	snop  }
0x6: {  	_ = 	snop  }
0x7: {  	_ = 	snop  }
__scs_overlays_trampoline_lowered:
0x8: {  	[smem:$0x3FA4] =	sst s0  }
0x9: {  	[smem:$0x3FA5] =	sst s1  }
0xa: {  	[smem:$0x3FA6] =	sst s2  }
0xb: {  	[smem:$0x3FA7] =	sst s3  }
0xc: {  	[smem:$0x3FA8] =	sst s4  }
0xd: {  	[smem:$0x3FA9] =	sst s5  }
0xe: {  	[smem:$0x3FAA] =	sst s6  }
0xf: {  	[smem:$0x3FAB] =	sst s7  }
0x10: {  	[smem:$0x3FAC] =	sst s8  }
0x11: {  	[smem:$0x3FAD] =	sst s9;
	s0 =	simm.s32 @!p0 $0x0  }
0x12: {  	s1 =	sld [smem:$0x3F93];
	s0 =	simm.s32 @p0 $0x1  }
0x13: {  	[smem:$0x3FAE] =	sst s0;
	s0 =	simm.s32 @!p1 $0x0  }
0x14: {  	s2 =	sld [smem:$0x3F92];
	s0 =	simm.s32 @p1 $0x1  }
0x15: {  	[smem:$0x3FAF] =	sst s0;
	s0 =	simm.s32 @!p2 $0x0  }
0x16: {  	s3 =	sld [smem:$0x3FDB];
	s0 =	simm.s32 @p2 $0x1  }
0x17: {  	s4 =	simm.s32 $0x1BF5;
	[smem:$0x3FB1] =	sst s0  }
0x18: {  	s0 =	sld [smem:$0x3F94];
	_ =	swait.ge [sflag:s4], $0x0  }
0x19: {  	s7 =	sld [smem:$0x3F95]  }
0x1a: {  	s8 =	sadd.s32 $0xFFFFE003, lr  }
0x1b: {  	s9 =	sadd.s32 $0xFFFFFEF7, lr;
	s5 =	simm.s32 $0xFFFFFFFF;
	p2 =	slt.u32 s8, $0xFFFFF086  }
0x1c: {  	p1 =	slt.u32 s9, $0xF7A;
	s5 =	simm.s32 @!p2 $0x0  }
0x1d: {  	s5 =	simm.s32 @p1 $0x1;
	p0 =	seq.s32 s7, s2  }
0x1e: {  	s7 =	smul.u32 @!p0 $0xF7A, s2;
	p2 =	seq.s32 @!p0 s5, $0x0  }
0x1f: {  	s9 =	smul.u32 $0xF7A, s1;
	s8 =	simm.s32 @!p0 $0x1BF5;
	p2 =	por !p2, p0  }
0x20: {  	[sflag:s8] =	ssyncset.s32 @!p0 $0xFFFFF086;
	s6 =	sadd.s32 @!p0 s3, s7;
	s7 =	simm.s32 @!p0 $0x108  }
0x21: {  	s3 =	sadd.s32 s3, s9;
	s6 =	sadd.s32 @!p0 $0x88, s6;
	s7 =	simm.s32 @p2 $0x1082  }
0x22: {  	[simem:s7], [sflag:s8] =	dma.local @!p0 [hbm:s6], $0xF7A  }
0x23: {  	s9 =	sor.u32 $0xD0000000, s2;
	s6 =	simm.s32 $0x108;
	_ =	swait.ge @!p0 [sflag:s8], $0x0  }
0x24: {  	s3 =	sadd.s32 $0x88, s3;
	s6 =	simm.s32 @!p1 $0x1082;
	[sflag:s4] =	ssyncset.s32 $0xFFFFF086  }
0x25: {  	[simem:s6], [sflag:s4] =	dma.local [hbm:s3], $0xF7A  }
0x26: {  	[smem:$0x3F95] =	sst s1;
	(tag) =	ssettag s2;
	_ =	strace s9  }
0x27: {  	s1 =	sld [smem:$0x3FA5]  }
0x28: {  	s2 =	sld [smem:$0x3FA6]  }
0x29: {  	s4 =	sld [smem:$0x3FA8]  }
0x2a: {  	p0 =	seq.s32 s5, $0x0;
	s5 =	sld [smem:$0x3FA9]  }
0x2b: {  	s6 =	sld [smem:$0x3FAA]  }
0x2c: {  	s7 =	sld [smem:$0x3FAB]  }
0x2d: {  	s3 =	simm.s32 $0x108;
	s8 =	sld [smem:$0x3FAC]  }
0x2e: {  	s3 =	simm.s32 @!p0 $0x1082;
	s9 =	sld [smem:$0x3FAD]  }
0x2f: {  	lr =	sadd.s32 s0, s3;
	s0 =	sld [smem:$0x3FA4]  }
0x30: {  	s3 =	sld [smem:$0x3FA7]  }
0x31: {  	[smem:$0x3FB0] =	sst s10  }
0x32: {  	s10 =	sld [smem:$0x3FAE];
	_ =	sdelay $0x3  }
0x33: {  	p0 =	seq.s32 s10, $0x1;
	s10 =	sld [smem:$0x3FB0];
	_ =	sdelay $0x3  }
0x34: {  	[smem:$0x3FB0] =	sst s10  }
0x35: {  	s10 =	sld [smem:$0x3FAF];
	_ =	sdelay $0x3  }
0x36: {  	p1 =	seq.s32 s10, $0x1;
	s10 =	sld [smem:$0x3FB0];
	_ =	sdelay $0x3  }
0x37: {  	[smem:$0x3FB0] =	sst s10  }
0x38: {  	s10 =	sld [smem:$0x3FB1]  }
0x39: {  	_ = 	snop;
	(pc) =	sbr.ind lr, $3  }
0x3a: {  	_ = 	snop  }
0x3b: {  	_ = 	snop  }
0x3c: {  	p2 =	seq.s32 s10, $0x1;
	s10 =	sld [smem:$0x3FB0]  }
0x3d: {  	_ =	shalt  }
0x3e: {  	_ =	shalt  }
0x3f: {  	_ =	shalt  }
0x40: {  	_ =	shalt  }
0x41: {  	_ =	shalt  }
0x42: {  	_ =	shalt  }
0x43: {  	_ =	shalt  }
0x44: {  	_ =	shalt  }
0x45: {  	_ =	shalt  }
0x46: {  	_ =	shalt  }
0x47: {  	_ =	shalt  }
0x48: {  	_ =	shalt  }
0x49: {  	_ =	shalt  }
0x4a: {  	_ =	shalt  }
0x4b: {  	_ =	shalt  }
0x4c: {  	_ =	shalt  }
0x4d: {  	_ =	shalt  }
0x4e: {  	_ =	shalt  }
0x4f: {  	_ =	shalt  }
0x50: {  	_ =	shalt  }
0x51: {  	_ =	shalt  }
0x52: {  	_ =	shalt  }
0x53: {  	_ =	shalt  }
0x54: {  	_ =	shalt  }
0x55: {  	_ =	shalt  }
0x56: {  	_ =	shalt  }
0x57: {  	_ =	shalt  }
0x58: {  	_ =	shalt  }
0x59: {  	_ =	shalt  }
0x5a: {  	_ =	shalt  }
0x5b: {  	_ =	shalt  }
0x5c: {  	_ =	shalt  }
0x5d: {  	_ =	shalt  }
0x5e: {  	_ =	shalt  }
0x5f: {  	_ =	shalt  }
0x60: {  	_ =	shalt  }
0x61: {  	_ =	shalt  }
0x62: {  	_ =	shalt  }
0x63: {  	_ =	shalt  }
0x64: {  	_ =	shalt  }
0x65: {  	_ =	shalt  }
0x66: {  	_ =	shalt  }
0x67: {  	_ =	shalt  }
0x68: {  	_ =	shalt  }
0x69: {  	_ =	shalt  }
0x6a: {  	_ =	shalt  }
0x6b: {  	_ =	shalt  }
0x6c: {  	_ =	shalt  }
0x6d: {  	_ =	shalt  }
0x6e: {  	_ =	shalt  }
0x6f: {  	_ =	shalt  }
0x70: {  	_ =	shalt  }
0x71: {  	_ =	shalt  }
0x72: {  	_ =	shalt  }
0x73: {  	_ =	shalt  }
0x74: {  	_ =	shalt  }
0x75: {  	_ =	shalt  }
0x76: {  	_ =	shalt  }
0x77: {  	_ =	shalt  }
0x78: {  	_ =	shalt  }
0x79: {  	_ =	shalt  }
0x7a: {  	_ =	shalt  }
0x7b: {  	_ =	shalt  }
0x7c: {  	_ =	shalt  }
0x7d: {  	_ =	shalt  }
0x7e: {  	_ =	shalt  }
0x7f: {  	_ =	shalt  }
0x80: {  	_ =	shalt  }
0x81: {  	_ =	shalt  }
0x82: {  	_ =	shalt  }
0x83: {  	_ =	shalt  }
0x84: {  	_ =	shalt  }
0x85: {  	_ =	shalt  }
0x86: {  	_ =	shalt  }
0x87: {  	_ =	shalt  }
.Lfunc_end0:
.L_simem_size_0:
called_computation_lowered:
.L_overlay_start_0:
0x88: {  	s2 =	sld [smem:$0x3FD9]  }
0x89: {  	s3 =	sld [smem:$0x3FFE];
	_ =	sdelay $0x1  }
0x8a: {  	s1 =	srdreg.scid  }
0x8b: {  	s0 =	sand.u32 $0x1, s1  }
0x8c: {  	s17 =	sshll.u32 s0, $0xA;
	s2 =	sadd.s32 s3, s2  }
0x8d: {  	s2 =	sadd.s32 s2, s17  }
0x8e: {  	[smem:$0x3FBC] =	sst s2  }
0x8f: {  	_ = 	snop  }
0x90: {  	s2 =	sld [smem:$0x3FC8]  }
0x91: {  	s18 =	sld [smem:$0x3FC7]  }
0x92: {  	s4 =	sld [smem:$0x3FC5]  }
0x93: {  	s5 =	sld [smem:$0x3FC4];
	(tm) =	ssettm $0x1  }
0x94: {  	s6 =	sld [smem:$0x3FFB];
	_ =	sdelay $0x3  }
0x95: {  	_ =	strace s6  }
0x96: {  	s6 =	sld [smem:$0x3FFC];
	_ =	sdelay $0x3  }
0x97: {  	_ =	strace s6  }
0x98: {  	s6 =	sld [smem:$0x3FFD];
	_ =	sdelay $0x3  }
0x99: {  	_ =	strace s6  }
0x9a: {  	_ =	strace $0x8FFFFFFF  }
0x9b: {  	s19 =	sld [smem:$0x3FDB];
	_ =	sdelay $0x1  }
0x9c: {  	s7 =	simm.s32 $_scs_section_size  }
0x9d: {  	s8 =	simm.s32 $_size__tile_overlayer_lowered;
	s9 =	simm.s32 $_tile_overlayer_lowered  }
0x9e: {  	s22 =	simm.s32 $0x1BFF;
	s21 =	sshll.u32 s9, $0x1;
	s6 =	sadd.s32 s7, s19  }
0x9f: {  	s10 =	simm.s32 $0x0;
	s20 =	sshll.u32 s8, $0x1;
	s8 =	sadd.s32 s21, s6  }
0xa0: {  	[timem:s10], [sflag:s22] =	dma.local [hbm:s8], s20  }
0xa1: {  	_ =	swait.ge [sflag:s22], s20  }
0xa2: {  	s7 =	ssub.s32 $0x0, s20;
	[sflag:s22] =	ssyncset.done $0x0  }
0xa3: {  	[sflag:s22] =	ssyncadd.s32 s7;
	_ =	sdelay $0x1  }
0xa4: {  	s23 =	simm.s32 $0x1B8B  }
0xa5: {  	_ =	swait.ge [sflag:s23], $0x1  }
0xa6: {  	[sflag:s23] =	ssyncset.done $0x0  }
0xa7: {  	s25 =	simm.s32 $0x1B8E;
	s24 =	sld [smem:$0x3FFE];
	[sflag:s23] =	ssyncadd.s32 $0xFFFFFFFF  }
0xa8: {  	s26 =	simm.s32 $execute0_lowered;
	[smem:$0x3FD2] =	sst s25  }
0xa9: {  	s8 =	sshll.u32 s26, $0x1;
	_ =	strace $0x80000046;
	[dreg:$0x1] =	wrdreg $0xFFFFFFFF  }
0xaa: {  	s28 =	simm.s32 $_size_execute0_lowered;
	s6 =	sadd.s32 s6, s8;
	[dreg:$0x0] =	wrdreg $0x0  }
0xab: {  	s8 =	sshll.u32 s28, $0x1;
	[dreg:$0x2] =	wrdreg s6  }
0xac: {  	[dreg:$0x3] =	wrdreg s8  }
0xad: {  	[dreg:$0x4] =	wrdreg $0xC0  }
0xae: {  	_ =	task [dreg:s10], $0x5FFFF  }
0xaf: {  	[dreg:$0x1] =	wrdreg $0xFFFFFFFF  }
0xb0: {  	[dreg:$0x0] =	wrdreg $0x60  }
0xb1: {  	[dreg:$0x2] =	wrdreg s5  }
0xb2: {  	[dreg:$0x3] =	wrdreg s4  }
0xb3: {  	[dreg:$0x4] =	wrdreg s24  }
0xb4: {  	[dreg:$0x5] =	wrdreg s2  }
0xb5: {  	[dreg:$0x6] =	wrdreg s18  }
0xb6: {  	[dreg:$0x7] =	wrdreg $0x9  }
0xb7: {  	_ =	task.clear_ibuf [dreg:s10], $0x8FFFF;
	_ =	strace $0x90000046  }
0xb8: {  	s29 =	simm.s32 $0x9;
	_ =	strace $0x80000048  }
0xb9: {  	_ =	swait.ge [sflag:s29], $0x1  }
0xba: {  	[sflag:s29] =	ssyncadd.s32 $0xFFFFFFFF  }
0xbb: {  	_ =	strace $0x90000048  }
0xbc: {  	_ =	sfence  }
0xbd: {  	s30 =	sld [smem:$0x0];
	_ =	sdelay $0x2  }
0xbe: {  	s31 =	sshll.u32 s1, $0xD;
	s1 =	sshrl.u32 s1, $0x2  }
0xbf: {  	s3 =	sand.u32 $0x4000, s31;
	s1 =	sadd.s32 s1, s30  }
0xc0: {  	s0 =	sor.u32 s3, s0;
	s1 =	sshll.u32 s1, $0x11  }
0xc1: {  	s0 =	sor.u32 s1, s0  }
0xc2: {  	s0 =	sadd.s32 $0x8F2B, s0  }
0xc3: {  	[sflag:s0] =	ssyncadd.remote.s32 $0x1  }
0xc4: {  	_ =	sfence.sel $0xFFFF  }
0xc5: {  	[dreg:$0x0] =	wrdreg $0xFFFFFFFF;
	(pc) =	sbr.abs _section_cstart, $3  }
0xc6: {  	[dreg:$0x1] =	wrdreg $0xFFFFFFFF  }
0xc7: {  	_ =	task.clear_ibuf [dreg:s10], $0x2FFFF;
	_ =	strace $0x9FFFFFFF  }
0xc8: {  	(tm) =	ssettm $0x7FFFFFFF  }
0xc9: {  	_ =	shalt  }
tec
execute0_lowered:
.L_overlay_start_1:
0x0: {  	(tag) =	ssettag $0x1  }
0x1: {  	s1 =	rddreg [dreg:$0x0]  }
0x2: {  	s2 =	rddreg [dreg:$0x1]  }
0x3: {  	s0 =	rddreg [dreg:$0x2]  }
0x4: {  	s3 =	rddreg [dreg:$0x3]  }
0x5: {  	s4 =	rddreg [dreg:$0x4]  }
0x6: {  	s6 =	simm.s32 $0x0;
	s5 =	srdreg.scid;
	s8 =	stileid.u32  }
0x7: {  	s14 =	simm.s32 $0x1;
	s15 =	simm.s32 $0x280;
	s16 =	simm.s32 $0x2280  }
0x8: {  	s17 =	simm.s32 $0x4280;
	s18 =	simm.s32 $0x6280;
	s19 =	simm.s32 $0x8280  }
0x9: {  	s20 =	simm.s32 $0xA280;
	[smem:$0x7FF] =	sst s6;
	s7 =	sadd.s32 $0x2000, s0  }
0xa: {  	s5 =	sand.u32 $0x1, s5;
	s9 =	sshll.u32 s8, $0x1;
	s8 =	sadd.s32 $0x63C00, s0  }
0xb: {  	s10 =	sadd.s32 $0xC5800, s0;
	_ =	strace $0x80000047;
	s9 =	sor.u32 s5, s9  }
0xc: {  	s5 =	ssub.s32 $0x2, s5;
	[dreg:$0x6] =	wrdreg s10;
	s28 =	sshll.u32 s9, $0x7  }
.Ltmp0:
0xd: {  	s11 =	sshrl.u32 s5, $0x1;
	s30 =	sshll.u32 s9, $0x4;
	(pc) =	sbr.rel .LBB2_1-.Ltmp0, $4  }
0xe: {  	s10 =	sadd.s32 s28, s0;
	s0 =	sadd.s32 $0xC6A00, s0;
	[dreg:$0x8] =	wrdreg s30  }
0xf: {  	vm0 =	vmmov $0xff;
	v1 =	vimm.s32 $0x0;
	s29 =	ssub.s32 s5, s11;
	[dreg:$0x7] =	wrdreg s0;
	s31 =	sadd.s32 $0xC5A00, s10  }
0x10: {  	v0 =	vimm.f32 $0.0e+00;
	s21 =	simm.s32 $0xC280;
	v1 =	vsel vm0, $0xFFFFFFFF, v1;
	s0 =	smax.u32 s29, $0x1;
	[dreg:$0x9] =	wrdreg s31  }
0x11: {  	s22 =	simm.s32 $0x2;
	v22 =	vlaneseq.u32;
	v2 =	vimm.f32 $1.000000000e+00;
	v3 =	vimm.s32 $0x0;
	[tilespmem:$0x1FFF0] =	vst v1;
	s9 =	simm.s32 $0x0;
	[dreg:$0xa] =	wrdreg s0  }
.LBB2_11:
0x12: {  	[tilespmem:$0xEA00] =	vst v10  }
0x13: {  	[tilespmem:$0xEA80] =	vst v9  }
0x14: {  	[tilespmem:$0xEB00] =	vst v8  }
0x15: {  	[tilespmem:$0xEB80] =	vst v5  }
0x16: {  	[tilespmem:$0xEC00] =	vst v4  }
0x17: {  	[tilespmem:$0xEC80] =	vst v1;
	s0 =	rddreg [dreg:$0x9];
	s5 =	simm.s32 $0xEA00;
	s30 =	simm.s32 $0x3  }
0x18: {  	[hbm4b:s0+s6] =	stream.linear.scatter [tilespmem:s5], [sflag:$0x3], $0x400, $0x38;
	[tilespmem:$0xEE00] =	vst v63  }
0x19: {  	_ =	swait.ge [sflag:s30], $0x400  }
0x1a: {  	s9 =	rddreg [dreg:$0xb]  }
0x1b: {  	s31 =	rddreg [dreg:$0xa];
	s9 =	sadd.s32 $0x1, s9  }
0x1c: {  	p0 =	sne.s32 s9, s31  }
.Ltmp1:
0x1d: {  	_ = 	snop;
	(pc) =	sbr.rel @!p0 .LBB2_12-.Ltmp1, $3  }
0x1e: {  	_ =	sdelay $0x1  }
0x1f: {  	[sflag:s30] =	ssyncset.done $0x0  }
0x20: {  	[sflag:s30] =	ssyncadd.s32 $0xFFFFFC00  }
.LBB2_1:
0x21: {  	[dreg:$0xb] =	wrdreg s9  }
.Ltmp2:
0x22: {  	s0 =	rddreg [dreg:$0x6];
	(pc) =	sbr.rel .LBB2_2-.Ltmp2, $4  }
0x23: {  	[tilespmem:s6], [sflag:$0x1] =	stream.linear.gather [hbm4b:s0+s6], $0x280, $0x38;
	[tilespmem:$0xEE00] =	vst v63  }
0x24: {  	_ =	swait.ge [sflag:s14], $0x280  }
0x25: {  	v1 =	vimm.f32 $0.0e+00;
	v4 =	vimm.f32 $0.0e+00;
	v5 =	vimm.f32 $0.0e+00;
	[sflag:s14] =	ssyncset.done $0x0  }
0x26: {  	v8 =	vimm.f32 $0.0e+00;
	v9 =	vimm.f32 $0.0e+00;
	v10 =	vimm.f32 $0.0e+00;
	s26 =	simm.s32 $0x0;
	[sflag:s14] =	ssyncadd.s32 $0xFFFFFD80  }
.LBB2_5:
0x27: {  	v12 =	vimm.f32 $0.0e+00;
	v16 =	vimm.f32 $0.0e+00;
	v17 =	vimm.f32 $0.0e+00  }
0x28: {  	v15 =	vimm.f32 $0.0e+00;
	v14 =	vimm.f32 $0.0e+00;
	v13 =	vimm.f32 $0.0e+00  }
.LBB2_10:
0x29: {  	s0 =	smul.u32 $0x4F0, s28  }
0x2a: {  	s5 =	rddreg [dreg:$0x7]  }
0x2b: {  	s0 =	sadd.s32 s5, s0  }
0x2c: {  	[hbm4b:s0+s6] =	stream.linear.scatter [tilespmem:s21], [sflag:$0x2], $0x2780, $0x38;
	[tilespmem:$0xEE00] =	vst v63  }
0x2d: {  	_ =	swait.ge [sflag:s22], $0x2780  }
0x2e: {  	(xrf2) =	vadd.scan.msk.f32 $0xffff, v12  }
0x2f: {  	(xrf2) =	vadd.scan.msk.f32 $0xffff, v16  }
0x30: {  	(xrf2) =	vadd.scan.msk.f32 $0xffff, v17  }
0x31: {  	(xrf2) =	vadd.scan.msk.f32 $0xffff, v15  }
0x32: {  	(xrf2) =	vadd.scan.msk.f32 $0xffff, v14  }
0x33: {  	(xrf2) =	vadd.scan.msk.f32 $0xffff, v13;
	_ =	sdelay $0x4  }
0x34: {  	v10 =	vld [tilespmem:$0x1FFE0];
	v0, _, _ =	vpop (xrf2)  }
0x35: {  	v1, _, _ =	vpop (xrf2)  }
0x36: {  	v4, _, _ =	vpop (xrf2)  }
0x37: {  	v7 =	vmov s26;
	v0 =	vbroadcast v0, $0xF;
	v5, _, _ =	vpop (xrf2)  }
0x38: {  	vm0 =	veq.s32 v7, v22;
	v9 =	vld [tilespmem:$0x1FF90];
	v6, _, _ =	vpop (xrf2)  }
0x39: {  	v10 =	vsel vm0, v0, v10;
	v0 =	vld [tilespmem:$0x1FFC0];
	v8, _, _ =	vpop (xrf2)  }
0x3a: {  	v7 =	vbroadcast v8, $0xF;
	v8 =	vld [tilespmem:$0x1FFD0]  }
0x3b: {  	v1 =	vbroadcast v1, $0xF  }
0x3c: {  	v5 =	vbroadcast v5, $0xF  }
0x3d: {  	v4 =	vbroadcast v4, $0xF;
	v9 =	vsel vm0, v1, v9;
	v1 =	vld [tilespmem:$0x1FFA0]  }
0x3e: {  	s26 =	sadd.s32 $0x1, s26;
	v5 =	vsel vm0, v5, v0;
	v0 =	vld [tilespmem:$0x1FFF0]  }
0x3f: {  	p0 =	sne.s32 s26, $0x10;
	v8 =	vsel vm0, v4, v8;
	v4 =	vld [tilespmem:$0x1FFB0]  }
.Ltmp3:
0x40: {  	_ = 	snop;
	(pc) =	sbr.rel @!p0 .LBB2_11-.Ltmp3, $4  }
0x41: {  	_ = 	snop  }
0x42: {  	v6 =	vbroadcast v6, $0xF  }
0x43: {  	[sflag:s22] =	ssyncset.done $0x0;
	v1 =	vsel vm0, v7, v1  }
0x44: {  	[sflag:s22] =	ssyncadd.s32 $0xFFFFD880;
	v4 =	vsel vm0, v6, v4;
	vm0 =	vnez.u8 v0;
	v0 =	vimm.f32 $0.0e+00  }
.LBB2_2:
0x45: {  	s0 =	rddreg [dreg:$0x8]  }
0x46: {  	s28 =	sadd.s32 s0, s26  }
0x47: {  	s0 =	sadd.s32 $0x1, s28  }
0x48: {  	[tilespmem:$0x1FFE0] =	vst v10;
	v10 =	vmov s0  }
0x49: {  	v10 =	vsel vm0, s28, v10;
	_ =	sdelay $0x3  }
0x4a: {  	s31 =	simm.s32 $0x0  }
0x4b: {  	s5 =	simm.s32 $0x0;
	s0 =	simm.s32 $0x40;
	v10 =	vld.idx.msk [tilespmem:v10+s31+$0x0], $0xffff  }
.LBB2_3:
0x4c: {  	p0 =	seq.s32 s0, $0x9DC0;
	[tilespmem:s5+$0xC280] =	vst v0;
	s5 =	smov.u32 s0;
	s0 =	sadd.s32 $0x40, s0  }
.Ltmp4:
0x4d: {  	(pc) =	sbr.rel @!p0 .LBB2_3-.Ltmp4, $2  }
0x4e: {  	_ =	sdelay $0x2  }
0x4f: {  	s5 =	sshra.s32 s5, $0x2  }
0x50: {  	v11 =	vnsel vm0, $0x0, v10  }
0x51: {  	v11 =	vxor.u32 $0x80000000, v11  }
0x52: {  	(xrf0) =	vmax.scan.msk.u32 $0xffff, v11;
	_ =	sdelay $0x4  }
0x53: {  	v63 =	vsel vm0, $0x0, v10  }
0x54: {  	v10 =	vxor.u32 $0x80000000, v63;
	v11, _, _ =	vpop (xrf0)  }
0x55: {  	(xrf0) =	vmax.scan.msk.u32 $0xffff, v10;
	(v2sf) =	vpush v11, $0xF;
	_ =	sdelay $0x5  }
0x56: {  	v10, _, _ =	vpop (xrf0)  }
0x57: {  	(v2sf) =	vpush v10, $0xF;
	_ =	sdelay $0x7  }
0x58: {  	s0 =	spop (v2sf)  }
0x59: {  	[tilespmem:s5+$0xC280] =	vst v0;
	s5 =	sxor.u32 $0x80000000, s0  }
0x5a: {  	p1 =	sgt.s32 s0, $0xFFFFFFFF;
	s0 =	sand.u32 $0x7, s0;
	p0 =	slt.s32 s5, $0x1  }
0x5b: {  	s9 =	sshra.s32 s5, $0x1F;
	p4 =	sne.s32 s0, $0x0;
	p0 =	por p1, p0  }
0x5c: {  	s29 =	sshrl.u32 s9, $0x1D;
	p0 =	por !p4, !p0  }
0x5d: {  	s9 =	simm.s32 $0x1;
	s0 =	sadd.s32 s29, s5;
	p0 =	por !p0, !p0  }
0x5e: {  	s0 =	sshrl.u32 s0, $0x3;
	s9 =	simm.s32 @!p0 $0x0  }
0x5f: {  	s10 =	spop (v2sf);
	s0 =	ssub.s32 s0, s9  }
0x60: {  	s9 =	sxor.u32 $0x80000000, s10;
	s0 =	sshll.u32 s0, $0x3  }
0x61: {  	s10 =	ssub.s32 s9, s0  }
0x62: {  	s10 =	sadd.s32 $0x1FFF, s10  }
0x63: {  	s12 =	sand.u32 $0x1FFF, s10  }
0x64: {  	s31 =	sshra.s32 s10, $0x1F;
	p6 =	slt.s32 s10, $0x1;
	p5 =	sne.s32 s12, $0x0  }
0x65: {  	s12 =	sshrl.u32 s31, $0x13;
	p0 =	por !p6, !p5  }
0x66: {  	s10 =	sadd.s32 s12, s10;
	s12 =	simm.s32 $0x1;
	p0 =	por !p0, !p0  }
0x67: {  	s10 =	sshra.s32 s10, $0xD;
	s12 =	simm.s32 @!p0 $0x0  }
0x68: {  	s30 =	ssub.s32 s10, s12  }
0x69: {  	p0 =	slt.s32 s30, $0x1  }
.Ltmp5:
0x6a: {  	[tilespmem:$0x1FF90] =	vst v9;
	(pc) =	sbr.rel @p0 .LBB2_5-.Ltmp5, $4  }
0x6b: {  	[tilespmem:$0x1FFA0] =	vst v1  }
0x6c: {  	[tilespmem:$0x1FFB0] =	vst v4  }
0x6d: {  	[tilespmem:$0x1FFC0] =	vst v5  }
0x6e: {  	[tilespmem:$0x1FFD0] =	vst v8  }
0x6f: {  	v10 =	vmov s5;
	v11 =	vmov s9  }
0x70: {  	v13 =	vimm.f32 $0.0e+00;
	v14 =	vimm.f32 $0.0e+00;
	v15 =	vimm.f32 $0.0e+00  }
0x71: {  	s31 =	simm.s32 $0x0;
	s29 =	smov.u32 s0;
	v17 =	vimm.f32 $0.0e+00;
	v16 =	vimm.f32 $0.0e+00;
	v12 =	vimm.f32 $0.0e+00  }
.LBB2_7:
0x72: {  	s5 =	sshll.u32 s31, $0xD  }
0x73: {  	s5 =	sadd.s32 s0, s5  }
0x74: {  	p0 =	slt.s32 s5, $0x30B400  }
0x75: {  	s5 =	simm.s32 @!p0 $0x30B400  }
0x76: {  	s5 =	sshrl.u32 s5, $0x3  }
0x77: {  	s9 =	sadd.s32 s1, s5  }
0x78: {  	[tilespmem:s15], [sflag:$0x1] =	stream.linear.gather [hbm4b:s9+s6], $0x2000, $0x38;
	[tilespmem:$0xEE00] =	vst v63  }
0x79: {  	s13 =	sadd.s32 s2, s5  }
0x7a: {  	[tilespmem:s16], [sflag:$0x1] =	stream.linear.gather [hbm4b:s13+s6], $0x2000, $0x38;
	[tilespmem:$0xEE00] =	vst v63  }
0x7b: {  	s23 =	sadd.s32 s7, s5  }
0x7c: {  	[tilespmem:s17], [sflag:$0x1] =	stream.linear.gather [hbm4b:s23+s6], $0x2000, $0x38;
	[tilespmem:$0xEE00] =	vst v63  }
0x7d: {  	s24 =	sadd.s32 s3, s5  }
0x7e: {  	[tilespmem:s18], [sflag:$0x1] =	stream.linear.gather [hbm4b:s24+s6], $0x2000, $0x38;
	[tilespmem:$0xEE00] =	vst v63  }
0x7f: {  	s25 =	sadd.s32 s4, s5  }
0x80: {  	[tilespmem:s19], [sflag:$0x1] =	stream.linear.gather [hbm4b:s25+s6], $0x2000, $0x38;
	[tilespmem:$0xEE00] =	vst v63  }
0x81: {  	s5 =	sadd.s32 s8, s5  }
0x82: {  	[tilespmem:s20], [sflag:$0x1] =	stream.linear.gather [hbm4b:s5+s6], $0x2000, $0x38;
	[tilespmem:$0xEE00] =	vst v63  }
0x83: {  	_ =	swait.ge [sflag:s14], $0x2000  }
0x84: {  	[sflag:s14] =	ssyncset.done $0x0  }
0x85: {  	[sflag:s14] =	ssyncadd.s32 $0xFFFFE000  }
0x86: {  	_ =	swait.ge [sflag:s14], $0x2000  }
0x87: {  	[sflag:s14] =	ssyncset.done $0x0  }
0x88: {  	[sflag:s14] =	ssyncadd.s32 $0xFFFFE000  }
0x89: {  	_ =	swait.ge [sflag:s14], $0x2000  }
0x8a: {  	[sflag:s14] =	ssyncset.done $0x0  }
0x8b: {  	[sflag:s14] =	ssyncadd.s32 $0xFFFFE000  }
0x8c: {  	_ =	swait.ge [sflag:s14], $0x2000  }
0x8d: {  	[sflag:s14] =	ssyncset.done $0x0  }
0x8e: {  	[sflag:s14] =	ssyncadd.s32 $0xFFFFE000  }
0x8f: {  	s12 =	simm.s32 $0x8300;
	_ =	swait.ge [sflag:s14], $0x2000  }
0x90: {  	s10 =	simm.s32 $0x4300;
	p0 =	slt.s32 s29, $0x30B400;
	[sflag:s14] =	ssyncset.done $0x0  }
0x91: {  	s9 =	simm.s32 $0xA300;
	s13 =	simm.s32 $0x6300;
	[sflag:s14] =	ssyncadd.s32 $0xFFFFE000  }
0x92: {  	s23 =	simm.s32 $0xFFFFFFFE;
	s5 =	smov.u32 s29;
	_ =	swait.ge [sflag:s14], $0x2000  }
0x93: {  	s24 =	simm.s32 $0x2300;
	s5 =	simm.s32 @!p0 $0x30B400;
	[sflag:s14] =	ssyncset.done $0x0  }
0x94: {  	s25 =	simm.s32 $0x300;
	s5 =	sadd.s32 $0x80, s5;
	[sflag:s14] =	ssyncadd.s32 $0xFFFFE000  }
.LBB2_8:
0x95: {  	v18 =	vld [tilespmem:s10+$0xFFFFFF80];
	_ =	sdelay $0x1  }
0x96: {  	s11 =	sadd.s32 $0xFFFFFF80, s5  }
0x97: {  	v19 =	vadd.s32 s11, v22  }
0x98: {  	vm0 =	vge.s32 v19, v10;
	vm1 =	vlt.s32 v19, v11;
	v19 =	vld [tilespmem:s25+$0xFFFFFF80]  }
0x99: {  	vm1 =	vmand vm0, vm1;
	vm13 =	vgt.f32 v18, $0.0e+00  }
0x9a: {  	vm6 =	vmand vm1, vm13;
	_ =	sdelay $0x5  }
0x9b: {  	[tilespmem:v19+s21+$0x0] =	vst.idx.msk vm6, v2  }
0x9c: {  	v18 =	vld [tilespmem:s24+$0xFFFFFF80];
	_ =	sdelay $0x7  }
0x9d: {  	[tilespmem:v18+s21+$0x0] =	vst.idx.msk vm6, v2  }
0x9e: {  	v18 =	vld [tilespmem:s10+$0xFFFFFF90];
	_ =	sdelay $0x1  }
0x9f: {  	s11 =	sadd.s32 $0xFFFFFF90, s5  }
0xa0: {  	v19 =	vadd.s32 s11, v22  }
0xa1: {  	v0 =	vimm.s32 $0x0;
	vm14 =	vge.s32 v19, v10;
	vm15 =	vlt.s32 v19, v11;
	v19 =	vld [tilespmem:s25+$0xFFFFFF90]  }
0xa2: {  	v0 =	vsel vm1, $0xFFFFFFFF, v0;
	vm1 =	vmand vm14, vm15;
	vm4 =	vgt.f32 v18, $0.0e+00  }
0xa3: {  	vm9 =	vmand vm1, vm4;
	_ =	sdelay $0x3  }
0xa4: {  	v29 =	vld [tilespmem:s13+$0xFFFFFF80]  }
0xa5: {  	v40 =	vld [tilespmem:s12+$0xFFFFFF80]  }
0xa6: {  	v38 =	vld [tilespmem:s9+$0xFFFFFF80];
	[tilespmem:v19+s21+$0x0] =	vst.idx.msk vm9, v2  }
0xa7: {  	v18 =	vld [tilespmem:s24+$0xFFFFFF90];
	_ =	sdelay $0x7  }
0xa8: {  	[tilespmem:v18+s21+$0x0] =	vst.idx.msk vm9, v2  }
0xa9: {  	v18 =	vld [tilespmem:s10+$0xFFFFFFA0];
	_ =	sdelay $0x1  }
0xaa: {  	s11 =	sadd.s32 $0xFFFFFFA0, s5  }
0xab: {  	v19 =	vadd.s32 s11, v22  }
0xac: {  	[tilespmem:$0x1FEE0] =	vst v0;
	v0 =	vimm.s32 $0x0;
	vm5 =	vge.s32 v19, v10;
	vm7 =	vlt.s32 v19, v11;
	v19 =	vld [tilespmem:s25+$0xFFFFFFA0]  }
0xad: {  	v0 =	vsel vm1, $0xFFFFFFFF, v0;
	vm1 =	vmand vm5, vm7;
	vm8 =	vgt.f32 v18, $0.0e+00  }
0xae: {  	vm11 =	vmand vm1, vm8;
	_ =	sdelay $0x3  }
0xaf: {  	v33 =	vld [tilespmem:s13+$0xFFFFFF90]  }
0xb0: {  	v41 =	vld [tilespmem:s12+$0xFFFFFF90]  }
0xb1: {  	v39 =	vld [tilespmem:s9+$0xFFFFFF90];
	[tilespmem:v19+s21+$0x0] =	vst.idx.msk vm11, v2  }
0xb2: {  	v18 =	vld [tilespmem:s24+$0xFFFFFFA0];
	_ =	sdelay $0x7  }
0xb3: {  	[tilespmem:v18+s21+$0x0] =	vst.idx.msk vm11, v2  }
0xb4: {  	v18 =	vld [tilespmem:s10+$0xFFFFFFB0];
	_ =	sdelay $0x1  }
0xb5: {  	s11 =	sadd.s32 $0xFFFFFFB0, s5  }
0xb6: {  	v19 =	vadd.s32 s11, v22  }
0xb7: {  	[tilespmem:$0x1FEF0] =	vst v0;
	v0 =	vimm.s32 $0x0;
	vm10 =	vge.s32 v19, v10;
	vm12 =	vlt.s32 v19, v11;
	v19 =	vld [tilespmem:s25+$0xFFFFFFB0]  }
0xb8: {  	v0 =	vsel vm1, $0xFFFFFFFF, v0;
	vm1 =	vmand vm10, vm12;
	vm13 =	vgt.f32 v18, $0.0e+00  }
0xb9: {  	vm12 =	vmand vm1, vm13;
	_ =	sdelay $0x3  }
0xba: {  	v43 =	vld [tilespmem:s13+$0xFFFFFFA0]  }
0xbb: {  	v34 =	vld [tilespmem:s12+$0xFFFFFFA0]  }
0xbc: {  	v30 =	vld [tilespmem:s9+$0xFFFFFFA0];
	[tilespmem:v19+s21+$0x0] =	vst.idx.msk vm12, v2  }
0xbd: {  	v18 =	vld [tilespmem:s24+$0xFFFFFFB0];
	_ =	sdelay $0x7  }
0xbe: {  	[tilespmem:v18+s21+$0x0] =	vst.idx.msk vm12, v2  }
0xbf: {  	v18 =	vld [tilespmem:s10+$0xFFFFFFC0];
	_ =	sdelay $0x1  }
0xc0: {  	s11 =	sadd.s32 $0xFFFFFFC0, s5  }
0xc1: {  	v19 =	vadd.s32 s11, v22  }
0xc2: {  	[tilespmem:$0x1FF00] =	vst v0;
	v0 =	vimm.s32 $0x0;
	vm14 =	vge.s32 v19, v10;
	vm15 =	vlt.s32 v19, v11;
	v19 =	vld [tilespmem:s25+$0xFFFFFFC0]  }
0xc3: {  	v0 =	vsel vm1, $0xFFFFFFFF, v0;
	vm1 =	vmand vm14, vm15;
	vm4 =	vgt.f32 v18, $0.0e+00  }
0xc4: {  	vm15 =	vmand vm1, vm4;
	_ =	sdelay $0x3  }
0xc5: {  	v44 =	vld [tilespmem:s13+$0xFFFFFFB0]  }
0xc6: {  	v36 =	vld [tilespmem:s12+$0xFFFFFFB0]  }
0xc7: {  	v31 =	vld [tilespmem:s9+$0xFFFFFFB0];
	[tilespmem:v19+s21+$0x0] =	vst.idx.msk vm15, v2  }
0xc8: {  	v18 =	vld [tilespmem:s24+$0xFFFFFFC0];
	_ =	sdelay $0x7  }
0xc9: {  	[tilespmem:v18+s21+$0x0] =	vst.idx.msk vm15, v2  }
0xca: {  	v18 =	vld [tilespmem:s10+$0xFFFFFFD0];
	_ =	sdelay $0x1  }
0xcb: {  	s11 =	sadd.s32 $0xFFFFFFD0, s5  }
0xcc: {  	[tilespmem:$0x1FF10] =	vst v0;
	v0 =	vimm.s32 $0x0;
	v19 =	vadd.s32 s11, v22  }
0xcd: {  	v0 =	vsel vm1, $0xFFFFFFFF, v0;
	vm5 =	vge.s32 v19, v10;
	vm7 =	vlt.s32 v19, v11;
	v19 =	vld [tilespmem:s25+$0xFFFFFFD0]  }
0xce: {  	[tilespmem:$0x1FF20] =	vst v0;
	v0 =	vimm.s32 $0x0;
	vm1 =	vmand vm5, vm7;
	vm8 =	vgt.f32 v18, $0.0e+00  }
0xcf: {  	v0 =	vsel vm1, $0xFFFFFFFF, v0;
	vm1 =	vmand vm1, vm8;
	_ =	sdelay $0x3  }
0xd0: {  	v45 =	vld [tilespmem:s13+$0xFFFFFFC0]  }
0xd1: {  	v37 =	vld [tilespmem:s12+$0xFFFFFFC0]  }
0xd2: {  	v28 =	vld [tilespmem:s9+$0xFFFFFFC0];
	[tilespmem:v19+s21+$0x0] =	vst.idx.msk vm1, v2  }
0xd3: {  	v18 =	vld [tilespmem:s24+$0xFFFFFFD0];
	_ =	sdelay $0x7  }
0xd4: {  	[tilespmem:v18+s21+$0x0] =	vst.idx.msk vm1, v2  }
0xd5: {  	v18 =	vld [tilespmem:s10+$0xFFFFFFE0];
	_ =	sdelay $0x1  }
0xd6: {  	s11 =	sadd.s32 $0xFFFFFFE0, s5  }
0xd7: {  	v19 =	vadd.s32 s11, v22  }
0xd8: {  	vm10 =	vge.s32 v19, v10;
	vm2 =	vlt.s32 v19, v11;
	v19 =	vld [tilespmem:s25+$0xFFFFFFE0]  }
0xd9: {  	vm8 =	vmand vm10, vm2;
	vm13 =	vgt.f32 v18, $0.0e+00  }
0xda: {  	vm4 =	vmand vm8, vm13;
	_ =	sdelay $0x3  }
0xdb: {  	v46 =	vld [tilespmem:s13+$0xFFFFFFD0]  }
0xdc: {  	v35 =	vld [tilespmem:s12+$0xFFFFFFD0]  }
0xdd: {  	v32 =	vld [tilespmem:s9+$0xFFFFFFD0];
	[tilespmem:v19+s21+$0x0] =	vst.idx.msk vm4, v2  }
0xde: {  	v18 =	vld [tilespmem:s24+$0xFFFFFFE0];
	_ =	sdelay $0x7  }
0xdf: {  	[tilespmem:v18+s21+$0x0] =	vst.idx.msk vm4, v2  }
0xe0: {  	v18 =	vld [tilespmem:s10+$0xFFFFFFF0];
	_ =	sdelay $0x1  }
0xe1: {  	s11 =	sadd.s32 $0xFFFFFFF0, s5  }
0xe2: {  	v19 =	vadd.s32 s11, v22  }
0xe3: {  	vm14 =	vge.s32 v19, v10;
	vm3 =	vlt.s32 v19, v11;
	v19 =	vld [tilespmem:s25+$0xFFFFFFF0]  }
0xe4: {  	vm5 =	vmand vm14, vm3;
	vm7 =	vgt.f32 v18, $0.0e+00  }
0xe5: {  	vm3 =	vmand vm5, vm7;
	_ =	sdelay $0x3  }
0xe6: {  	v47 =	vld [tilespmem:s13+$0xFFFFFFE0]  }
0xe7: {  	v27 =	vld [tilespmem:s12+$0xFFFFFFE0]  }
0xe8: {  	v26 =	vld [tilespmem:s9+$0xFFFFFFE0];
	[tilespmem:v19+s21+$0x0] =	vst.idx.msk vm3, v2  }
0xe9: {  	v18 =	vld [tilespmem:s24+$0xFFFFFFF0];
	_ =	sdelay $0x7  }
0xea: {  	[tilespmem:v18+s21+$0x0] =	vst.idx.msk vm3, v2  }
0xeb: {  	v18 =	vld [tilespmem:s10+$0x0];
	_ =	sdelay $0x2  }
0xec: {  	v19 =	vadd.s32 s5, v22  }
0xed: {  	vm10 =	vge.s32 v19, v10;
	vm7 =	vlt.s32 v19, v11;
	v20 =	vld [tilespmem:s25+$0x0]  }
0xee: {  	vm13 =	vmand vm10, vm7;
	vm14 =	vgt.f32 v18, $0.0e+00  }
0xef: {  	vm2 =	vmand vm13, vm14;
	_ =	sdelay $0x3  }
0xf0: {  	v48 =	vld [tilespmem:s13+$0xFFFFFFF0]  }
0xf1: {  	v25 =	vld [tilespmem:s12+$0xFFFFFFF0]  }
0xf2: {  	v23 =	vld [tilespmem:s9+$0xFFFFFFF0];
	[tilespmem:v20+s21+$0x0] =	vst.idx.msk vm2, v2  }
0xf3: {  	v18 =	vld [tilespmem:s24+$0x0];
	_ =	sdelay $0x7  }
0xf4: {  	[tilespmem:v18+s21+$0x0] =	vst.idx.msk vm2, v2  }
0xf5: {  	v18 =	vld [tilespmem:s10+$0x10];
	_ =	sdelay $0x1  }
0xf6: {  	s11 =	sadd.s32 $0x10, s5  }
0xf7: {  	v19 =	vadd.s32 s11, v22  }
0xf8: {  	[tilespmem:$0x1FF30] =	vst v0;
	v0 =	vimm.s32 $0x0;
	vm0 =	vge.s32 v19, v10;
	vm10 =	vlt.s32 v19, v11;
	v21 =	vld [tilespmem:s25+$0x10]  }
0xf9: {  	v0 =	vsel vm13, $0xFFFFFFFF, v0;
	vm7 =	vmand vm0, vm10;
	vm13 =	vgt.f32 v18, $0.0e+00  }
0xfa: {  	vm14 =	vmand vm7, vm13;
	_ =	sdelay $0x2  }
0xfb: {  	[tilespmem:$0x1FF40] =	vst v0;
	v0 =	vimm.s32 $0x0  }
0xfc: {  	v49 =	vld [tilespmem:s13+$0x0];
	v0 =	vsel vm14, $0xFFFFFFFF, v0  }
0xfd: {  	v20 =	vld [tilespmem:s9+$0x0];
	[tilespmem:$0x1FF50] =	vst v0  }
0xfe: {  	v0 =	vld [tilespmem:s12+$0x0];
	[tilespmem:v21+s21+$0x0] =	vst.idx.msk vm14, v2  }
0xff: {  	v18 =	vld [tilespmem:s24+$0x10];
	_ =	sdelay $0x7  }
0x100: {  	[tilespmem:v18+s21+$0x0] =	vst.idx.msk vm14, v2  }
0x101: {  	v18 =	vld [tilespmem:s10+$0x20];
	_ =	sdelay $0x1  }
0x102: {  	s11 =	sadd.s32 $0x20, s5  }
0x103: {  	v19 =	vadd.s32 s11, v22  }
0x104: {  	vm0 =	vge.s32 v19, v10;
	vm14 =	vlt.s32 v19, v11;
	v42 =	vld [tilespmem:s25+$0x20]  }
0x105: {  	vm13 =	vmand vm0, vm14;
	vm14 =	vgt.f32 v18, $0.0e+00  }
0x106: {  	vm10 =	vmand vm13, vm14;
	_ =	sdelay $0x3  }
0x107: {  	v50 =	vld [tilespmem:s13+$0x10]  }
0x108: {  	v24 =	vld [tilespmem:s12+$0x10]  }
0x109: {  	v21 =	vld [tilespmem:s9+$0x10];
	[tilespmem:v42+s21+$0x0] =	vst.idx.msk vm10, v2  }
0x10a: {  	v18 =	vld [tilespmem:s24+$0x20];
	_ =	sdelay $0x7  }
0x10b: {  	[tilespmem:v18+s21+$0x0] =	vst.idx.msk vm10, v2  }
0x10c: {  	v18 =	vld [tilespmem:s10+$0x30];
	_ =	sdelay $0x1  }
0x10d: {  	s11 =	sadd.s32 $0x30, s5  }
0x10e: {  	[tilespmem:$0x1FF80] =	vst v0;
	v0 =	vimm.s32 $0x0;
	v19 =	vadd.s32 s11, v22  }
0x10f: {  	vm0 =	vge.s32 v19, v10;
	v0 =	vsel vm13, $0xFFFFFFFF, v0;
	vm13 =	vlt.s32 v19, v11;
	v51 =	vld [tilespmem:s25+$0x30]  }
0x110: {  	vm0 =	vmand vm0, vm13;
	vm13 =	vgt.f32 v18, $0.0e+00  }
0x111: {  	vm14 =	vmand vm0, vm13  }
0x112: {  	[tilespmem:$0x1FF60] =	vst v0;
	v0 =	vimm.s32 $0x0  }
0x113: {  	v0 =	vsel vm0, $0xFFFFFFFF, v0  }
0x114: {  	[tilespmem:$0x1FF70] =	vst v0;
	v0 =	vld [tilespmem:$0x1FEE0]  }
0x115: {  	v42 =	vld [tilespmem:s13+$0x20]  }
0x116: {  	v19 =	vld [tilespmem:s12+$0x20]  }
0x117: {  	v18 =	vld [tilespmem:s9+$0x20];
	[tilespmem:v51+s21+$0x0] =	vst.idx.msk vm14, v2  }
0x118: {  	v51 =	vld [tilespmem:s24+$0x30];
	_ =	sdelay $0x2  }
0x119: {  	vm13 =	vnez.u8 v0;
	v0 =	vld [tilespmem:$0x1FEF0];
	_ =	sdelay $0x4  }
0x11a: {  	[tilespmem:v51+s21+$0x0] =	vst.idx.msk vm14, v2;
	v51 =	vsel vm13, $0x3F800000, v3;
	vm13 =	vnez.u8 v0;
	v0 =	vld [tilespmem:$0x1FF00];
	_ =	sdelay $0x3  }
0x11b: {  	v53 =	vsel vm6, $0x3F800000, v3  }
0x11c: {  	v12 =	vadd.f32 v53, v12;
	v56 =	vsel vm9, $0x3F800000, v3;
	vm9 =	vnez.u8 v0;
	v0 =	vld [tilespmem:$0x1FF10];
	_ =	sdelay $0x1  }
0x11d: {  	v12 =	vadd.f32 v56, v12  }
0x11e: {  	v59 =	vsel vm11, $0x3F800000, v3;
	v52 =	vld [tilespmem:s10+$0x40]  }
0x11f: {  	v12 =	vadd.f32 v59, v12;
	vm0 =	vgt.f32 v29, $5.000000000e-01  }
0x120: {  	s11 =	sadd.s32 $0x40, s5;
	v29 =	vsel vm0, $0x3F800000, v3;
	vm0 =	vgt.f32 v33, $5.000000000e-01;
	vm11 =	vnez.u8 v0;
	v0 =	vld [tilespmem:$0x1FF20]  }
0x121: {  	vm6 =	vgt.f32 v43, $5.000000000e-01;
	v43 =	vadd.s32 s11, v22;
	v54 =	vsel vm0, $0x3F800000, v3  }
0x122: {  	vm0 =	vlt.s32 v43, v11;
	v55 =	vsel vm13, $0x3F800000, v3;
	v60 =	vld [tilespmem:s25+$0x40];
	vm13 =	vge.s32 v43, v10  }
0x123: {  	vm13 =	vmand vm13, vm0;
	v58 =	vsel vm9, $0x3F800000, v3;
	vm9 =	vgt.f32 v52, $0.0e+00  }
0x124: {  	v52 =	vsel vm11, $0x3F800000, v3;
	vm11 =	vmand vm13, vm9;
	vm9 =	vgt.f32 v45, $5.000000000e-01  }
0x125: {  	v34 =	vmax.f32 v34, $9.999999930e-09;
	v63 =	vsel vm9, $0x3F800000, v3;
	vm9 =	vnez.u8 v0;
	v0 =	vld [tilespmem:$0x1FF30]  }
0x126: {  	v57 =	vsel vm6, $0x3F800000, v3;
	v62 =	vsel vm12, $0x3F800000, v3;
	vm6 =	vgt.f32 v44, $5.000000000e-01  }
0x127: {  	v61 =	vsel vm6, $0x3F800000, v3;
	v5 =	vsel vm15, $0x3F800000, v3;
	vm12 =	vgt.f32 v46, $5.000000000e-01  }
0x128: {  	v8 =	vsel vm1, $0x3F800000, v3;
	v9 =	vsel vm8, $0x3F800000, v3;
	v6 =	vsel vm12, $0x3F800000, v3;
	v33 =	vld [tilespmem:s12+$0x30]  }
0x129: {  	v46 =	vsel vm4, $0x3F800000, v3;
	vm15 =	vgt.f32 v47, $5.000000000e-01;
	v1 =	vmul.f32 v29, v53;
	v45 =	vld [tilespmem:s13+$0x30]  }
0x12a: {  	v27 =	vmax.f32 v27, $9.999999930e-09;
	vm12 =	vnez.u8 v0;
	v0 =	vmul.f32 v29, v51;
	v29 =	vld [tilespmem:s9+$0x30];
	[tilespmem:v60+s21+$0x0] =	vst.idx.msk vm11, v2  }
0x12b: {  	v47 =	vsel vm15, $0x3F800000, v3;
	v27 =	vmin.f32 v27, $1.000000000e+00;
	v1 =	vadd.f32 v1, v17;
	v17 =	vld [tilespmem:s24+$0x40]  }
0x12c: {  	vm4 =	vgt.f32 v48, $5.000000000e-01;
	v0 =	vadd.f32 v0, v16;
	v16 =	vmax.f32 v40, $9.999999930e-09  }
0x12d: {  	v27 =	vmul.f32 v46, v27;
	v44 =	vsel vm4, $0x3F800000, v3;
	v16 =	vmin.f32 v16, $1.000000000e+00  }
0x12e: {  	vm6 =	vgt.f32 v49, $5.000000000e-01;
	v43 =	vsel vm5, $0x3F800000, v3;
	v16 =	vmul.f32 v53, v16  }
0x12f: {  	v4 =	vsel vm9, $0x3F800000, v3;
	vm9 =	vgt.f32 v50, $5.000000000e-01;
	v50 =	vsel vm7, $0x3F800000, v3  }
0x130: {  	v60 =	vmul.f32 v51, v38;
	v13 =	vadd.f32 v16, v13;
	v16 =	vmax.f32 v41, $9.999999930e-09  }
0x131: {  	v48 =	vsel vm9, $0x3F800000, v3;
	v38 =	vmul.f32 v53, v38;
	v16 =	vmin.f32 v16, $1.000000000e+00  }
0x132: {  	v15 =	vadd.f32 v60, v15;
	v40 =	vmul.f32 v54, v55;
	v16 =	vmul.f32 v56, v16  }
0x133: {  	v7 =	vsel vm12, $0x3F800000, v3;
	v60 =	vmul.f32 v54, v56;
	v54 =	vmul.f32 v56, v39;
	v56 =	vld [tilespmem:$0x1FF40];
	[tilespmem:v17+s21+$0x0] =	vst.idx.msk vm11, v2  }
0x134: {  	v14 =	vadd.f32 v38, v14;
	v53 =	vmul.f32 v55, v39;
	v13 =	vadd.f32 v16, v13;
	v16 =	vld [tilespmem:s10+$0x50]  }
0x135: {  	v0 =	vadd.f32 v40, v0;
	v1 =	vadd.f32 v60, v1;
	v55 =	vmul.f32 v57, v58  }
0x136: {  	s11 =	sadd.s32 $0x50, s5;
	v40 =	vsel vm3, $0x3F800000, v3;
	v14 =	vadd.f32 v54, v14;
	v60 =	vmul.f32 v61, v52  }
0x137: {  	v17 =	vmul.f32 v57, v59;
	v57 =	vmul.f32 v58, v30;
	v58 =	vadd.s32 s11, v22  }
0x138: {  	v61 =	vmul.f32 v61, v62;
	vm12 =	vge.s32 v58, v10;
	vm15 =	vlt.s32 v58, v11;
	v39 =	vld [tilespmem:s25+$0x50]  }
0x139: {  	vm9 =	vmand vm12, vm15;
	vm8 =	vnez.u8 v56;
	vm4 =	vgt.f32 v16, $0.0e+00  }
0x13a: {  	v0 =	vadd.f32 v55, v0;
	v38 =	vsel vm8, $0x3F800000, v3;
	vm8 =	vmand vm9, vm4  }
0x13b: {  	v15 =	vadd.f32 v53, v15;
	v53 =	vmul.f32 v52, v31;
	v55 =	vmul.f32 v62, v31  }
0x13c: {  	v0 =	vadd.f32 v60, v0;
	v60 =	vmul.f32 v63, v5;
	v16 =	vmin.f32 v34, $1.000000000e+00  }
0x13d: {  	v41 =	vsel vm6, $0x3F800000, v3;
	v30 =	vmul.f32 v59, v30;
	v16 =	vmul.f32 v59, v16  }
0x13e: {  	v54 =	vld [tilespmem:s13+$0x40];
	v1 =	vadd.f32 v17, v1;
	v15 =	vadd.f32 v57, v15;
	v59 =	vmax.f32 v36, $9.999999930e-09  }
0x13f: {  	v36 =	vadd.f32 v62, v12;
	v12 =	vld [tilespmem:s12+$0x40];
	v16 =	vadd.f32 v16, v13;
	v13 =	vmin.f32 v59, $1.000000000e+00  }
0x140: {  	vm6 =	vgt.f32 v42, $5.000000000e-01;
	v58 =	vmul.f32 v63, v4;
	v56 =	vmul.f32 v62, v13;
	v13 =	vld [tilespmem:s9+$0x40];
	[tilespmem:v39+s21+$0x0] =	vst.idx.msk vm8, v2  }
0x141: {  	v4 =	vmul.f32 v4, v28;
	v1 =	vadd.f32 v61, v1;
	v15 =	vadd.f32 v53, v15;
	v61 =	vld [tilespmem:s24+$0x50]  }
0x142: {  	v28 =	vmul.f32 v5, v28;
	v14 =	vadd.f32 v30, v14;
	v57 =	vmax.f32 v37, $9.999999930e-09  }
0x143: {  	v0 =	vadd.f32 v58, v0;
	v4 =	vadd.f32 v4, v15;
	v15 =	vmul.f32 v6, v7  }
0x144: {  	v14 =	vadd.f32 v55, v14;
	v1 =	vadd.f32 v60, v1;
	v6 =	vmul.f32 v6, v8  }
0x145: {  	v0 =	vadd.f32 v15, v0;
	v15 =	vmax.f32 v35, $9.999999930e-09;
	v36 =	vadd.f32 v5, v36  }
0x146: {  	s11 =	sadd.s32 $0x60, s5;
	v14 =	vadd.f32 v28, v14;
	v62 =	vmin.f32 v15, $1.000000000e+00;
	v15 =	vmul.f32 v8, v32  }
0x147: {  	v37 =	vadd.s32 s11, v22;
	v1 =	vadd.f32 v6, v1;
	v63 =	vadd.f32 v8, v36  }
0x148: {  	v6 =	vmul.f32 v8, v62;
	v8 =	vadd.f32 v15, v14;
	v14 =	vmul.f32 v47, v9  }
0x149: {  	vm12 =	vge.s32 v37, v10;
	vm15 =	vlt.s32 v37, v11;
	v35 =	vld [tilespmem:$0x1FF50];
	v59 =	vmin.f32 v57, $1.000000000e+00;
	[tilespmem:v61+s21+$0x0] =	vst.idx.msk vm8, v2  }
0x14a: {  	v5 =	vmul.f32 v5, v59;
	v16 =	vadd.f32 v56, v16;
	v0 =	vadd.f32 v14, v0;
	v14 =	vld [tilespmem:s10+$0x60]  }
0x14b: {  	v17 =	vsel vm2, $0x3F800000, v3;
	vm1 =	vmand vm12, vm15;
	v7 =	vmul.f32 v7, v32  }
0x14c: {  	vm4 =	vgt.f32 v45, $5.000000000e-01;
	v15 =	vmul.f32 v47, v46;
	v5 =	vadd.f32 v5, v16  }
0x14d: {  	v4 =	vadd.f32 v7, v4;
	v9 =	vmul.f32 v9, v26;
	v26 =	vmul.f32 v46, v26  }
0x14e: {  	vm5 =	vnez.u8 v35;
	v1 =	vadd.f32 v15, v1;
	v5 =	vadd.f32 v6, v5  }
0x14f: {  	v6 =	vsel vm5, $0x3F800000, v3;
	v39 =	vld [tilespmem:s25+$0x60];
	vm5 =	vgt.f32 v14, $0.0e+00;
	v14 =	vmul.f32 v44, v40  }
0x150: {  	v4 =	vadd.f32 v9, v4;
	v9 =	vmul.f32 v44, v43;
	v8 =	vadd.f32 v26, v8  }
0x151: {  	vm0 =	vmand vm1, vm5;
	v1 =	vadd.f32 v14, v1;
	v14 =	vmul.f32 v40, v23  }
0x152: {  	v52 =	vld [tilespmem:$0x1FF70];
	v45 =	vmul.f32 v43, v23;
	v42 =	vsel vm4, $0x3F800000, v3;
	v59 =	vsel vm1, $0x3F800000, v3  }
0x153: {  	v15 =	vld [tilespmem:$0x1FF60];
	v0 =	vadd.f32 v9, v0;
	v8 =	vadd.f32 v14, v8;
	v14 =	vmul.f32 v41, v38  }
0x154: {  	v36 =	vsel vm10, $0x3F800000, v3;
	v47 =	vmul.f32 v41, v17;
	v7 =	vadd.f32 v46, v63;
	v46 =	vld [tilespmem:s12+$0x50]  }
0x155: {  	v56 =	vmax.f32 v33, $9.999999930e-09;
	v9 =	vmax.f32 v25, $9.999999930e-09;
	v0 =	vadd.f32 v14, v0;
	v14 =	vld [tilespmem:$0x1FF80]  }
0x156: {  	v12 =	vmax.f32 v12, $9.999999930e-09;
	v16 =	vsel vm6, $0x3F800000, v3;
	v9 =	vmin.f32 v9, $1.000000000e+00;
	v51 =	vld [tilespmem:s9+$0x50]  }
0x157: {  	vm6 =	vnez.u8 v52;
	v5 =	vadd.f32 v27, v5;
	v9 =	vmul.f32 v40, v9;
	v23 =	vld [tilespmem:s13+$0x50];
	[tilespmem:v39+s21+$0x0] =	vst.idx.msk vm0, v2  }
0x158: {  	v12 =	vmin.f32 v12, $1.000000000e+00;
	v7 =	vadd.f32 v40, v7;
	v32 =	vsel vm6, $0x3F800000, v3;
	v53 =	vld [tilespmem:s24+$0x60]  }
0x159: {  	v4 =	vadd.f32 v45, v4;
	v5 =	vadd.f32 v9, v5;
	v9 =	vmul.f32 v38, v20  }
0x15a: {  	v7 =	vadd.f32 v17, v7;
	vm7 =	vnez.u8 v15;
	v14 =	vmax.f32 v14, $9.999999930e-09  }
0x15b: {  	v4 =	vadd.f32 v9, v4;
	v9 =	vmin.f32 v14, $1.000000000e+00;
	v14 =	vmul.f32 v17, v20  }
0x15c: {  	v57 =	vmul.f32 v32, v29;
	v7 =	vadd.f32 v6, v7;
	v15 =	vsel vm7, $0x3F800000, v3  }
0x15d: {  	v1 =	vadd.f32 v47, v1;
	v8 =	vadd.f32 v14, v8;
	v14 =	vmul.f32 v48, v6  }
0x15e: {  	vm7 =	vgt.f32 v54, $5.000000000e-01;
	v20 =	vmul.f32 v50, v21;
	v9 =	vmul.f32 v17, v9  }
0x15f: {  	v17 =	vmul.f32 v48, v50;
	v1 =	vadd.f32 v14, v1;
	v14 =	vmul.f32 v6, v21  }
0x160: {  	v4 =	vadd.f32 v20, v4;
	v5 =	vadd.f32 v9, v5;
	v9 =	vmax.f32 v24, $9.999999930e-09;
	[tilespmem:v53+s21+$0x0] =	vst.idx.msk vm0, v2  }
0x161: {  	v9 =	vmin.f32 v9, $1.000000000e+00;
	v54 =	vld [tilespmem:s10+$0x70];
	v8 =	vadd.f32 v14, v8;
	v14 =	vmul.f32 v16, v36  }
0x162: {  	s11 =	sadd.s32 $0x70, s5;
	v0 =	vadd.f32 v17, v0;
	v6 =	vmul.f32 v6, v9;
	v9 =	vmul.f32 v16, v15  }
0x163: {  	v21 =	vadd.s32 s11, v22;
	v1 =	vadd.f32 v14, v1;
	v14 =	vmul.f32 v15, v18  }
0x164: {  	vm12 =	vlt.s32 v21, v11;
	v0 =	vadd.f32 v9, v0;
	v9 =	vsel vm11, $0x3F800000, v3  }
0x165: {  	vm11 =	vge.s32 v21, v10;
	v4 =	vadd.f32 v14, v4;
	v14 =	vmax.f32 v19, $9.999999930e-09;
	v19 =	vld [tilespmem:s25+$0x70]  }
0x166: {  	v16 =	vsel vm13, $0x3F800000, v3;
	vm2 =	vmand vm11, vm12;
	vm13 =	vgt.f32 v54, $0.0e+00  }
0x167: {  	v7 =	vadd.f32 v36, v7;
	vm10 =	vgt.f32 v23, $5.000000000e-01;
	vm3 =	vmand vm2, vm13  }
0x168: {  	v17 =	vsel vm14, $0x3F800000, v3;
	v55 =	vmin.f32 v14, $1.000000000e+00;
	v14 =	vmul.f32 v36, v18;
	v18 =	vld [tilespmem:s13+$0x60]  }
0x169: {  	v23 =	vsel vm9, $0x3F800000, v3;
	v20 =	vsel vm7, $0x3F800000, v3;
	v7 =	vadd.f32 v17, v7  }
0x16a: {  	v5 =	vadd.f32 v6, v5;
	v21 =	vmul.f32 v42, v17;
	v6 =	vmul.f32 v36, v55  }
0x16b: {  	v15 =	vsel vm10, $0x3F800000, v3;
	v8 =	vadd.f32 v14, v8;
	v14 =	vmul.f32 v42, v32  }
0x16c: {  	v1 =	vadd.f32 v21, v1;
	v21 =	vld [tilespmem:s12+$0x60];
	v5 =	vadd.f32 v6, v5;
	v6 =	vmin.f32 v56, $1.000000000e+00  }
0x16d: {  	v0 =	vadd.f32 v14, v0;
	v14 =	vmul.f32 v17, v29;
	vm14 =	vgt.f32 v18, $5.000000000e-01;
	v18 =	vld [tilespmem:s9+$0x60];
	[tilespmem:v19+s21+$0x0] =	vst.idx.msk vm3, v2  }
0x16e: {  	v7 =	vadd.f32 v9, v7;
	v4 =	vadd.f32 v57, v4;
	v6 =	vmul.f32 v17, v6;
	v60 =	vld [tilespmem:s24+$0x70]  }
0x16f: {  	v17 =	vsel vm8, $0x3F800000, v3;
	v8 =	vadd.f32 v14, v8;
	v14 =	vmul.f32 v16, v13  }
0x170: {  	v7 =	vadd.f32 v17, v7;
	v13 =	vmul.f32 v9, v13;
	v19 =	vmul.f32 v20, v16  }
0x171: {  	v5 =	vadd.f32 v6, v5;
	v20 =	vmul.f32 v20, v9;
	v9 =	vmul.f32 v9, v12  }
0x172: {  	v12 =	vmul.f32 v15, v23;
	v4 =	vadd.f32 v14, v4;
	v8 =	vadd.f32 v13, v8  }
0x173: {  	v0 =	vadd.f32 v19, v0;
	v5 =	vadd.f32 v9, v5;
	v9 =	vmax.f32 v46, $9.999999930e-09  }
0x174: {  	v13 =	vmul.f32 v15, v17;
	v1 =	vadd.f32 v20, v1;
	v9 =	vmin.f32 v9, $1.000000000e+00  }
0x175: {  	v0 =	vadd.f32 v12, v0;
	v12 =	vmul.f32 v23, v51;
	v9 =	vmul.f32 v17, v9  }
0x176: {  	v58 =	vsel vm14, $0x3F800000, v3;
	v1 =	vadd.f32 v13, v1;
	v13 =	vmul.f32 v17, v51;
	[tilespmem:v60+s21+$0x0] =	vst.idx.msk vm3, v2  }
0x177: {  	v61 =	vmul.f32 v58, v59;
	v4 =	vadd.f32 v12, v4;
	v5 =	vadd.f32 v9, v5;
	v9 =	vld [tilespmem:s13+$0x70]  }
0x178: {  	v8 =	vadd.f32 v13, v8;
	v12 =	vmax.f32 v21, $9.999999930e-09;
	v13 =	vsel vm0, $0x3F800000, v3  }
0x179: {  	v15 =	vmul.f32 v59, v18;
	v12 =	vmin.f32 v12, $1.000000000e+00;
	v14 =	vmul.f32 v58, v13;
	v62 =	vld [tilespmem:s12+$0x70]  }
0x17a: {  	v7 =	vadd.f32 v13, v7;
	v16 =	vmul.f32 v13, v18;
	v12 =	vmul.f32 v13, v12;
	v13 =	vld [tilespmem:s9+$0x70]  }
0x17b: {  	v0 =	vadd.f32 v61, v0;
	v4 =	vadd.f32 v15, v4;
	v15 =	vsel vm3, $0x3F800000, v3  }
0x17c: {  	s23 =	sadd.s32 $0x2, s23;
	v1 =	vadd.f32 v14, v1;
	v8 =	vadd.f32 v16, v8;
	vm15 =	vgt.f32 v9, $5.000000000e-01  }
0x17d: {  	p0 =	slt.u32 s23, $0x3E;
	v14 =	vsel vm2, $0x3F800000, v3;
	v5 =	vadd.f32 v12, v5;
	v9 =	vsel vm15, $0x3F800000, v3  }
.Ltmp6:
0x17e: {  	v12 =	vadd.f32 v15, v7;
	v6 =	vmax.f32 v62, $9.999999930e-09;
	v16 =	vmul.f32 v9, v14;
	(pc) =	sbr.rel @p0 .LBB2_8-.Ltmp6, $4  }
0x17f: {  	v6 =	vmin.f32 v6, $1.000000000e+00;
	v63 =	vmul.f32 v9, v15;
	v9 =	vmul.f32 v14, v13  }
0x180: {  	s5 =	sadd.s32 $0x100, s5;
	v6 =	vmul.f32 v15, v6;
	v16 =	vadd.f32 v16, v0;
	v0 =	vmul.f32 v15, v13  }
0x181: {  	s10 =	sadd.s32 $0x100, s10;
	s25 =	sadd.s32 $0x100, s25;
	s24 =	sadd.s32 $0x100, s24;
	v17 =	vadd.f32 v63, v1;
	v15 =	vadd.f32 v9, v4  }
0x182: {  	s9 =	sadd.s32 $0x100, s9;
	s12 =	sadd.s32 $0x100, s12;
	s13 =	sadd.s32 $0x100, s13;
	v13 =	vadd.f32 v6, v5;
	v14 =	vadd.f32 v0, v8  }
0x183: {  	s31 =	sadd.s32 $0x1, s31  }
0x184: {  	p0 =	sne.s32 s31, s30  }
.Ltmp7:
0x185: {  	_ = 	snop;
	(pc) =	sbr.rel @p0 .LBB2_7-.Ltmp7, $4  }
.Ltmp8:
0x186: {  	_ = 	snop;
	(pc) =	sbr.rel @!p0 .LBB2_10-.Ltmp8, $4  }
0x187: {  	_ = 	snop  }
0x188: {  	_ = 	snop  }
0x189: {  	s29 =	sadd.s32 $0x2000, s29  }
0x18a: {  	_ = 	snop  }
.LBB2_12:
0x18b: {  	_ =	sfence.sel $0x180000  }
0x18c: {  	[bflag:$0x0] =	sbarrier.arrive $0xFFFF  }
0x18d: {  	_ =	strace $0x90000047  }
0x18e: {  	s0 =	stileid.u32;
	[bflag:$0x2] =	sbarrier.arrive $0xFFFF  }
0x18f: {  	p0 =	sne.s32 s0, $0x0;
	s0 =	rddreg [dreg:$0x5]  }
0x190: {  	s0 =	sadd.s32 @!p0 $0x100000, s0  }
0x191: {  	[sflag:s0] =	ssyncadd.tile.s32 @!p0 $0x1;
	_ =	shalt  }
.Lfunc_end2:
_tile_overlayer_lowered:
.L_overlay_start_2:
0x192: {  	(tag) =	ssettag $0x2  }
0x193: {  	s0 =	rddreg [dreg:$0x0];
	s2 =	stileid.u32  }
0x194: {  	s1 =	rddreg [dreg:$0x1];
	p0 =	sne.s32 s2, $0x0  }
0x195: {  	s3 =	rddreg [dreg:$0x2];
	[bflag:$0x3] =	sbarrier.arrive $0xFFFF;
	s2 =	simm.s32 @!p0 $0x1C04  }
0x196: {  	[timem:s3], [sflag:s2] =	dma.local @!p0 [hbm:s0], s1  }
0x197: {  	s0 =	simm.s32 @!p0 $0x4  }
0x198: {  	_ =	swait.ge @!p0 [sflag:s0], s1  }
0x199: {  	s1 =	ssub.s32 @!p0 $0x0, s1;
	[sflag:s0] =	ssyncset.done @!p0 $0x0  }
0x19a: {  	[sflag:s0] =	ssyncadd.s32 @!p0 s1  }
0x19b: {  	[bflag:$0x3] =	sbarrier.arrive $0xFFFF  }
0x19c: {  	_ =	shalt  }

// kernel: kernel.9.cloned.1.call-start
scs
__scs_entry_jumppad:
0x0: {  	(pc) =	sbr.rel $0x88, $3  }
0x1: {  	(tag) =	ssettag $0x0;
	lr =	simm.s32 $0x1  }
0x2: {  	[smem:$0x3F95] =	sst lr;
	_ =	strace $0xD0000000  }
0x3: {  	_ = 	snop  }
0x4: {  	_ = 	snop  }
0x5: {  	_ = 	snop  }
0x6: {  	_ = 	snop  }
0x7: {  	_ = 	snop  }
__scs_overlays_trampoline_lowered:
0x8: {  	[smem:$0x3FA4] =	sst s0  }
0x9: {  	[smem:$0x3FA5] =	sst s1  }
0xa: {  	[smem:$0x3FA6] =	sst s2  }
0xb: {  	[smem:$0x3FA7] =	sst s3  }
0xc: {  	[smem:$0x3FA8] =	sst s4  }
0xd: {  	[smem:$0x3FA9] =	sst s5  }
0xe: {  	[smem:$0x3FAA] =	sst s6  }
0xf: {  	[smem:$0x3FAB] =	sst s7  }
0x10: {  	[smem:$0x3FAC] =	sst s8  }
0x11: {  	[smem:$0x3FAD] =	sst s9;
	s0 =	simm.s32 @!p0 $0x0  }
0x12: {  	s1 =	sld [smem:$0x3F93];
	s0 =	simm.s32 @p0 $0x1  }
0x13: {  	[smem:$0x3FAE] =	sst s0;
	s0 =	simm.s32 @!p1 $0x0  }
0x14: {  	s2 =	sld [smem:$0x3F92];
	s0 =	simm.s32 @p1 $0x1  }
0x15: {  	[smem:$0x3FAF] =	sst s0;
	s0 =	simm.s32 @!p2 $0x0  }
0x16: {  	s3 =	sld [smem:$0x3FDB];
	s0 =	simm.s32 @p2 $0x1  }
0x17: {  	s4 =	simm.s32 $0x1BF5;
	[smem:$0x3FB1] =	sst s0  }
0x18: {  	s0 =	sld [smem:$0x3F94];
	_ =	swait.ge [sflag:s4], $0x0  }
0x19: {  	s7 =	sld [smem:$0x3F95]  }
0x1a: {  	s8 =	sadd.s32 $0xFFFFE003, lr  }
0x1b: {  	s9 =	sadd.s32 $0xFFFFFEF7, lr;
	s5 =	simm.s32 $0xFFFFFFFF;
	p2 =	slt.u32 s8, $0xFFFFF086  }
0x1c: {  	p1 =	slt.u32 s9, $0xF7A;
	s5 =	simm.s32 @!p2 $0x0  }
0x1d: {  	s5 =	simm.s32 @p1 $0x1;
	p0 =	seq.s32 s7, s2  }
0x1e: {  	s7 =	smul.u32 @!p0 $0xF7A, s2;
	p2 =	seq.s32 @!p0 s5, $0x0  }
0x1f: {  	s9 =	smul.u32 $0xF7A, s1;
	s8 =	simm.s32 @!p0 $0x1BF5;
	p2 =	por !p2, p0  }
0x20: {  	[sflag:s8] =	ssyncset.s32 @!p0 $0xFFFFF086;
	s6 =	sadd.s32 @!p0 s3, s7;
	s7 =	simm.s32 @!p0 $0x108  }
0x21: {  	s3 =	sadd.s32 s3, s9;
	s6 =	sadd.s32 @!p0 $0x88, s6;
	s7 =	simm.s32 @p2 $0x1082  }
0x22: {  	[simem:s7], [sflag:s8] =	dma.local @!p0 [hbm:s6], $0xF7A  }
0x23: {  	s9 =	sor.u32 $0xD0000000, s2;
	s6 =	simm.s32 $0x108;
	_ =	swait.ge @!p0 [sflag:s8], $0x0  }
0x24: {  	s3 =	sadd.s32 $0x88, s3;
	s6 =	simm.s32 @!p1 $0x1082;
	[sflag:s4] =	ssyncset.s32 $0xFFFFF086  }
0x25: {  	[simem:s6], [sflag:s4] =	dma.local [hbm:s3], $0xF7A  }
0x26: {  	[smem:$0x3F95] =	sst s1;
	(tag) =	ssettag s2;
	_ =	strace s9  }
0x27: {  	s1 =	sld [smem:$0x3FA5]  }
0x28: {  	s2 =	sld [smem:$0x3FA6]  }
0x29: {  	s4 =	sld [smem:$0x3FA8]  }
0x2a: {  	p0 =	seq.s32 s5, $0x0;
	s5 =	sld [smem:$0x3FA9]  }
0x2b: {  	s6 =	sld [smem:$0x3FAA]  }
0x2c: {  	s7 =	sld [smem:$0x3FAB]  }
0x2d: {  	s3 =	simm.s32 $0x108;
	s8 =	sld [smem:$0x3FAC]  }
0x2e: {  	s3 =	simm.s32 @!p0 $0x1082;
	s9 =	sld [smem:$0x3FAD]  }
0x2f: {  	lr =	sadd.s32 s0, s3;
	s0 =	sld [smem:$0x3FA4]  }
0x30: {  	s3 =	sld [smem:$0x3FA7]  }
0x31: {  	[smem:$0x3FB0] =	sst s10  }
0x32: {  	s10 =	sld [smem:$0x3FAE];
	_ =	sdelay $0x3  }
0x33: {  	p0 =	seq.s32 s10, $0x1;
	s10 =	sld [smem:$0x3FB0];
	_ =	sdelay $0x3  }
0x34: {  	[smem:$0x3FB0] =	sst s10  }
0x35: {  	s10 =	sld [smem:$0x3FAF];
	_ =	sdelay $0x3  }
0x36: {  	p1 =	seq.s32 s10, $0x1;
	s10 =	sld [smem:$0x3FB0];
	_ =	sdelay $0x3  }
0x37: {  	[smem:$0x3FB0] =	sst s10  }
0x38: {  	s10 =	sld [smem:$0x3FB1]  }
0x39: {  	_ = 	snop;
	(pc) =	sbr.ind lr, $3  }
0x3a: {  	_ = 	snop  }
0x3b: {  	_ = 	snop  }
0x3c: {  	p2 =	seq.s32 s10, $0x1;
	s10 =	sld [smem:$0x3FB0]  }
0x3d: {  	_ =	shalt  }
0x3e: {  	_ =	shalt  }
0x3f: {  	_ =	shalt  }
0x40: {  	_ =	shalt  }
0x41: {  	_ =	shalt  }
0x42: {  	_ =	shalt  }
0x43: {  	_ =	shalt  }
0x44: {  	_ =	shalt  }
0x45: {  	_ =	shalt  }
0x46: {  	_ =	shalt  }
0x47: {  	_ =	shalt  }
0x48: {  	_ =	shalt  }
0x49: {  	_ =	shalt  }
0x4a: {  	_ =	shalt  }
0x4b: {  	_ =	shalt  }
0x4c: {  	_ =	shalt  }
0x4d: {  	_ =	shalt  }
0x4e: {  	_ =	shalt  }
0x4f: {  	_ =	shalt  }
0x50: {  	_ =	shalt  }
0x51: {  	_ =	shalt  }
0x52: {  	_ =	shalt  }
0x53: {  	_ =	shalt  }
0x54: {  	_ =	shalt  }
0x55: {  	_ =	shalt  }
0x56: {  	_ =	shalt  }
0x57: {  	_ =	shalt  }
0x58: {  	_ =	shalt  }
0x59: {  	_ =	shalt  }
0x5a: {  	_ =	shalt  }
0x5b: {  	_ =	shalt  }
0x5c: {  	_ =	shalt  }
0x5d: {  	_ =	shalt  }
0x5e: {  	_ =	shalt  }
0x5f: {  	_ =	shalt  }
0x60: {  	_ =	shalt  }
0x61: {  	_ =	shalt  }
0x62: {  	_ =	shalt  }
0x63: {  	_ =	shalt  }
0x64: {  	_ =	shalt  }
0x65: {  	_ =	shalt  }
0x66: {  	_ =	shalt  }
0x67: {  	_ =	shalt  }
0x68: {  	_ =	shalt  }
0x69: {  	_ =	shalt  }
0x6a: {  	_ =	shalt  }
0x6b: {  	_ =	shalt  }
0x6c: {  	_ =	shalt  }
0x6d: {  	_ =	shalt  }
0x6e: {  	_ =	shalt  }
0x6f: {  	_ =	shalt  }
0x70: {  	_ =	shalt  }
0x71: {  	_ =	shalt  }
0x72: {  	_ =	shalt  }
0x73: {  	_ =	shalt  }
0x74: {  	_ =	shalt  }
0x75: {  	_ =	shalt  }
0x76: {  	_ =	shalt  }
0x77: {  	_ =	shalt  }
0x78: {  	_ =	shalt  }
0x79: {  	_ =	shalt  }
0x7a: {  	_ =	shalt  }
0x7b: {  	_ =	shalt  }
0x7c: {  	_ =	shalt  }
0x7d: {  	_ =	shalt  }
0x7e: {  	_ =	shalt  }
0x7f: {  	_ =	shalt  }
0x80: {  	_ =	shalt  }
0x81: {  	_ =	shalt  }
0x82: {  	_ =	shalt  }
0x83: {  	_ =	shalt  }
0x84: {  	_ =	shalt  }
0x85: {  	_ =	shalt  }
0x86: {  	_ =	shalt  }
0x87: {  	_ =	shalt  }
.Lfunc_end0:
.L_simem_size_0:
called_computation.1_lowered:
.L_overlay_start_0:
0x88: {  	s2 =	sld [smem:$0x3FD9]  }
0x89: {  	s3 =	sld [smem:$0x3FFE];
	_ =	sdelay $0x1  }
0x8a: {  	s1 =	srdreg.scid  }
0x8b: {  	s0 =	sand.u32 $0x1, s1  }
0x8c: {  	s16 =	sshll.u32 s0, $0xA;
	s2 =	sadd.s32 s3, s2  }
0x8d: {  	s2 =	sadd.s32 s2, s16  }
0x8e: {  	[smem:$0x3FBC] =	sst s2  }
0x8f: {  	_ = 	snop  }
0x90: {  	(tm) =	ssettm $0x1  }
0x91: {  	s17 =	sld [smem:$0x3FFB];
	_ =	sdelay $0x3  }
0x92: {  	_ =	strace s17  }
0x93: {  	s2 =	sld [smem:$0x3FFC];
	_ =	sdelay $0x3  }
0x94: {  	_ =	strace s2  }
0x95: {  	s2 =	sld [smem:$0x3FFD];
	_ =	sdelay $0x3  }
0x96: {  	_ =	strace s2  }
0x97: {  	_ =	strace $0x8FFFFFFF  }
0x98: {  	s18 =	sld [smem:$0x3FDB];
	_ =	sdelay $0x1  }
0x99: {  	s19 =	simm.s32 $_scs_section_size  }
0x9a: {  	s4 =	simm.s32 $_size__tile_overlayer_lowered;
	s5 =	simm.s32 $_tile_overlayer_lowered  }
0x9b: {  	s22 =	simm.s32 $0x1BFF;
	s21 =	sshll.u32 s5, $0x1;
	s2 =	sadd.s32 s19, s18  }
0x9c: {  	s6 =	simm.s32 $0x0;
	s20 =	sshll.u32 s4, $0x1;
	s4 =	sadd.s32 s21, s2  }
0x9d: {  	[timem:s6], [sflag:s22] =	dma.local [hbm:s4], s20  }
0x9e: {  	_ =	swait.ge [sflag:s22], s20  }
0x9f: {  	s3 =	ssub.s32 $0x0, s20;
	[sflag:s22] =	ssyncset.done $0x0  }
0xa0: {  	[sflag:s22] =	ssyncadd.s32 s3;
	_ =	sdelay $0x1  }
0xa1: {  	s23 =	simm.s32 $0x1B8B  }
0xa2: {  	_ =	swait.ge [sflag:s23], $0x1  }
0xa3: {  	[sflag:s23] =	ssyncset.done $0x0  }
0xa4: {  	s25 =	simm.s32 $0x1B8E;
	s24 =	sld [smem:$0x3FFE];
	[sflag:s23] =	ssyncadd.s32 $0xFFFFFFFF  }
0xa5: {  	s26 =	simm.s32 $execute0_lowered;
	[smem:$0x3FD2] =	sst s25  }
0xa6: {  	s4 =	sshll.u32 s26, $0x1;
	_ =	strace $0x80000049;
	[dreg:$0x1] =	wrdreg $0xFFFFFFFF  }
0xa7: {  	s28 =	simm.s32 $_size_execute0_lowered;
	s2 =	sadd.s32 s2, s4;
	[dreg:$0x0] =	wrdreg $0x0  }
0xa8: {  	s4 =	sshll.u32 s28, $0x1;
	[dreg:$0x2] =	wrdreg s2  }
0xa9: {  	[dreg:$0x3] =	wrdreg s4  }
0xaa: {  	[dreg:$0x4] =	wrdreg $0xC0  }
0xab: {  	_ =	task [dreg:s6], $0x5FFFF  }
0xac: {  	[dreg:$0x1] =	wrdreg $0xFFFFFFFF  }
0xad: {  	[dreg:$0x0] =	wrdreg $0x60  }
0xae: {  	[dreg:$0x2] =	wrdreg s24  }
0xaf: {  	[dreg:$0x3] =	wrdreg $0x9  }
0xb0: {  	_ =	task.clear_ibuf [dreg:s6], $0x4FFFF;
	_ =	strace $0x90000049  }
0xb1: {  	s29 =	simm.s32 $0x9;
	_ =	strace $0x8000004B  }
0xb2: {  	_ =	swait.ge [sflag:s29], $0x1  }
0xb3: {  	[sflag:s29] =	ssyncadd.s32 $0xFFFFFFFF  }
0xb4: {  	_ =	strace $0x9000004B  }
0xb5: {  	_ =	sfence  }
0xb6: {  	s30 =	sld [smem:$0x0];
	_ =	sdelay $0x2  }
0xb7: {  	s31 =	sshll.u32 s1, $0xD;
	s1 =	sshrl.u32 s1, $0x2  }
0xb8: {  	s3 =	sand.u32 $0x4000, s31;
	s1 =	sadd.s32 s1, s30  }
0xb9: {  	s0 =	sor.u32 s3, s0;
	s1 =	sshll.u32 s1, $0x11  }
0xba: {  	s0 =	sor.u32 s1, s0  }
0xbb: {  	s0 =	sadd.s32 $0x8F2B, s0  }
0xbc: {  	[sflag:s0] =	ssyncadd.remote.s32 $0x1  }
0xbd: {  	_ =	sfence.sel $0xFFFF  }
0xbe: {  	[dreg:$0x0] =	wrdreg $0xFFFFFFFF;
	(pc) =	sbr.abs _section_cstart, $3  }
0xbf: {  	[dreg:$0x1] =	wrdreg $0xFFFFFFFF  }
0xc0: {  	_ =	task.clear_ibuf [dreg:s6], $0x2FFFF;
	_ =	strace $0x9FFFFFFF  }
0xc1: {  	(tm) =	ssettm $0x7FFFFFFF  }
tec
execute0_lowered:
.L_overlay_start_1:
0x0: {  	(tag) =	ssettag $0x1  }
0x1: {  	s1 =	srdreg.scid  }
0x2: {  	s0 =	stileid.u32;
	s5 =	rddreg [dreg:$0x0];
	s6 =	sand.u32 $0x1, s1  }
0x3: {  	s2 =	simm.s32 $0x0;
	s3 =	sshll.u32 s0, $0x4;
	s4 =	sshll.u32 s6, $0x3  }
0x4: {  	[smem:$0x7FF] =	sst s2;
	s3 =	sor.u32 s4, s3  }
0x5: {  	s1 =	rddreg [dreg:$0x1];
	_ =	strace $0x8000004A;
	s8 =	sadd.s32 s3, s5  }
0x6: {  	s9 =	ssub.s32 $0x2, s6;
	s3 =	simm.s32 $0x1;
	s4 =	sadd.s32 $0x164A00, s8  }
0x7: {  	[tilespmem:s2], [sflag:$0x1] =	stream.linear.gather [hbm4b:s4+s2], $0x40, $0x38;
	[tilespmem:$0x100] =	vst v63  }
0x8: {  	s7 =	simm.s32 $0x80;
	s10 =	sshrl.u32 s9, $0x1;
	_ =	swait.ge [sflag:s3], $0x40  }
0x9: {  	s6 =	simm.s32 $0x40;
	s9 =	ssub.s32 s9, s10;
	[sflag:s3] =	ssyncset.done $0x0  }
0xa: {  	s5 =	sadd.s32 $0xC6A00, s5;
	s9 =	smax.u32 s9, $0x1;
	[sflag:s3] =	ssyncadd.s32 $0xFFFFFFC0  }
0xb: {  	[tilespmem:s7], [sflag:$0x1] =	stream.indirect.gather [hbm4b:s5+s6], $0x1, s2, s6, $0xb8;
	[tilespmem:$0x100] =	vst v63  }
0xc: {  	p0 =	sne.s32 s9, $0x1;
	_ =	swait.ge [sflag:s3], $0x40  }
.Ltmp0:
0xd: {  	[sflag:s3] =	ssyncset.done $0x0;
	(pc) =	sbr.rel @!p0 .LBB2_2-.Ltmp0, $4  }
0xe: {  	s8 =	sadd.s32 $0x2000, s8;
	[sflag:s3] =	ssyncadd.s32 $0xFFFFFFC0  }
0xf: {  	[hbm4b:s8+s2] =	stream.linear.scatter [tilespmem:s7], [sflag:$0x1], $0x40, $0x38;
	[tilespmem:$0x100] =	vst v63  }
0x10: {  	_ =	swait.ge [sflag:s3], $0x40  }
0x11: {  	s9 =	sadd.s32 $0xFFFFFFFF, s9;
	[sflag:s3] =	ssyncset.done $0x0  }
.LBB2_1:
0x12: {  	p0 =	sne.s32 s9, $0x1;
	s9 =	sadd.s32 $0xFFFFFFFF, s9;
	[sflag:s3] =	ssyncadd.s32 $0xFFFFFFC0  }
0x13: {  	[tilespmem:s2], [sflag:$0x1] =	stream.linear.gather [hbm4b:s4+s2], $0x40, $0x38;
	[tilespmem:$0x100] =	vst v63  }
0x14: {  	_ =	swait.ge [sflag:s3], $0x40  }
0x15: {  	[sflag:s3] =	ssyncset.done $0x0  }
0x16: {  	[sflag:s3] =	ssyncadd.s32 $0xFFFFFFC0  }
0x17: {  	[tilespmem:s7], [sflag:$0x1] =	stream.indirect.gather [hbm4b:s5+s6], $0x1, s2, s6, $0xb8;
	[tilespmem:$0x100] =	vst v63  }
0x18: {  	_ =	swait.ge [sflag:s3], $0x40  }
.Ltmp1:
0x19: {  	[sflag:s3] =	ssyncset.done $0x0;
	(pc) =	sbr.rel @p0 .LBB2_1-.Ltmp1, $4  }
0x1a: {  	[sflag:s3] =	ssyncadd.s32 $0xFFFFFFC0  }
0x1b: {  	[hbm4b:s8+s2] =	stream.linear.scatter [tilespmem:s7], [sflag:$0x1], $0x40, $0x38;
	[tilespmem:$0x100] =	vst v63  }
0x1c: {  	_ =	swait.ge [sflag:s3], $0x40  }
0x1d: {  	[sflag:s3] =	ssyncset.done $0x0  }
.LBB2_2:
0x1e: {  	[sflag:s3] =	ssyncadd.s32 $0xFFFFFFC0  }
0x1f: {  	_ =	sfence.sel $0x180000  }
0x20: {  	[bflag:$0x0] =	sbarrier.arrive $0xFFFF  }
0x21: {  	p0 =	sne.s32 s0, $0x0;
	_ =	strace $0x9000004A  }
0x22: {  	s0 =	sadd.s32 @!p0 $0x100000, s1;
	[bflag:$0x2] =	sbarrier.arrive $0xFFFF  }
0x23: {  	[sflag:s0] =	ssyncadd.tile.s32 @!p0 $0x1;
	_ =	shalt  }
.Lfunc_end2:
_tile_overlayer_lowered:
.L_overlay_start_2:
0x24: {  	(tag) =	ssettag $0x2  }
0x25: {  	s0 =	rddreg [dreg:$0x0];
	s2 =	stileid.u32  }
0x26: {  	s1 =	rddreg [dreg:$0x1];
	p0 =	sne.s32 s2, $0x0  }
0x27: {  	s3 =	rddreg [dreg:$0x2];
	[bflag:$0x3] =	sbarrier.arrive $0xFFFF;
	s2 =	simm.s32 @!p0 $0x1C02  }
0x28: {  	[timem:s3], [sflag:s2] =	dma.local @!p0 [hbm:s0], s1  }
0x29: {  	s0 =	simm.s32 @!p0 $0x2  }
0x2a: {  	_ =	swait.ge @!p0 [sflag:s0], s1  }
0x2b: {  	s1 =	ssub.s32 @!p0 $0x0, s1;
	[sflag:s0] =	ssyncset.done @!p0 $0x0  }
0x2c: {  	[sflag:s0] =	ssyncadd.s32 @!p0 s1  }
0x2d: {  	[bflag:$0x3] =	sbarrier.arrive $0xFFFF  }
0x2e: {  	_ =	shalt  }

</sc_bundles>
